<compile_context>
chip_gen: v7x
topology: tpu7x:2x2x1
jax: 0.10.2.dev20260603
libtpu: 0.0.44.dev20260713+nightly
codegen_flags: <defaults>
</compile_context>

<pallas_src>
import functools

import jax
import jax.numpy as jnp
from jax import lax
from jax.experimental import pallas as pl
from jax.experimental.pallas import tpu as pltpu
from jax.experimental.pallas import tpu_sc as plsc

N = 10000
D = 128
E = 320000

NC = 2
NS = 16
NW = NC * NS
K = 128
FULL_CHUNKS = E // K
CHUNKS = 80
NP = 10240
ROWS_PER_TILE = NP // NS
DUMMY = N
ZR = 8


def _sc_scatter(ei, a0, a1, wvec, x):
    mesh = plsc.VectorSubcoreMesh(
        core_axis_name="c", subcore_axis_name="s", num_cores=NC, num_subcores=NS
    )

    @functools.partial(
        pl.kernel,
        out_type=jax.ShapeDtypeStruct((NC * NP, D), jnp.float32),
        mesh=mesh,
        scratch_types=[
            pltpu.VMEM((K,), jnp.int32),
            pltpu.VMEM((K,), jnp.int32),
            pltpu.VMEM((K,), jnp.int32),
            pltpu.VMEM((K,), jnp.int32),
            pltpu.VMEM((K,), jnp.float32),
            pltpu.VMEM((K,), jnp.float32),
            pltpu.VMEM((K,), jnp.float32),
            pltpu.VMEM((K,), jnp.float32),
            pltpu.VMEM((2, 16), jnp.float32),
            pltpu.VMEM((K, D), jnp.float32),
            pltpu.VMEM((K, D), jnp.float32),
            pltpu.VMEM((K,), jnp.int32),
            pltpu.VMEM((K,), jnp.int32),
            pltpu.VMEM((ZR, D), jnp.float32),
            pltpu.VMEM_SHARED((NP, D), jnp.float32),
            pltpu.SemaphoreType.DMA,
            pltpu.SemaphoreType.DMA,
            pltpu.SemaphoreType.DMA,
            pltpu.SemaphoreType.DMA,
            pltpu.SemaphoreType.DMA,
            pltpu.SemaphoreType.DMA,
            pltpu.SemaphoreType.DMA,
            pltpu.SemaphoreType.DMA,
            pltpu.SemaphoreType.DMA,
            pltpu.SemaphoreType.DMA,
        ],
    )
    def sc_kernel(ei_hbm, a0_hbm, a1_hbm, w_hbm, x_hbm, out_hbm,
                  s0, s1, d0, d1, a00, a01, a10, a11, w_v, rows0, rows1,
                  idx0, idx1, z_v, acc,
                  ssem0, ssem1, dsem0, dsem1, asem0, asem1, bsem0, bsem1,
                  gsem0, gsem1):
        cid = lax.axis_index("c")
        sid = lax.axis_index("s")
        wid = sid * NC + cid

        zeros16 = jnp.zeros((16,), jnp.float32)
        for r in range(ZR):
            for c in range(D // 16):
                z_v[r, pl.ds(c * 16, 16)] = zeros16

        def zero_body(j, carry):
            pltpu.sync_copy(z_v, acc.at[pl.ds(sid * ROWS_PER_TILE + j * ZR, ZR)])
            return carry

        lax.fori_loop(0, ROWS_PER_TILE // ZR, zero_body, 0)
        plsc.subcore_barrier()

        pltpu.sync_copy(w_hbm, w_v)
        w0 = w_v[0]
        w1 = w_v[1]
        lane16 = lax.iota(jnp.int32, 16)

        def eload(c, s_ref, d_ref, a0_ref, a1_ref, ssem, dsem, asem, bsem):
            g = wid + NW * c
            off = jnp.minimum(g, FULL_CHUNKS - 1) * K
            pltpu.async_copy(ei_hbm.at[0, pl.ds(off, K)], s_ref, ssem)
            pltpu.async_copy(ei_hbm.at[1, pl.ds(off, K)], d_ref, dsem)
            pltpu.async_copy(a0_hbm.at[pl.ds(off, K)], a0_ref, asem)
            pltpu.async_copy(a1_hbm.at[pl.ds(off, K)], a1_ref, bsem)

        def ewait(s_ref, d_ref, a0_ref, a1_ref, ssem, dsem, asem, bsem):
            pltpu.make_async_copy(ei_hbm.at[0, pl.ds(0, K)], s_ref, ssem).wait()
            pltpu.make_async_copy(ei_hbm.at[1, pl.ds(0, K)], d_ref, dsem).wait()
            pltpu.make_async_copy(a0_hbm.at[pl.ds(0, K)], a0_ref, asem).wait()
            pltpu.make_async_copy(a1_hbm.at[pl.ds(0, K)], a1_ref, bsem).wait()

        def route(c, d_ref, a0_ref, a1_ref, idx_ref):
            scale = jnp.where((wid + NW * c) < FULL_CHUNKS, 1.0, 0.0)
            for v in range(K // 16):
                a0v = a0_ref[pl.ds(v * 16, 16)]
                a1v = a1_ref[pl.ds(v * 16, 16)]
                ew = w0 * a0v + w1 * a1v
                m = (ew * scale) != 0.0
                dummy_v = DUMMY + v * 16 + lane16
                idx_ref[pl.ds(v * 16, 16)] = jnp.where(
                    m, d_ref[pl.ds(v * 16, 16)], dummy_v)

        def gather(s_ref, rows_ref, sem):
            pltpu.async_copy(x_hbm.at[s_ref], rows_ref, sem)

        def gwait(rows_ref, sem):
            pltpu.make_async_copy(x_hbm.at[s0], rows_ref, sem).wait()

        eload(0, s0, d0, a00, a10, ssem0, dsem0, asem0, bsem0)
        eload(1, s1, d1, a01, a11, ssem1, dsem1, asem1, bsem1)
        ewait(s0, d0, a00, a10, ssem0, dsem0, asem0, bsem0)
        gather(s0, rows0, gsem0)

        def pair_body(j, carry):
            c0 = 2 * j
            ewait(s1, d1, a01, a11, ssem1, dsem1, asem1, bsem1)
            gather(s1, rows1, gsem1)
            route(c0, d0, a00, a10, idx0)
            gwait(rows0, gsem0)
            pltpu.sync_copy(rows0, acc.at[idx0], add=True)
            eload(c0 + 2, s0, d0, a00, a10, ssem0, dsem0, asem0, bsem0)
            ewait(s0, d0, a00, a10, ssem0, dsem0, asem0, bsem0)
            gather(s0, rows0, gsem0)
            route(c0 + 1, d1, a01, a11, idx1)
            gwait(rows1, gsem1)
            pltpu.sync_copy(rows1, acc.at[idx1], add=True)
            eload(c0 + 3, s1, d1, a01, a11, ssem1, dsem1, asem1, bsem1)
            return carry

        lax.fori_loop(0, (CHUNKS - 2) // 2, pair_body, 0)

        ewait(s1, d1, a01, a11, ssem1, dsem1, asem1, bsem1)
        gather(s1, rows1, gsem1)
        route(CHUNKS - 2, d0, a00, a10, idx0)
        gwait(rows0, gsem0)
        pltpu.sync_copy(rows0, acc.at[idx0], add=True)
        route(CHUNKS - 1, d1, a01, a11, idx1)
        gwait(rows1, gsem1)
        pltpu.sync_copy(rows1, acc.at[idx1], add=True)

        plsc.subcore_barrier()

        pltpu.sync_copy(
            acc.at[pl.ds(sid * ROWS_PER_TILE, ROWS_PER_TILE)],
            out_hbm.at[pl.ds(cid * NP + sid * ROWS_PER_TILE, ROWS_PER_TILE)],
        )

    return sc_kernel(ei, a0, a1, wvec, x)


def _tc_body(p0_ref, p1_ref, x_ref, wl_ref, wr_ref, b_ref, o_ref):
    agg = p0_ref[...] + p1_ref[...]
    dn = (((1,), (1,)), ((), ()))
    o_ref[...] = (
        lax.dot_general(agg, wl_ref[...], dn, preferred_element_type=jnp.float32)
        + lax.dot_general(x_ref[...], wr_ref[...], dn, preferred_element_type=jnp.float32)
        + b_ref[0:1, :]
    )


def _tc_dense(p0, p1, x, W_l, W_r, b8):
    blk = 1000
    grid = (N // blk,)
    return pl.pallas_call(
        _tc_body,
        grid=grid,
        in_specs=[
            pl.BlockSpec((blk, D), lambda i: (i, 0)),
            pl.BlockSpec((blk, D), lambda i: (i, 0)),
            pl.BlockSpec((blk, D), lambda i: (i, 0)),
            pl.BlockSpec((D, D), lambda i: (0, 0)),
            pl.BlockSpec((D, D), lambda i: (0, 0)),
            pl.BlockSpec((8, D), lambda i: (0, 0)),
        ],
        out_specs=pl.BlockSpec((blk, D), lambda i: (i, 0)),
        out_shape=jax.ShapeDtypeStruct((N, D), jnp.float32),
    )(p0, p1, x, W_l, W_r, b8)


def kernel(x, edge_index, A0, A1, ws_weights, W_l, b_l, W_r):
    ei = edge_index.astype(jnp.int32)
    wvec = jnp.stack([
        jnp.full((16,), ws_weights[0], jnp.float32),
        jnp.full((16,), ws_weights[1], jnp.float32),
    ])

    partials = _sc_scatter(ei, A0, A1, wvec, x)
    p0 = partials[:N]
    p1 = partials[NP:NP + N]
    b8 = jnp.broadcast_to(b_l.reshape(1, D), (8, D))
    return _tc_dense(p0, p1, x, W_l, W_r, b8)

# --- scband reference (transcript-rebuilt; emitter-appended) ---
"""Pipeline reference for scband-sage-mlc-78116865179889 (READ-ONLY COPY).

The authoritative reference and input builder live on the scoring server;
editing this copy changes nothing except your own understanding.
"""

import jax, jax.numpy as jnp
import numpy as np

N = 10000
E = 320000
D_IN = 128
D_OUT = 128

def setup_inputs(seed: int = 0) -> dict:
    key = jax.random.key(seed)
    ks = jax.random.split(key, 8)
    x = jax.random.normal(ks[0], (N, D_IN), dtype=jnp.float32)
    edge_index = jax.random.randint(ks[1], (2, E), 0, N, dtype=jnp.int64)
    A0 = jax.random.normal(ks[2], (E,), dtype=jnp.float32)
    A1 = jax.random.normal(ks[3], (E,), dtype=jnp.float32)
    # WeightedSumLayer parameter
    ws_weights = jax.random.normal(ks[4], (2,), dtype=jnp.float32)
    # SAGEConv params: lin_l (with bias) applied to aggregated neighbors, lin_r (no bias) applied to root
    lim = 1.0 / np.sqrt(D_IN)
    W_l = jax.random.uniform(ks[5], (D_OUT, D_IN), minval=-lim, maxval=lim, dtype=jnp.float32)
    b_l = jnp.zeros((D_OUT,), dtype=jnp.float32)
    W_r = jax.random.uniform(ks[6], (D_OUT, D_IN), minval=-lim, maxval=lim, dtype=jnp.float32)
    return {"x": x, "edge_index": edge_index, "A0": A0, "A1": A1,
            "ws_weights": ws_weights, "W_l": W_l, "b_l": b_l, "W_r": W_r}

def reference(x, edge_index, A0, A1, ws_weights, W_l, b_l, W_r):
    # WeightedSumLayer: weighted sum of per-edge adjacency weight vectors
    edge_weight_meta = ws_weights[0] * A0 + ws_weights[1] * A1
    # mask out zero-weight edges (data-dependent; executed eagerly)
    mask = edge_weight_meta != 0
    src = edge_index[0]
    dst = edge_index[1]
    num_nodes = x.shape[0]
    dst_routed = jnp.where(mask, dst, num_nodes)
    # SAGEConv with aggr='sum': out = lin_l(sum_{j in N(i)} x_j) + lin_r(x_i)
    msg = jnp.take(x, src, axis=0)
    agg = jax.ops.segment_sum(msg, dst_routed, num_segments=num_nodes + 1)[:num_nodes]
    out = agg @ W_l.T + b_l + x @ W_r.T
    return out

if __name__ == "__main__":
    import jax
    _d = setup_inputs()
    print(jax.jit(kernel)(*tuple(_d.values())))

</pallas_src>

<mosaic_0001>
#map = affine_map<(d0, d1) -> (0, 0)>
#map1 = affine_map<(d0, d1) -> (0)>
module attributes {stable_mosaic.version = 14 : i64} {
  func.func @sc_kernel(%arg0: i32, %arg1: i32, %arg2: memref<2x320000xi32, #tpu.memory_space<hbm>>, %arg3: memref<320000xf32, #tpu.memory_space<hbm>>, %arg4: memref<320000xf32, #tpu.memory_space<hbm>>, %arg5: memref<2x16xf32, #tpu.memory_space<hbm>>, %arg6: memref<10000x128xf32, #tpu.memory_space<hbm>>, %arg7: memref<20480x128xf32, #tpu.memory_space<hbm>>, %arg8: memref<128xi32, #tpu.memory_space<vmem>>, %arg9: memref<128xi32, #tpu.memory_space<vmem>>, %arg10: memref<128xi32, #tpu.memory_space<vmem>>, %arg11: memref<128xi32, #tpu.memory_space<vmem>>, %arg12: memref<128xf32, #tpu.memory_space<vmem>>, %arg13: memref<128xf32, #tpu.memory_space<vmem>>, %arg14: memref<128xf32, #tpu.memory_space<vmem>>, %arg15: memref<128xf32, #tpu.memory_space<vmem>>, %arg16: memref<2x16xf32, #tpu.memory_space<vmem>>, %arg17: memref<128x128xf32, #tpu.memory_space<vmem>>, %arg18: memref<128x128xf32, #tpu.memory_space<vmem>>, %arg19: memref<128xi32, #tpu.memory_space<vmem>>, %arg20: memref<128xi32, #tpu.memory_space<vmem>>, %arg21: memref<8x128xf32, #tpu.memory_space<vmem>>, %arg22: memref<10240x128xf32, #tpu.memory_space<vmem_shared>>, %arg23: memref<!tpu.dma_semaphore, #tpu.memory_space<semaphore_mem>>, %arg24: memref<!tpu.dma_semaphore, #tpu.memory_space<semaphore_mem>>, %arg25: memref<!tpu.dma_semaphore, #tpu.memory_space<semaphore_mem>>, %arg26: memref<!tpu.dma_semaphore, #tpu.memory_space<semaphore_mem>>, %arg27: memref<!tpu.dma_semaphore, #tpu.memory_space<semaphore_mem>>, %arg28: memref<!tpu.dma_semaphore, #tpu.memory_space<semaphore_mem>>, %arg29: memref<!tpu.dma_semaphore, #tpu.memory_space<semaphore_mem>>, %arg30: memref<!tpu.dma_semaphore, #tpu.memory_space<semaphore_mem>>, %arg31: memref<!tpu.dma_semaphore, #tpu.memory_space<semaphore_mem>>, %arg32: memref<!tpu.dma_semaphore, #tpu.memory_space<semaphore_mem>>) attributes {dimension_semantics = [#tpu.dimension_semantics<core_parallel>, #tpu.dimension_semantics<subcore_parallel>], iteration_bounds = array<i64: 2, 16>, scalar_prefetch = 0 : i64, scratch_operands = 25 : i64, tpu.core_type = #tpu.core_type<sc_vector_subcore>, window_params = [{transform_indices = #map}, {transform_indices = #map1}, {transform_indices = #map1}, {transform_indices = #map}, {transform_indices = #map}, {transform_indices = #map}]} {
    %mul3A = arith.constant 2 : i32
    %mul3A_0 = arith.muli %arg1, %mul3A : i32
    %add3A = arith.addi %mul3A_0, %arg0 : i32
    %broadcast_in_dim3A = arith.constant 0.000000e+00 : f32
    %broadcast_in_dim3A_1 = vector.broadcast %broadcast_in_dim3A : f32 to vector<16xf32>
    %swap3A = arith.constant 0 : i32
    %swap3A_2 = arith.index_cast %swap3A : i32 to index
    %swap3A_3 = arith.constant 0 : index
    %swap3A_4 = tpu.vector_load %arg21[%swap3A_2, %swap3A_3] {strides = array<i32>} : memref<8x128xf32, #tpu.memory_space<vmem>>, vector<1x16xf32>,
    %swap3A_5 = vector.shape_cast %swap3A_4 : vector<1x16xf32> to vector<16xf32>
    %swap3A_6 = vector.shape_cast %broadcast_in_dim3A_1 : vector<16xf32> to vector<1x16xf32>
    tpu.vector_store %arg21[%swap3A_2, %swap3A_3], %swap3A_6 {strides = array<i32>} : memref<8x128xf32, #tpu.memory_space<vmem>>, vector<1x16xf32>,
    %swap3A_7 = arith.constant 0 : i32
    %swap3A_8 = arith.index_cast %swap3A_7 : i32 to index
    %swap3A_9 = arith.constant 16 : index
    %swap3A_10 = tpu.vector_load %arg21[%swap3A_8, %swap3A_9] {strides = array<i32>} : memref<8x128xf32, #tpu.memory_space<vmem>>, vector<1x16xf32>,
    %swap3A_11 = vector.shape_cast %swap3A_10 : vector<1x16xf32> to vector<16xf32>
    %swap3A_12 = vector.shape_cast %broadcast_in_dim3A_1 : vector<16xf32> to vector<1x16xf32>
    tpu.vector_store %arg21[%swap3A_8, %swap3A_9], %swap3A_12 {strides = array<i32>} : memref<8x128xf32, #tpu.memory_space<vmem>>, vector<1x16xf32>,
    %swap3A_13 = arith.constant 0 : i32
    %swap3A_14 = arith.index_cast %swap3A_13 : i32 to index
    %swap3A_15 = arith.constant 32 : index
    %swap3A_16 = tpu.vector_load %arg21[%swap3A_14, %swap3A_15] {strides = array<i32>} : memref<8x128xf32, #tpu.memory_space<vmem>>, vector<1x16xf32>,
    %swap3A_17 = vector.shape_cast %swap3A_16 : vector<1x16xf32> to vector<16xf32>
    %swap3A_18 = vector.shape_cast %broadcast_in_dim3A_1 : vector<16xf32> to vector<1x16xf32>
    tpu.vector_store %arg21[%swap3A_14, %swap3A_15], %swap3A_18 {strides = array<i32>} : memref<8x128xf32, #tpu.memory_space<vmem>>, vector<1x16xf32>,
    %swap3A_19 = arith.constant 0 : i32
    %swap3A_20 = arith.index_cast %swap3A_19 : i32 to index
    %swap3A_21 = arith.constant 48 : index
    %swap3A_22 = tpu.vector_load %arg21[%swap3A_20, %swap3A_21] {strides = array<i32>} : memref<8x128xf32, #tpu.memory_space<vmem>>, vector<1x16xf32>,
    %swap3A_23 = vector.shape_cast %swap3A_22 : vector<1x16xf32> to vector<16xf32>
    %swap3A_24 = vector.shape_cast %broadcast_in_dim3A_1 : vector<16xf32> to vector<1x16xf32>
    tpu.vector_store %arg21[%swap3A_20, %swap3A_21], %swap3A_24 {strides = array<i32>} : memref<8x128xf32, #tpu.memory_space<vmem>>, vector<1x16xf32>,
    %swap3A_25 = arith.constant 0 : i32
    %swap3A_26 = arith.index_cast %swap3A_25 : i32 to index
    %swap3A_27 = arith.constant 64 : index
    %swap3A_28 = tpu.vector_load %arg21[%swap3A_26, %swap3A_27] {strides = array<i32>} : memref<8x128xf32, #tpu.memory_space<vmem>>, vector<1x16xf32>,
    %swap3A_29 = vector.shape_cast %swap3A_28 : vector<1x16xf32> to vector<16xf32>
    %swap3A_30 = vector.shape_cast %broadcast_in_dim3A_1 : vector<16xf32> to vector<1x16xf32>
    tpu.vector_store %arg21[%swap3A_26, %swap3A_27], %swap3A_30 {strides = array<i32>} : memref<8x128xf32, #tpu.memory_space<vmem>>, vector<1x16xf32>,
    %swap3A_31 = arith.constant 0 : i32
    %swap3A_32 = arith.index_cast %swap3A_31 : i32 to index
    %swap3A_33 = arith.constant 80 : index
    %swap3A_34 = tpu.vector_load %arg21[%swap3A_32, %swap3A_33] {strides = array<i32>} : memref<8x128xf32, #tpu.memory_space<vmem>>, vector<1x16xf32>,
    %swap3A_35 = vector.shape_cast %swap3A_34 : vector<1x16xf32> to vector<16xf32>
    %swap3A_36 = vector.shape_cast %broadcast_in_dim3A_1 : vector<16xf32> to vector<1x16xf32>
    tpu.vector_store %arg21[%swap3A_32, %swap3A_33], %swap3A_36 {strides = array<i32>} : memref<8x128xf32, #tpu.memory_space<vmem>>, vector<1x16xf32>,
    %swap3A_37 = arith.constant 0 : i32
    %swap3A_38 = arith.index_cast %swap3A_37 : i32 to index
    %swap3A_39 = arith.constant 96 : index
    %swap3A_40 = tpu.vector_load %arg21[%swap3A_38, %swap3A_39] {strides = array<i32>} : memref<8x128xf32, #tpu.memory_space<vmem>>, vector<1x16xf32>,
    %swap3A_41 = vector.shape_cast %swap3A_40 : vector<1x16xf32> to vector<16xf32>
    %swap3A_42 = vector.shape_cast %broadcast_in_dim3A_1 : vector<16xf32> to vector<1x16xf32>
    tpu.vector_store %arg21[%swap3A_38, %swap3A_39], %swap3A_42 {strides = array<i32>} : memref<8x128xf32, #tpu.memory_space<vmem>>, vector<1x16xf32>,
    %swap3A_43 = arith.constant 0 : i32
    %swap3A_44 = arith.index_cast %swap3A_43 : i32 to index
    %swap3A_45 = arith.constant 112 : index
    %swap3A_46 = tpu.vector_load %arg21[%swap3A_44, %swap3A_45] {strides = array<i32>} : memref<8x128xf32, #tpu.memory_space<vmem>>, vector<1x16xf32>,
    %swap3A_47 = vector.shape_cast %swap3A_46 : vector<1x16xf32> to vector<16xf32>
    %swap3A_48 = vector.shape_cast %broadcast_in_dim3A_1 : vector<16xf32> to vector<1x16xf32>
    tpu.vector_store %arg21[%swap3A_44, %swap3A_45], %swap3A_48 {strides = array<i32>} : memref<8x128xf32, #tpu.memory_space<vmem>>, vector<1x16xf32>,
    %swap3A_49 = arith.constant 1 : i32
    %swap3A_50 = arith.index_cast %swap3A_49 : i32 to index
    %swap3A_51 = arith.constant 0 : index
    %swap3A_52 = tpu.vector_load %arg21[%swap3A_50, %swap3A_51] {strides = array<i32>} : memref<8x128xf32, #tpu.memory_space<vmem>>, vector<1x16xf32>,
    %swap3A_53 = vector.shape_cast %swap3A_52 : vector<1x16xf32> to vector<16xf32>
    %swap3A_54 = vector.shape_cast %broadcast_in_dim3A_1 : vector<16xf32> to vector<1x16xf32>
    tpu.vector_store %arg21[%swap3A_50, %swap3A_51], %swap3A_54 {strides = array<i32>} : memref<8x128xf32, #tpu.memory_space<vmem>>, vector<1x16xf32>,
    %swap3A_55 = arith.constant 1 : i32
    %swap3A_56 = arith.index_cast %swap3A_55 : i32 to index
    %swap3A_57 = arith.constant 16 : index
    %swap3A_58 = tpu.vector_load %arg21[%swap3A_56, %swap3A_57] {strides = array<i32>} : memref<8x128xf32, #tpu.memory_space<vmem>>, vector<1x16xf32>,
    %swap3A_59 = vector.shape_cast %swap3A_58 : vector<1x16xf32> to vector<16xf32>
    %swap3A_60 = vector.shape_cast %broadcast_in_dim3A_1 : vector<16xf32> to vector<1x16xf32>
    tpu.vector_store %arg21[%swap3A_56, %swap3A_57], %swap3A_60 {strides = array<i32>} : memref<8x128xf32, #tpu.memory_space<vmem>>, vector<1x16xf32>,
    %swap3A_61 = arith.constant 1 : i32
    %swap3A_62 = arith.index_cast %swap3A_61 : i32 to index
    %swap3A_63 = arith.constant 32 : index
    %swap3A_64 = tpu.vector_load %arg21[%swap3A_62, %swap3A_63] {strides = array<i32>} : memref<8x128xf32, #tpu.memory_space<vmem>>, vector<1x16xf32>,
    %swap3A_65 = vector.shape_cast %swap3A_64 : vector<1x16xf32> to vector<16xf32>
    %swap3A_66 = vector.shape_cast %broadcast_in_dim3A_1 : vector<16xf32> to vector<1x16xf32>
    tpu.vector_store %arg21[%swap3A_62, %swap3A_63], %swap3A_66 {strides = array<i32>} : memref<8x128xf32, #tpu.memory_space<vmem>>, vector<1x16xf32>,
    %swap3A_67 = arith.constant 1 : i32
    %swap3A_68 = arith.index_cast %swap3A_67 : i32 to index
    %swap3A_69 = arith.constant 48 : index
    %swap3A_70 = tpu.vector_load %arg21[%swap3A_68, %swap3A_69] {strides = array<i32>} : memref<8x128xf32, #tpu.memory_space<vmem>>, vector<1x16xf32>,
    %swap3A_71 = vector.shape_cast %swap3A_70 : vector<1x16xf32> to vector<16xf32>
    %swap3A_72 = vector.shape_cast %broadcast_in_dim3A_1 : vector<16xf32> to vector<1x16xf32>
    tpu.vector_store %arg21[%swap3A_68, %swap3A_69], %swap3A_72 {strides = array<i32>} : memref<8x128xf32, #tpu.memory_space<vmem>>, vector<1x16xf32>,
    %swap3A_73 = arith.constant 1 : i32
    %swap3A_74 = arith.index_cast %swap3A_73 : i32 to index
    %swap3A_75 = arith.constant 64 : index
    %swap3A_76 = tpu.vector_load %arg21[%swap3A_74, %swap3A_75] {strides = array<i32>} : memref<8x128xf32, #tpu.memory_space<vmem>>, vector<1x16xf32>,
    %swap3A_77 = vector.shape_cast %swap3A_76 : vector<1x16xf32> to vector<16xf32>
    %swap3A_78 = vector.shape_cast %broadcast_in_dim3A_1 : vector<16xf32> to vector<1x16xf32>
    tpu.vector_store %arg21[%swap3A_74, %swap3A_75], %swap3A_78 {strides = array<i32>} : memref<8x128xf32, #tpu.memory_space<vmem>>, vector<1x16xf32>,
    %swap3A_79 = arith.constant 1 : i32
    %swap3A_80 = arith.index_cast %swap3A_79 : i32 to index
    %swap3A_81 = arith.constant 80 : index
    %swap3A_82 = tpu.vector_load %arg21[%swap3A_80, %swap3A_81] {strides = array<i32>} : memref<8x128xf32, #tpu.memory_space<vmem>>, vector<1x16xf32>,
    %swap3A_83 = vector.shape_cast %swap3A_82 : vector<1x16xf32> to vector<16xf32>
    %swap3A_84 = vector.shape_cast %broadcast_in_dim3A_1 : vector<16xf32> to vector<1x16xf32>
    tpu.vector_store %arg21[%swap3A_80, %swap3A_81], %swap3A_84 {strides = array<i32>} : memref<8x128xf32, #tpu.memory_space<vmem>>, vector<1x16xf32>,
    %swap3A_85 = arith.constant 1 : i32
    %swap3A_86 = arith.index_cast %swap3A_85 : i32 to index
    %swap3A_87 = arith.constant 96 : index
    %swap3A_88 = tpu.vector_load %arg21[%swap3A_86, %swap3A_87] {strides = array<i32>} : memref<8x128xf32, #tpu.memory_space<vmem>>, vector<1x16xf32>,
    %swap3A_89 = vector.shape_cast %swap3A_88 : vector<1x16xf32> to vector<16xf32>
    %swap3A_90 = vector.shape_cast %broadcast_in_dim3A_1 : vector<16xf32> to vector<1x16xf32>
    tpu.vector_store %arg21[%swap3A_86, %swap3A_87], %swap3A_90 {strides = array<i32>} : memref<8x128xf32, #tpu.memory_space<vmem>>, vector<1x16xf32>,
    %swap3A_91 = arith.constant 1 : i32
    %swap3A_92 = arith.index_cast %swap3A_91 : i32 to index
    %swap3A_93 = arith.constant 112 : index
    %swap3A_94 = tpu.vector_load %arg21[%swap3A_92, %swap3A_93] {strides = array<i32>} : memref<8x128xf32, #tpu.memory_space<vmem>>, vector<1x16xf32>,
    %swap3A_95 = vector.shape_cast %swap3A_94 : vector<1x16xf32> to vector<16xf32>
    %swap3A_96 = vector.shape_cast %broadcast_in_dim3A_1 : vector<16xf32> to vector<1x16xf32>
    tpu.vector_store %arg21[%swap3A_92, %swap3A_93], %swap3A_96 {strides = array<i32>} : memref<8x128xf32, #tpu.memory_space<vmem>>, vector<1x16xf32>,
    %swap3A_97 = arith.constant 2 : i32
    %swap3A_98 = arith.index_cast %swap3A_97 : i32 to index
    %swap3A_99 = arith.constant 0 : index
    %swap3A_100 = tpu.vector_load %arg21[%swap3A_98, %swap3A_99] {strides = array<i32>} : memref<8x128xf32, #tpu.memory_space<vmem>>, vector<1x16xf32>,
    %swap3A_101 = vector.shape_cast %swap3A_100 : vector<1x16xf32> to vector<16xf32>
    %swap3A_102 = vector.shape_cast %broadcast_in_dim3A_1 : vector<16xf32> to vector<1x16xf32>
    tpu.vector_store %arg21[%swap3A_98, %swap3A_99], %swap3A_102 {strides = array<i32>} : memref<8x128xf32, #tpu.memory_space<vmem>>, vector<1x16xf32>,
    %swap3A_103 = arith.constant 2 : i32
    %swap3A_104 = arith.index_cast %swap3A_103 : i32 to index
    %swap3A_105 = arith.constant 16 : index
    %swap3A_106 = tpu.vector_load %arg21[%swap3A_104, %swap3A_105] {strides = array<i32>} : memref<8x128xf32, #tpu.memory_space<vmem>>, vector<1x16xf32>,
    %swap3A_107 = vector.shape_cast %swap3A_106 : vector<1x16xf32> to vector<16xf32>
    %swap3A_108 = vector.shape_cast %broadcast_in_dim3A_1 : vector<16xf32> to vector<1x16xf32>
    tpu.vector_store %arg21[%swap3A_104, %swap3A_105], %swap3A_108 {strides = array<i32>} : memref<8x128xf32, #tpu.memory_space<vmem>>, vector<1x16xf32>,
    %swap3A_109 = arith.constant 2 : i32
    %swap3A_110 = arith.index_cast %swap3A_109 : i32 to index
    %swap3A_111 = arith.constant 32 : index
    %swap3A_112 = tpu.vector_load %arg21[%swap3A_110, %swap3A_111] {strides = array<i32>} : memref<8x128xf32, #tpu.memory_space<vmem>>, vector<1x16xf32>,
    %swap3A_113 = vector.shape_cast %swap3A_112 : vector<1x16xf32> to vector<16xf32>
    %swap3A_114 = vector.shape_cast %broadcast_in_dim3A_1 : vector<16xf32> to vector<1x16xf32>
    tpu.vector_store %arg21[%swap3A_110, %swap3A_111], %swap3A_114 {strides = array<i32>} : memref<8x128xf32, #tpu.memory_space<vmem>>, vector<1x16xf32>,
    %swap3A_115 = arith.constant 2 : i32
    %swap3A_116 = arith.index_cast %swap3A_115 : i32 to index
    %swap3A_117 = arith.constant 48 : index
    %swap3A_118 = tpu.vector_load %arg21[%swap3A_116, %swap3A_117] {strides = array<i32>} : memref<8x128xf32, #tpu.memory_space<vmem>>, vector<1x16xf32>,
    %swap3A_119 = vector.shape_cast %swap3A_118 : vector<1x16xf32> to vector<16xf32>
    %swap3A_120 = vector.shape_cast %broadcast_in_dim3A_1 : vector<16xf32> to vector<1x16xf32>
    tpu.vector_store %arg21[%swap3A_116, %swap3A_117], %swap3A_120 {strides = array<i32>} : memref<8x128xf32, #tpu.memory_space<vmem>>, vector<1x16xf32>,
    %swap3A_121 = arith.constant 2 : i32
    %swap3A_122 = arith.index_cast %swap3A_121 : i32 to index
    %swap3A_123 = arith.constant 64 : index
    %swap3A_124 = tpu.vector_load %arg21[%swap3A_122, %swap3A_123] {strides = array<i32>} : memref<8x128xf32, #tpu.memory_space<vmem>>, vector<1x16xf32>,
    %swap3A_125 = vector.shape_cast %swap3A_124 : vector<1x16xf32> to vector<16xf32>
    %swap3A_126 = vector.shape_cast %broadcast_in_dim3A_1 : vector<16xf32> to vector<1x16xf32>
    tpu.vector_store %arg21[%swap3A_122, %swap3A_123], %swap3A_126 {strides = array<i32>} : memref<8x128xf32, #tpu.memory_space<vmem>>, vector<1x16xf32>,
    %swap3A_127 = arith.constant 2 : i32
    %swap3A_128 = arith.index_cast %swap3A_127 : i32 to index
    %swap3A_129 = arith.constant 80 : index
    %swap3A_130 = tpu.vector_load %arg21[%swap3A_128, %swap3A_129] {strides = array<i32>} : memref<8x128xf32, #tpu.memory_space<vmem>>, vector<1x16xf32>,
    %swap3A_131 = vector.shape_cast %swap3A_130 : vector<1x16xf32> to vector<16xf32>
    %swap3A_132 = vector.shape_cast %broadcast_in_dim3A_1 : vector<16xf32> to vector<1x16xf32>
    tpu.vector_store %arg21[%swap3A_128, %swap3A_129], %swap3A_132 {strides = array<i32>} : memref<8x128xf32, #tpu.memory_space<vmem>>, vector<1x16xf32>,
    %swap3A_133 = arith.constant 2 : i32
    %swap3A_134 = arith.index_cast %swap3A_133 : i32 to index
    %swap3A_135 = arith.constant 96 : index
    %swap3A_136 = tpu.vector_load %arg21[%swap3A_134, %swap3A_135] {strides = array<i32>} : memref<8x128xf32, #tpu.memory_space<vmem>>, vector<1x16xf32>,
    %swap3A_137 = vector.shape_cast %swap3A_136 : vector<1x16xf32> to vector<16xf32>
    %swap3A_138 = vector.shape_cast %broadcast_in_dim3A_1 : vector<16xf32> to vector<1x16xf32>
    tpu.vector_store %arg21[%swap3A_134, %swap3A_135], %swap3A_138 {strides = array<i32>} : memref<8x128xf32, #tpu.memory_space<vmem>>, vector<1x16xf32>,
    %swap3A_139 = arith.constant 2 : i32
    %swap3A_140 = arith.index_cast %swap3A_139 : i32 to index
    %swap3A_141 = arith.constant 112 : index
    %swap3A_142 = tpu.vector_load %arg21[%swap3A_140, %swap3A_141] {strides = array<i32>} : memref<8x128xf32, #tpu.memory_space<vmem>>, vector<1x16xf32>,
    %swap3A_143 = vector.shape_cast %swap3A_142 : vector<1x16xf32> to vector<16xf32>
    %swap3A_144 = vector.shape_cast %broadcast_in_dim3A_1 : vector<16xf32> to vector<1x16xf32>
    tpu.vector_store %arg21[%swap3A_140, %swap3A_141], %swap3A_144 {strides = array<i32>} : memref<8x128xf32, #tpu.memory_space<vmem>>, vector<1x16xf32>,
    %swap3A_145 = arith.constant 3 : i32
    %swap3A_146 = arith.index_cast %swap3A_145 : i32 to index
    %swap3A_147 = arith.constant 0 : index
    %swap3A_148 = tpu.vector_load %arg21[%swap3A_146, %swap3A_147] {strides = array<i32>} : memref<8x128xf32, #tpu.memory_space<vmem>>, vector<1x16xf32>,
    %swap3A_149 = vector.shape_cast %swap3A_148 : vector<1x16xf32> to vector<16xf32>
    %swap3A_150 = vector.shape_cast %broadcast_in_dim3A_1 : vector<16xf32> to vector<1x16xf32>
    tpu.vector_store %arg21[%swap3A_146, %swap3A_147], %swap3A_150 {strides = array<i32>} : memref<8x128xf32, #tpu.memory_space<vmem>>, vector<1x16xf32>,
    %swap3A_151 = arith.constant 3 : i32
    %swap3A_152 = arith.index_cast %swap3A_151 : i32 to index
    %swap3A_153 = arith.constant 16 : index
    %swap3A_154 = tpu.vector_load %arg21[%swap3A_152, %swap3A_153] {strides = array<i32>} : memref<8x128xf32, #tpu.memory_space<vmem>>, vector<1x16xf32>,
    %swap3A_155 = vector.shape_cast %swap3A_154 : vector<1x16xf32> to vector<16xf32>
    %swap3A_156 = vector.shape_cast %broadcast_in_dim3A_1 : vector<16xf32> to vector<1x16xf32>
    tpu.vector_store %arg21[%swap3A_152, %swap3A_153], %swap3A_156 {strides = array<i32>} : memref<8x128xf32, #tpu.memory_space<vmem>>, vector<1x16xf32>,
    %swap3A_157 = arith.constant 3 : i32
    %swap3A_158 = arith.index_cast %swap3A_157 : i32 to index
    %swap3A_159 = arith.constant 32 : index
    %swap3A_160 = tpu.vector_load %arg21[%swap3A_158, %swap3A_159] {strides = array<i32>} : memref<8x128xf32, #tpu.memory_space<vmem>>, vector<1x16xf32>,
    %swap3A_161 = vector.shape_cast %swap3A_160 : vector<1x16xf32> to vector<16xf32>
    %swap3A_162 = vector.shape_cast %broadcast_in_dim3A_1 : vector<16xf32> to vector<1x16xf32>
    tpu.vector_store %arg21[%swap3A_158, %swap3A_159], %swap3A_162 {strides = array<i32>} : memref<8x128xf32, #tpu.memory_space<vmem>>, vector<1x16xf32>,
    %swap3A_163 = arith.constant 3 : i32
    %swap3A_164 = arith.index_cast %swap3A_163 : i32 to index
    %swap3A_165 = arith.constant 48 : index
    %swap3A_166 = tpu.vector_load %arg21[%swap3A_164, %swap3A_165] {strides = array<i32>} : memref<8x128xf32, #tpu.memory_space<vmem>>, vector<1x16xf32>,
    %swap3A_167 = vector.shape_cast %swap3A_166 : vector<1x16xf32> to vector<16xf32>
    %swap3A_168 = vector.shape_cast %broadcast_in_dim3A_1 : vector<16xf32> to vector<1x16xf32>
    tpu.vector_store %arg21[%swap3A_164, %swap3A_165], %swap3A_168 {strides = array<i32>} : memref<8x128xf32, #tpu.memory_space<vmem>>, vector<1x16xf32>,
    %swap3A_169 = arith.constant 3 : i32
    %swap3A_170 = arith.index_cast %swap3A_169 : i32 to index
    %swap3A_171 = arith.constant 64 : index
    %swap3A_172 = tpu.vector_load %arg21[%swap3A_170, %swap3A_171] {strides = array<i32>} : memref<8x128xf32, #tpu.memory_space<vmem>>, vector<1x16xf32>,
    %swap3A_173 = vector.shape_cast %swap3A_172 : vector<1x16xf32> to vector<16xf32>
    %swap3A_174 = vector.shape_cast %broadcast_in_dim3A_1 : vector<16xf32> to vector<1x16xf32>
    tpu.vector_store %arg21[%swap3A_170, %swap3A_171], %swap3A_174 {strides = array<i32>} : memref<8x128xf32, #tpu.memory_space<vmem>>, vector<1x16xf32>,
    %swap3A_175 = arith.constant 3 : i32
    %swap3A_176 = arith.index_cast %swap3A_175 : i32 to index
    %swap3A_177 = arith.constant 80 : index
    %swap3A_178 = tpu.vector_load %arg21[%swap3A_176, %swap3A_177] {strides = array<i32>} : memref<8x128xf32, #tpu.memory_space<vmem>>, vector<1x16xf32>,
    %swap3A_179 = vector.shape_cast %swap3A_178 : vector<1x16xf32> to vector<16xf32>
    %swap3A_180 = vector.shape_cast %broadcast_in_dim3A_1 : vector<16xf32> to vector<1x16xf32>
    tpu.vector_store %arg21[%swap3A_176, %swap3A_177], %swap3A_180 {strides = array<i32>} : memref<8x128xf32, #tpu.memory_space<vmem>>, vector<1x16xf32>,
    %swap3A_181 = arith.constant 3 : i32
    %swap3A_182 = arith.index_cast %swap3A_181 : i32 to index
    %swap3A_183 = arith.constant 96 : index
    %swap3A_184 = tpu.vector_load %arg21[%swap3A_182, %swap3A_183] {strides = array<i32>} : memref<8x128xf32, #tpu.memory_space<vmem>>, vector<1x16xf32>,
    %swap3A_185 = vector.shape_cast %swap3A_184 : vector<1x16xf32> to vector<16xf32>
    %swap3A_186 = vector.shape_cast %broadcast_in_dim3A_1 : vector<16xf32> to vector<1x16xf32>
    tpu.vector_store %arg21[%swap3A_182, %swap3A_183], %swap3A_186 {strides = array<i32>} : memref<8x128xf32, #tpu.memory_space<vmem>>, vector<1x16xf32>,
    %swap3A_187 = arith.constant 3 : i32
    %swap3A_188 = arith.index_cast %swap3A_187 : i32 to index
    %swap3A_189 = arith.constant 112 : index
    %swap3A_190 = tpu.vector_load %arg21[%swap3A_188, %swap3A_189] {strides = array<i32>} : memref<8x128xf32, #tpu.memory_space<vmem>>, vector<1x16xf32>,
    %swap3A_191 = vector.shape_cast %swap3A_190 : vector<1x16xf32> to vector<16xf32>
    %swap3A_192 = vector.shape_cast %broadcast_in_dim3A_1 : vector<16xf32> to vector<1x16xf32>
    tpu.vector_store %arg21[%swap3A_188, %swap3A_189], %swap3A_192 {strides = array<i32>} : memref<8x128xf32, #tpu.memory_space<vmem>>, vector<1x16xf32>,
    %swap3A_193 = arith.constant 4 : i32
    %swap3A_194 = arith.index_cast %swap3A_193 : i32 to index
    %swap3A_195 = arith.constant 0 : index
    %swap3A_196 = tpu.vector_load %arg21[%swap3A_194, %swap3A_195] {strides = array<i32>} : memref<8x128xf32, #tpu.memory_space<vmem>>, vector<1x16xf32>,
    %swap3A_197 = vector.shape_cast %swap3A_196 : vector<1x16xf32> to vector<16xf32>
    %swap3A_198 = vector.shape_cast %broadcast_in_dim3A_1 : vector<16xf32> to vector<1x16xf32>
    tpu.vector_store %arg21[%swap3A_194, %swap3A_195], %swap3A_198 {strides = array<i32>} : memref<8x128xf32, #tpu.memory_space<vmem>>, vector<1x16xf32>,
    %swap3A_199 = arith.constant 4 : i32
    %swap3A_200 = arith.index_cast %swap3A_199 : i32 to index
    %swap3A_201 = arith.constant 16 : index
    %swap3A_202 = tpu.vector_load %arg21[%swap3A_200, %swap3A_201] {strides = array<i32>} : memref<8x128xf32, #tpu.memory_space<vmem>>, vector<1x16xf32>,
    %swap3A_203 = vector.shape_cast %swap3A_202 : vector<1x16xf32> to vector<16xf32>
    %swap3A_204 = vector.shape_cast %broadcast_in_dim3A_1 : vector<16xf32> to vector<1x16xf32>
    tpu.vector_store %arg21[%swap3A_200, %swap3A_201], %swap3A_204 {strides = array<i32>} : memref<8x128xf32, #tpu.memory_space<vmem>>, vector<1x16xf32>,
    %swap3A_205 = arith.constant 4 : i32
    %swap3A_206 = arith.index_cast %swap3A_205 : i32 to index
    %swap3A_207 = arith.constant 32 : index
    %swap3A_208 = tpu.vector_load %arg21[%swap3A_206, %swap3A_207] {strides = array<i32>} : memref<8x128xf32, #tpu.memory_space<vmem>>, vector<1x16xf32>,
    %swap3A_209 = vector.shape_cast %swap3A_208 : vector<1x16xf32> to vector<16xf32>
    %swap3A_210 = vector.shape_cast %broadcast_in_dim3A_1 : vector<16xf32> to vector<1x16xf32>
    tpu.vector_store %arg21[%swap3A_206, %swap3A_207], %swap3A_210 {strides = array<i32>} : memref<8x128xf32, #tpu.memory_space<vmem>>, vector<1x16xf32>,
    %swap3A_211 = arith.constant 4 : i32
    %swap3A_212 = arith.index_cast %swap3A_211 : i32 to index
    %swap3A_213 = arith.constant 48 : index
    %swap3A_214 = tpu.vector_load %arg21[%swap3A_212, %swap3A_213] {strides = array<i32>} : memref<8x128xf32, #tpu.memory_space<vmem>>, vector<1x16xf32>,
    %swap3A_215 = vector.shape_cast %swap3A_214 : vector<1x16xf32> to vector<16xf32>
    %swap3A_216 = vector.shape_cast %broadcast_in_dim3A_1 : vector<16xf32> to vector<1x16xf32>
    tpu.vector_store %arg21[%swap3A_212, %swap3A_213], %swap3A_216 {strides = array<i32>} : memref<8x128xf32, #tpu.memory_space<vmem>>, vector<1x16xf32>,
    %swap3A_217 = arith.constant 4 : i32
    %swap3A_218 = arith.index_cast %swap3A_217 : i32 to index
    %swap3A_219 = arith.constant 64 : index
    %swap3A_220 = tpu.vector_load %arg21[%swap3A_218, %swap3A_219] {strides = array<i32>} : memref<8x128xf32, #tpu.memory_space<vmem>>, vector<1x16xf32>,
    %swap3A_221 = vector.shape_cast %swap3A_220 : vector<1x16xf32> to vector<16xf32>
    %swap3A_222 = vector.shape_cast %broadcast_in_dim3A_1 : vector<16xf32> to vector<1x16xf32>
    tpu.vector_store %arg21[%swap3A_218, %swap3A_219], %swap3A_222 {strides = array<i32>} : memref<8x128xf32, #tpu.memory_space<vmem>>, vector<1x16xf32>,
    %swap3A_223 = arith.constant 4 : i32
    %swap3A_224 = arith.index_cast %swap3A_223 : i32 to index
    %swap3A_225 = arith.constant 80 : index
    %swap3A_226 = tpu.vector_load %arg21[%swap3A_224, %swap3A_225] {strides = array<i32>} : memref<8x128xf32, #tpu.memory_space<vmem>>, vector<1x16xf32>,
    %swap3A_227 = vector.shape_cast %swap3A_226 : vector<1x16xf32> to vector<16xf32>
    %swap3A_228 = vector.shape_cast %broadcast_in_dim3A_1 : vector<16xf32> to vector<1x16xf32>
    tpu.vector_store %arg21[%swap3A_224, %swap3A_225], %swap3A_228 {strides = array<i32>} : memref<8x128xf32, #tpu.memory_space<vmem>>, vector<1x16xf32>,
    %swap3A_229 = arith.constant 4 : i32
    %swap3A_230 = arith.index_cast %swap3A_229 : i32 to index
    %swap3A_231 = arith.constant 96 : index
    %swap3A_232 = tpu.vector_load %arg21[%swap3A_230, %swap3A_231] {strides = array<i32>} : memref<8x128xf32, #tpu.memory_space<vmem>>, vector<1x16xf32>,
    %swap3A_233 = vector.shape_cast %swap3A_232 : vector<1x16xf32> to vector<16xf32>
    %swap3A_234 = vector.shape_cast %broadcast_in_dim3A_1 : vector<16xf32> to vector<1x16xf32>
    tpu.vector_store %arg21[%swap3A_230, %swap3A_231], %swap3A_234 {strides = array<i32>} : memref<8x128xf32, #tpu.memory_space<vmem>>, vector<1x16xf32>,
    %swap3A_235 = arith.constant 4 : i32
    %swap3A_236 = arith.index_cast %swap3A_235 : i32 to index
    %swap3A_237 = arith.constant 112 : index
    %swap3A_238 = tpu.vector_load %arg21[%swap3A_236, %swap3A_237] {strides = array<i32>} : memref<8x128xf32, #tpu.memory_space<vmem>>, vector<1x16xf32>,
    %swap3A_239 = vector.shape_cast %swap3A_238 : vector<1x16xf32> to vector<16xf32>
    %swap3A_240 = vector.shape_cast %broadcast_in_dim3A_1 : vector<16xf32> to vector<1x16xf32>
    tpu.vector_store %arg21[%swap3A_236, %swap3A_237], %swap3A_240 {strides = array<i32>} : memref<8x128xf32, #tpu.memory_space<vmem>>, vector<1x16xf32>,
    %swap3A_241 = arith.constant 5 : i32
    %swap3A_242 = arith.index_cast %swap3A_241 : i32 to index
    %swap3A_243 = arith.constant 0 : index
    %swap3A_244 = tpu.vector_load %arg21[%swap3A_242, %swap3A_243] {strides = array<i32>} : memref<8x128xf32, #tpu.memory_space<vmem>>, vector<1x16xf32>,
    %swap3A_245 = vector.shape_cast %swap3A_244 : vector<1x16xf32> to vector<16xf32>
    %swap3A_246 = vector.shape_cast %broadcast_in_dim3A_1 : vector<16xf32> to vector<1x16xf32>
    tpu.vector_store %arg21[%swap3A_242, %swap3A_243], %swap3A_246 {strides = array<i32>} : memref<8x128xf32, #tpu.memory_space<vmem>>, vector<1x16xf32>,
    %swap3A_247 = arith.constant 5 : i32
    %swap3A_248 = arith.index_cast %swap3A_247 : i32 to index
    %swap3A_249 = arith.constant 16 : index
    %swap3A_250 = tpu.vector_load %arg21[%swap3A_248, %swap3A_249] {strides = array<i32>} : memref<8x128xf32, #tpu.memory_space<vmem>>, vector<1x16xf32>,
    %swap3A_251 = vector.shape_cast %swap3A_250 : vector<1x16xf32> to vector<16xf32>
    %swap3A_252 = vector.shape_cast %broadcast_in_dim3A_1 : vector<16xf32> to vector<1x16xf32>
    tpu.vector_store %arg21[%swap3A_248, %swap3A_249], %swap3A_252 {strides = array<i32>} : memref<8x128xf32, #tpu.memory_space<vmem>>, vector<1x16xf32>,
    %swap3A_253 = arith.constant 5 : i32
    %swap3A_254 = arith.index_cast %swap3A_253 : i32 to index
    %swap3A_255 = arith.constant 32 : index
    %swap3A_256 = tpu.vector_load %arg21[%swap3A_254, %swap3A_255] {strides = array<i32>} : memref<8x128xf32, #tpu.memory_space<vmem>>, vector<1x16xf32>,
    %swap3A_257 = vector.shape_cast %swap3A_256 : vector<1x16xf32> to vector<16xf32>
    %swap3A_258 = vector.shape_cast %broadcast_in_dim3A_1 : vector<16xf32> to vector<1x16xf32>
    tpu.vector_store %arg21[%swap3A_254, %swap3A_255], %swap3A_258 {strides = array<i32>} : memref<8x128xf32, #tpu.memory_space<vmem>>, vector<1x16xf32>,
    %swap3A_259 = arith.constant 5 : i32
    %swap3A_260 = arith.index_cast %swap3A_259 : i32 to index
    %swap3A_261 = arith.constant 48 : index
    %swap3A_262 = tpu.vector_load %arg21[%swap3A_260, %swap3A_261] {strides = array<i32>} : memref<8x128xf32, #tpu.memory_space<vmem>>, vector<1x16xf32>,
    %swap3A_263 = vector.shape_cast %swap3A_262 : vector<1x16xf32> to vector<16xf32>
    %swap3A_264 = vector.shape_cast %broadcast_in_dim3A_1 : vector<16xf32> to vector<1x16xf32>
    tpu.vector_store %arg21[%swap3A_260, %swap3A_261], %swap3A_264 {strides = array<i32>} : memref<8x128xf32, #tpu.memory_space<vmem>>, vector<1x16xf32>,
    %swap3A_265 = arith.constant 5 : i32
    %swap3A_266 = arith.index_cast %swap3A_265 : i32 to index
    %swap3A_267 = arith.constant 64 : index
    %swap3A_268 = tpu.vector_load %arg21[%swap3A_266, %swap3A_267] {strides = array<i32>} : memref<8x128xf32, #tpu.memory_space<vmem>>, vector<1x16xf32>,
    %swap3A_269 = vector.shape_cast %swap3A_268 : vector<1x16xf32> to vector<16xf32>
    %swap3A_270 = vector.shape_cast %broadcast_in_dim3A_1 : vector<16xf32> to vector<1x16xf32>
    tpu.vector_store %arg21[%swap3A_266, %swap3A_267], %swap3A_270 {strides = array<i32>} : memref<8x128xf32, #tpu.memory_space<vmem>>, vector<1x16xf32>,
    %swap3A_271 = arith.constant 5 : i32
    %swap3A_272 = arith.index_cast %swap3A_271 : i32 to index
    %swap3A_273 = arith.constant 80 : index
    %swap3A_274 = tpu.vector_load %arg21[%swap3A_272, %swap3A_273] {strides = array<i32>} : memref<8x128xf32, #tpu.memory_space<vmem>>, vector<1x16xf32>,
    %swap3A_275 = vector.shape_cast %swap3A_274 : vector<1x16xf32> to vector<16xf32>
    %swap3A_276 = vector.shape_cast %broadcast_in_dim3A_1 : vector<16xf32> to vector<1x16xf32>
    tpu.vector_store %arg21[%swap3A_272, %swap3A_273], %swap3A_276 {strides = array<i32>} : memref<8x128xf32, #tpu.memory_space<vmem>>, vector<1x16xf32>,
    %swap3A_277 = arith.constant 5 : i32
    %swap3A_278 = arith.index_cast %swap3A_277 : i32 to index
    %swap3A_279 = arith.constant 96 : index
    %swap3A_280 = tpu.vector_load %arg21[%swap3A_278, %swap3A_279] {strides = array<i32>} : memref<8x128xf32, #tpu.memory_space<vmem>>, vector<1x16xf32>,
    %swap3A_281 = vector.shape_cast %swap3A_280 : vector<1x16xf32> to vector<16xf32>
    %swap3A_282 = vector.shape_cast %broadcast_in_dim3A_1 : vector<16xf32> to vector<1x16xf32>
    tpu.vector_store %arg21[%swap3A_278, %swap3A_279], %swap3A_282 {strides = array<i32>} : memref<8x128xf32, #tpu.memory_space<vmem>>, vector<1x16xf32>,
    %swap3A_283 = arith.constant 5 : i32
    %swap3A_284 = arith.index_cast %swap3A_283 : i32 to index
    %swap3A_285 = arith.constant 112 : index
    %swap3A_286 = tpu.vector_load %arg21[%swap3A_284, %swap3A_285] {strides = array<i32>} : memref<8x128xf32, #tpu.memory_space<vmem>>, vector<1x16xf32>,
    %swap3A_287 = vector.shape_cast %swap3A_286 : vector<1x16xf32> to vector<16xf32>
    %swap3A_288 = vector.shape_cast %broadcast_in_dim3A_1 : vector<16xf32> to vector<1x16xf32>
    tpu.vector_store %arg21[%swap3A_284, %swap3A_285], %swap3A_288 {strides = array<i32>} : memref<8x128xf32, #tpu.memory_space<vmem>>, vector<1x16xf32>,
    %swap3A_289 = arith.constant 6 : i32
    %swap3A_290 = arith.index_cast %swap3A_289 : i32 to index
    %swap3A_291 = arith.constant 0 : index
    %swap3A_292 = tpu.vector_load %arg21[%swap3A_290, %swap3A_291] {strides = array<i32>} : memref<8x128xf32, #tpu.memory_space<vmem>>, vector<1x16xf32>,
    %swap3A_293 = vector.shape_cast %swap3A_292 : vector<1x16xf32> to vector<16xf32>
    %swap3A_294 = vector.shape_cast %broadcast_in_dim3A_1 : vector<16xf32> to vector<1x16xf32>
    tpu.vector_store %arg21[%swap3A_290, %swap3A_291], %swap3A_294 {strides = array<i32>} : memref<8x128xf32, #tpu.memory_space<vmem>>, vector<1x16xf32>,
    %swap3A_295 = arith.constant 6 : i32
    %swap3A_296 = arith.index_cast %swap3A_295 : i32 to index
    %swap3A_297 = arith.constant 16 : index
    %swap3A_298 = tpu.vector_load %arg21[%swap3A_296, %swap3A_297] {strides = array<i32>} : memref<8x128xf32, #tpu.memory_space<vmem>>, vector<1x16xf32>,
    %swap3A_299 = vector.shape_cast %swap3A_298 : vector<1x16xf32> to vector<16xf32>
    %swap3A_300 = vector.shape_cast %broadcast_in_dim3A_1 : vector<16xf32> to vector<1x16xf32>
    tpu.vector_store %arg21[%swap3A_296, %swap3A_297], %swap3A_300 {strides = array<i32>} : memref<8x128xf32, #tpu.memory_space<vmem>>, vector<1x16xf32>,
    %swap3A_301 = arith.constant 6 : i32
    %swap3A_302 = arith.index_cast %swap3A_301 : i32 to index
    %swap3A_303 = arith.constant 32 : index
    %swap3A_304 = tpu.vector_load %arg21[%swap3A_302, %swap3A_303] {strides = array<i32>} : memref<8x128xf32, #tpu.memory_space<vmem>>, vector<1x16xf32>,
    %swap3A_305 = vector.shape_cast %swap3A_304 : vector<1x16xf32> to vector<16xf32>
    %swap3A_306 = vector.shape_cast %broadcast_in_dim3A_1 : vector<16xf32> to vector<1x16xf32>
    tpu.vector_store %arg21[%swap3A_302, %swap3A_303], %swap3A_306 {strides = array<i32>} : memref<8x128xf32, #tpu.memory_space<vmem>>, vector<1x16xf32>,
    %swap3A_307 = arith.constant 6 : i32
    %swap3A_308 = arith.index_cast %swap3A_307 : i32 to index
    %swap3A_309 = arith.constant 48 : index
    %swap3A_310 = tpu.vector_load %arg21[%swap3A_308, %swap3A_309] {strides = array<i32>} : memref<8x128xf32, #tpu.memory_space<vmem>>, vector<1x16xf32>,
    %swap3A_311 = vector.shape_cast %swap3A_310 : vector<1x16xf32> to vector<16xf32>
    %swap3A_312 = vector.shape_cast %broadcast_in_dim3A_1 : vector<16xf32> to vector<1x16xf32>
    tpu.vector_store %arg21[%swap3A_308, %swap3A_309], %swap3A_312 {strides = array<i32>} : memref<8x128xf32, #tpu.memory_space<vmem>>, vector<1x16xf32>,
    %swap3A_313 = arith.constant 6 : i32
    %swap3A_314 = arith.index_cast %swap3A_313 : i32 to index
    %swap3A_315 = arith.constant 64 : index
    %swap3A_316 = tpu.vector_load %arg21[%swap3A_314, %swap3A_315] {strides = array<i32>} : memref<8x128xf32, #tpu.memory_space<vmem>>, vector<1x16xf32>,
    %swap3A_317 = vector.shape_cast %swap3A_316 : vector<1x16xf32> to vector<16xf32>
    %swap3A_318 = vector.shape_cast %broadcast_in_dim3A_1 : vector<16xf32> to vector<1x16xf32>
    tpu.vector_store %arg21[%swap3A_314, %swap3A_315], %swap3A_318 {strides = array<i32>} : memref<8x128xf32, #tpu.memory_space<vmem>>, vector<1x16xf32>,
    %swap3A_319 = arith.constant 6 : i32
    %swap3A_320 = arith.index_cast %swap3A_319 : i32 to index
    %swap3A_321 = arith.constant 80 : index
    %swap3A_322 = tpu.vector_load %arg21[%swap3A_320, %swap3A_321] {strides = array<i32>} : memref<8x128xf32, #tpu.memory_space<vmem>>, vector<1x16xf32>,
    %swap3A_323 = vector.shape_cast %swap3A_322 : vector<1x16xf32> to vector<16xf32>
    %swap3A_324 = vector.shape_cast %broadcast_in_dim3A_1 : vector<16xf32> to vector<1x16xf32>
    tpu.vector_store %arg21[%swap3A_320, %swap3A_321], %swap3A_324 {strides = array<i32>} : memref<8x128xf32, #tpu.memory_space<vmem>>, vector<1x16xf32>,
    %swap3A_325 = arith.constant 6 : i32
    %swap3A_326 = arith.index_cast %swap3A_325 : i32 to index
    %swap3A_327 = arith.constant 96 : index
    %swap3A_328 = tpu.vector_load %arg21[%swap3A_326, %swap3A_327] {strides = array<i32>} : memref<8x128xf32, #tpu.memory_space<vmem>>, vector<1x16xf32>,
    %swap3A_329 = vector.shape_cast %swap3A_328 : vector<1x16xf32> to vector<16xf32>
    %swap3A_330 = vector.shape_cast %broadcast_in_dim3A_1 : vector<16xf32> to vector<1x16xf32>
    tpu.vector_store %arg21[%swap3A_326, %swap3A_327], %swap3A_330 {strides = array<i32>} : memref<8x128xf32, #tpu.memory_space<vmem>>, vector<1x16xf32>,
    %swap3A_331 = arith.constant 6 : i32
    %swap3A_332 = arith.index_cast %swap3A_331 : i32 to index
    %swap3A_333 = arith.constant 112 : index
    %swap3A_334 = tpu.vector_load %arg21[%swap3A_332, %swap3A_333] {strides = array<i32>} : memref<8x128xf32, #tpu.memory_space<vmem>>, vector<1x16xf32>,
    %swap3A_335 = vector.shape_cast %swap3A_334 : vector<1x16xf32> to vector<16xf32>
    %swap3A_336 = vector.shape_cast %broadcast_in_dim3A_1 : vector<16xf32> to vector<1x16xf32>
    tpu.vector_store %arg21[%swap3A_332, %swap3A_333], %swap3A_336 {strides = array<i32>} : memref<8x128xf32, #tpu.memory_space<vmem>>, vector<1x16xf32>,
    %swap3A_337 = arith.constant 7 : i32
    %swap3A_338 = arith.index_cast %swap3A_337 : i32 to index
    %swap3A_339 = arith.constant 0 : index
    %swap3A_340 = tpu.vector_load %arg21[%swap3A_338, %swap3A_339] {strides = array<i32>} : memref<8x128xf32, #tpu.memory_space<vmem>>, vector<1x16xf32>,
    %swap3A_341 = vector.shape_cast %swap3A_340 : vector<1x16xf32> to vector<16xf32>
    %swap3A_342 = vector.shape_cast %broadcast_in_dim3A_1 : vector<16xf32> to vector<1x16xf32>
    tpu.vector_store %arg21[%swap3A_338, %swap3A_339], %swap3A_342 {strides = array<i32>} : memref<8x128xf32, #tpu.memory_space<vmem>>, vector<1x16xf32>,
    %swap3A_343 = arith.constant 7 : i32
    %swap3A_344 = arith.index_cast %swap3A_343 : i32 to index
    %swap3A_345 = arith.constant 16 : index
    %swap3A_346 = tpu.vector_load %arg21[%swap3A_344, %swap3A_345] {strides = array<i32>} : memref<8x128xf32, #tpu.memory_space<vmem>>, vector<1x16xf32>,
    %swap3A_347 = vector.shape_cast %swap3A_346 : vector<1x16xf32> to vector<16xf32>
    %swap3A_348 = vector.shape_cast %broadcast_in_dim3A_1 : vector<16xf32> to vector<1x16xf32>
    tpu.vector_store %arg21[%swap3A_344, %swap3A_345], %swap3A_348 {strides = array<i32>} : memref<8x128xf32, #tpu.memory_space<vmem>>, vector<1x16xf32>,
    %swap3A_349 = arith.constant 7 : i32
    %swap3A_350 = arith.index_cast %swap3A_349 : i32 to index
    %swap3A_351 = arith.constant 32 : index
    %swap3A_352 = tpu.vector_load %arg21[%swap3A_350, %swap3A_351] {strides = array<i32>} : memref<8x128xf32, #tpu.memory_space<vmem>>, vector<1x16xf32>,
    %swap3A_353 = vector.shape_cast %swap3A_352 : vector<1x16xf32> to vector<16xf32>
    %swap3A_354 = vector.shape_cast %broadcast_in_dim3A_1 : vector<16xf32> to vector<1x16xf32>
    tpu.vector_store %arg21[%swap3A_350, %swap3A_351], %swap3A_354 {strides = array<i32>} : memref<8x128xf32, #tpu.memory_space<vmem>>, vector<1x16xf32>,
    %swap3A_355 = arith.constant 7 : i32
    %swap3A_356 = arith.index_cast %swap3A_355 : i32 to index
    %swap3A_357 = arith.constant 48 : index
    %swap3A_358 = tpu.vector_load %arg21[%swap3A_356, %swap3A_357] {strides = array<i32>} : memref<8x128xf32, #tpu.memory_space<vmem>>, vector<1x16xf32>,
    %swap3A_359 = vector.shape_cast %swap3A_358 : vector<1x16xf32> to vector<16xf32>
    %swap3A_360 = vector.shape_cast %broadcast_in_dim3A_1 : vector<16xf32> to vector<1x16xf32>
    tpu.vector_store %arg21[%swap3A_356, %swap3A_357], %swap3A_360 {strides = array<i32>} : memref<8x128xf32, #tpu.memory_space<vmem>>, vector<1x16xf32>,
    %swap3A_361 = arith.constant 7 : i32
    %swap3A_362 = arith.index_cast %swap3A_361 : i32 to index
    %swap3A_363 = arith.constant 64 : index
    %swap3A_364 = tpu.vector_load %arg21[%swap3A_362, %swap3A_363] {strides = array<i32>} : memref<8x128xf32, #tpu.memory_space<vmem>>, vector<1x16xf32>,
    %swap3A_365 = vector.shape_cast %swap3A_364 : vector<1x16xf32> to vector<16xf32>
    %swap3A_366 = vector.shape_cast %broadcast_in_dim3A_1 : vector<16xf32> to vector<1x16xf32>
    tpu.vector_store %arg21[%swap3A_362, %swap3A_363], %swap3A_366 {strides = array<i32>} : memref<8x128xf32, #tpu.memory_space<vmem>>, vector<1x16xf32>,
    %swap3A_367 = arith.constant 7 : i32
    %swap3A_368 = arith.index_cast %swap3A_367 : i32 to index
    %swap3A_369 = arith.constant 80 : index
    %swap3A_370 = tpu.vector_load %arg21[%swap3A_368, %swap3A_369] {strides = array<i32>} : memref<8x128xf32, #tpu.memory_space<vmem>>, vector<1x16xf32>,
    %swap3A_371 = vector.shape_cast %swap3A_370 : vector<1x16xf32> to vector<16xf32>
    %swap3A_372 = vector.shape_cast %broadcast_in_dim3A_1 : vector<16xf32> to vector<1x16xf32>
    tpu.vector_store %arg21[%swap3A_368, %swap3A_369], %swap3A_372 {strides = array<i32>} : memref<8x128xf32, #tpu.memory_space<vmem>>, vector<1x16xf32>,
    %swap3A_373 = arith.constant 7 : i32
    %swap3A_374 = arith.index_cast %swap3A_373 : i32 to index
    %swap3A_375 = arith.constant 96 : index
    %swap3A_376 = tpu.vector_load %arg21[%swap3A_374, %swap3A_375] {strides = array<i32>} : memref<8x128xf32, #tpu.memory_space<vmem>>, vector<1x16xf32>,
    %swap3A_377 = vector.shape_cast %swap3A_376 : vector<1x16xf32> to vector<16xf32>
    %swap3A_378 = vector.shape_cast %broadcast_in_dim3A_1 : vector<16xf32> to vector<1x16xf32>
    tpu.vector_store %arg21[%swap3A_374, %swap3A_375], %swap3A_378 {strides = array<i32>} : memref<8x128xf32, #tpu.memory_space<vmem>>, vector<1x16xf32>,
    %swap3A_379 = arith.constant 7 : i32
    %swap3A_380 = arith.index_cast %swap3A_379 : i32 to index
    %swap3A_381 = arith.constant 112 : index
    %swap3A_382 = tpu.vector_load %arg21[%swap3A_380, %swap3A_381] {strides = array<i32>} : memref<8x128xf32, #tpu.memory_space<vmem>>, vector<1x16xf32>,
    %swap3A_383 = vector.shape_cast %swap3A_382 : vector<1x16xf32> to vector<16xf32>
    %swap3A_384 = vector.shape_cast %broadcast_in_dim3A_1 : vector<16xf32> to vector<1x16xf32>
    tpu.vector_store %arg21[%swap3A_380, %swap3A_381], %swap3A_384 {strides = array<i32>} : memref<8x128xf32, #tpu.memory_space<vmem>>, vector<1x16xf32>,
    %scan3A = arith.constant 0 : i32
    %scan3A_385 = arith.constant 0 : i32
    %scan3A_386 = arith.constant 80 : i32
    %scan3A_387 = arith.addi %scan3A_385, %scan3A_386 : i32
    %scan3A_388 = arith.constant 1 : i32
    scf.for %scan3A_916 = %scan3A_385 to %scan3A_387 step %scan3A_388  : i32 {
      %mul3A_917 = arith.constant 640 : i32
      %mul3A_918 = arith.muli %arg1, %mul3A_917 : i32
      %mul3A_919 = arith.constant 8 : i32
      %mul3A_920 = arith.muli %scan3A_916, %mul3A_919 : i32
      %add3A_921 = arith.addi %mul3A_918, %mul3A_920 : i32
      "tpu.region"() ({
        %run_scoped3A = tpu.sem_alloc : memref<!tpu.dma_semaphore, #tpu.memory_space<semaphore_mem>>
        %dma_start3A_922 = arith.constant 0 : i32
        %dma_start3A_923 = tpu.memref_slice %arg22[%add3A_921, %dma_start3A_922] : memref<10240x128xf32, #tpu.memory_space<vmem_shared>> -> memref<8x128xf32, #tpu.memory_space<vmem_shared>>
        %dma_start3A_924 = arith.constant 0 : i32
        %dma_start3A_925 = tpu.memref_slice %arg22[%add3A_921, %dma_start3A_924] : memref<10240x128xf32, #tpu.memory_space<vmem_shared>> -> memref<8x128xf32, #tpu.memory_space<vmem_shared>>
        tpu.enqueue_dma source(%arg21 : memref<8x128xf32, #tpu.memory_space<vmem>>) target(%dma_start3A_925 : memref<8x128xf32, #tpu.memory_space<vmem_shared>>) target_semaphore(%run_scoped3A : memref<!tpu.dma_semaphore, #tpu.memory_space<semaphore_mem>>)
        %dma_wait3A_926 = arith.constant 0 : i32
        %dma_wait3A_927 = tpu.memref_slice %arg22[%add3A_921, %dma_wait3A_926] : memref<10240x128xf32, #tpu.memory_space<vmem_shared>> -> memref<8x128xf32, #tpu.memory_space<vmem_shared>>
        %dma_wait3A_928 = arith.constant 0 : i32
        %dma_wait3A_929 = tpu.memref_slice %arg22[%add3A_921, %dma_wait3A_928] : memref<10240x128xf32, #tpu.memory_space<vmem_shared>> -> memref<8x128xf32, #tpu.memory_space<vmem_shared>>
        tpu.wait_dma2 semaphore(%run_scoped3A : memref<!tpu.dma_semaphore, #tpu.memory_space<semaphore_mem>>) src(%arg21 : memref<8x128xf32, #tpu.memory_space<vmem>>) dst(%dma_wait3A_929 : memref<8x128xf32, #tpu.memory_space<vmem_shared>>)
        tpu.yield
      }) : () -> ()
    }
    %scan3A_389 = arith.constant 80 : i32
    %barrier3A = arith.constant 0 : index
    tpu.barrier barrier_id(%barrier3A)
    "tpu.region"() ({
      %run_scoped3A = tpu.sem_alloc : memref<!tpu.dma_semaphore, #tpu.memory_space<semaphore_mem>>
      tpu.enqueue_dma source(%arg5 : memref<2x16xf32, #tpu.memory_space<hbm>>) target(%arg16 : memref<2x16xf32, #tpu.memory_space<vmem>>) target_semaphore(%run_scoped3A : memref<!tpu.dma_semaphore, #tpu.memory_space<semaphore_mem>>)
      tpu.wait_dma2 semaphore(%run_scoped3A : memref<!tpu.dma_semaphore, #tpu.memory_space<semaphore_mem>>) src(%arg5 : memref<2x16xf32, #tpu.memory_space<hbm>>) dst(%arg16 : memref<2x16xf32, #tpu.memory_space<vmem>>)
      tpu.yield
    }) : () -> ()
    %get3A = arith.constant 0 : i32
    %get3A_390 = arith.index_cast %get3A : i32 to index
    %get3A_391 = arith.constant 0 : index
    %get3A_392 = tpu.vector_load %arg16[%get3A_390, %get3A_391] {strides = array<i32>} : memref<2x16xf32, #tpu.memory_space<vmem>>, vector<1x16xf32>,
    %get3A_393 = vector.shape_cast %get3A_392 : vector<1x16xf32> to vector<16xf32>
    %get3A_394 = arith.constant 1 : i32
    %get3A_395 = arith.index_cast %get3A_394 : i32 to index
    %get3A_396 = arith.constant 0 : index
    %get3A_397 = tpu.vector_load %arg16[%get3A_395, %get3A_396] {strides = array<i32>} : memref<2x16xf32, #tpu.memory_space<vmem>>, vector<1x16xf32>,
    %get3A_398 = vector.shape_cast %get3A_397 : vector<1x16xf32> to vector<16xf32>
    %iota3A = tpu.iota {dimensions = array<i32: 0>} : vector<16xi32>
    %add3A_399 = arith.constant 0 : i32
    %add3A_400 = arith.addi %add3A, %add3A_399 : i32
    %min3A = arith.constant 2499 : i32
    %min3A_401 = arith.minsi %add3A_400, %min3A : i32
    %mul3A_402 = arith.constant 128 : i32
    %mul3A_403 = arith.muli %min3A_401, %mul3A_402 : i32
    %dma_start3A = arith.constant 0 : i32
    %dma_start3A_404 = tpu.memref_slice %arg2[%dma_start3A, %mul3A_403] : memref<2x320000xi32, #tpu.memory_space<hbm>> -> memref<1x128xi32, #tpu.memory_space<hbm>>
    %dma_start3A_405 = tpu.memref_squeeze %dma_start3A_404 : memref<1x128xi32, #tpu.memory_space<hbm>> -> memref<128xi32, #tpu.memory_space<hbm>>
    %dma_start3A_406 = tpu.memref_slice %arg2[%dma_start3A, %mul3A_403] : memref<2x320000xi32, #tpu.memory_space<hbm>> -> memref<1x128xi32, #tpu.memory_space<hbm>>
    %dma_start3A_407 = tpu.memref_squeeze %dma_start3A_406 : memref<1x128xi32, #tpu.memory_space<hbm>> -> memref<128xi32, #tpu.memory_space<hbm>>
    tpu.enqueue_dma source(%dma_start3A_407 : memref<128xi32, #tpu.memory_space<hbm>>) target(%arg8 : memref<128xi32, #tpu.memory_space<vmem>>) target_semaphore(%arg23 : memref<!tpu.dma_semaphore, #tpu.memory_space<semaphore_mem>>)
    %dma_start3A_408 = arith.constant 1 : i32
    %dma_start3A_409 = tpu.memref_slice %arg2[%dma_start3A_408, %mul3A_403] : memref<2x320000xi32, #tpu.memory_space<hbm>> -> memref<1x128xi32, #tpu.memory_space<hbm>>
    %dma_start3A_410 = tpu.memref_squeeze %dma_start3A_409 : memref<1x128xi32, #tpu.memory_space<hbm>> -> memref<128xi32, #tpu.memory_space<hbm>>
    %dma_start3A_411 = tpu.memref_slice %arg2[%dma_start3A_408, %mul3A_403] : memref<2x320000xi32, #tpu.memory_space<hbm>> -> memref<1x128xi32, #tpu.memory_space<hbm>>
    %dma_start3A_412 = tpu.memref_squeeze %dma_start3A_411 : memref<1x128xi32, #tpu.memory_space<hbm>> -> memref<128xi32, #tpu.memory_space<hbm>>
    tpu.enqueue_dma source(%dma_start3A_412 : memref<128xi32, #tpu.memory_space<hbm>>) target(%arg10 : memref<128xi32, #tpu.memory_space<vmem>>) target_semaphore(%arg25 : memref<!tpu.dma_semaphore, #tpu.memory_space<semaphore_mem>>)
    %dma_start3A_413 = tpu.memref_slice %arg3[%mul3A_403] : memref<320000xf32, #tpu.memory_space<hbm>> -> memref<128xf32, #tpu.memory_space<hbm>>
    %dma_start3A_414 = tpu.memref_slice %arg3[%mul3A_403] : memref<320000xf32, #tpu.memory_space<hbm>> -> memref<128xf32, #tpu.memory_space<hbm>>
    tpu.enqueue_dma source(%dma_start3A_414 : memref<128xf32, #tpu.memory_space<hbm>>) target(%arg12 : memref<128xf32, #tpu.memory_space<vmem>>) target_semaphore(%arg27 : memref<!tpu.dma_semaphore, #tpu.memory_space<semaphore_mem>>)
    %dma_start3A_415 = tpu.memref_slice %arg4[%mul3A_403] : memref<320000xf32, #tpu.memory_space<hbm>> -> memref<128xf32, #tpu.memory_space<hbm>>
    %dma_start3A_416 = tpu.memref_slice %arg4[%mul3A_403] : memref<320000xf32, #tpu.memory_space<hbm>> -> memref<128xf32, #tpu.memory_space<hbm>>
    tpu.enqueue_dma source(%dma_start3A_416 : memref<128xf32, #tpu.memory_space<hbm>>) target(%arg14 : memref<128xf32, #tpu.memory_space<vmem>>) target_semaphore(%arg29 : memref<!tpu.dma_semaphore, #tpu.memory_space<semaphore_mem>>)
    %add3A_417 = arith.constant 32 : i32
    %add3A_418 = arith.addi %add3A, %add3A_417 : i32
    %min3A_419 = arith.constant 2499 : i32
    %min3A_420 = arith.minsi %add3A_418, %min3A_419 : i32
    %mul3A_421 = arith.constant 128 : i32
    %mul3A_422 = arith.muli %min3A_420, %mul3A_421 : i32
    %dma_start3A_423 = arith.constant 0 : i32
    %dma_start3A_424 = tpu.memref_slice %arg2[%dma_start3A_423, %mul3A_422] : memref<2x320000xi32, #tpu.memory_space<hbm>> -> memref<1x128xi32, #tpu.memory_space<hbm>>
    %dma_start3A_425 = tpu.memref_squeeze %dma_start3A_424 : memref<1x128xi32, #tpu.memory_space<hbm>> -> memref<128xi32, #tpu.memory_space<hbm>>
    %dma_start3A_426 = tpu.memref_slice %arg2[%dma_start3A_423, %mul3A_422] : memref<2x320000xi32, #tpu.memory_space<hbm>> -> memref<1x128xi32, #tpu.memory_space<hbm>>
    %dma_start3A_427 = tpu.memref_squeeze %dma_start3A_426 : memref<1x128xi32, #tpu.memory_space<hbm>> -> memref<128xi32, #tpu.memory_space<hbm>>
    tpu.enqueue_dma source(%dma_start3A_427 : memref<128xi32, #tpu.memory_space<hbm>>) target(%arg9 : memref<128xi32, #tpu.memory_space<vmem>>) target_semaphore(%arg24 : memref<!tpu.dma_semaphore, #tpu.memory_space<semaphore_mem>>)
    %dma_start3A_428 = arith.constant 1 : i32
    %dma_start3A_429 = tpu.memref_slice %arg2[%dma_start3A_428, %mul3A_422] : memref<2x320000xi32, #tpu.memory_space<hbm>> -> memref<1x128xi32, #tpu.memory_space<hbm>>
    %dma_start3A_430 = tpu.memref_squeeze %dma_start3A_429 : memref<1x128xi32, #tpu.memory_space<hbm>> -> memref<128xi32, #tpu.memory_space<hbm>>
    %dma_start3A_431 = tpu.memref_slice %arg2[%dma_start3A_428, %mul3A_422] : memref<2x320000xi32, #tpu.memory_space<hbm>> -> memref<1x128xi32, #tpu.memory_space<hbm>>
    %dma_start3A_432 = tpu.memref_squeeze %dma_start3A_431 : memref<1x128xi32, #tpu.memory_space<hbm>> -> memref<128xi32, #tpu.memory_space<hbm>>
    tpu.enqueue_dma source(%dma_start3A_432 : memref<128xi32, #tpu.memory_space<hbm>>) target(%arg11 : memref<128xi32, #tpu.memory_space<vmem>>) target_semaphore(%arg26 : memref<!tpu.dma_semaphore, #tpu.memory_space<semaphore_mem>>)
    %dma_start3A_433 = tpu.memref_slice %arg3[%mul3A_422] : memref<320000xf32, #tpu.memory_space<hbm>> -> memref<128xf32, #tpu.memory_space<hbm>>
    %dma_start3A_434 = tpu.memref_slice %arg3[%mul3A_422] : memref<320000xf32, #tpu.memory_space<hbm>> -> memref<128xf32, #tpu.memory_space<hbm>>
    tpu.enqueue_dma source(%dma_start3A_434 : memref<128xf32, #tpu.memory_space<hbm>>) target(%arg13 : memref<128xf32, #tpu.memory_space<vmem>>) target_semaphore(%arg28 : memref<!tpu.dma_semaphore, #tpu.memory_space<semaphore_mem>>)
    %dma_start3A_435 = tpu.memref_slice %arg4[%mul3A_422] : memref<320000xf32, #tpu.memory_space<hbm>> -> memref<128xf32, #tpu.memory_space<hbm>>
    %dma_start3A_436 = tpu.memref_slice %arg4[%mul3A_422] : memref<320000xf32, #tpu.memory_space<hbm>> -> memref<128xf32, #tpu.memory_space<hbm>>
    tpu.enqueue_dma source(%dma_start3A_436 : memref<128xf32, #tpu.memory_space<hbm>>) target(%arg15 : memref<128xf32, #tpu.memory_space<vmem>>) target_semaphore(%arg30 : memref<!tpu.dma_semaphore, #tpu.memory_space<semaphore_mem>>)
    %dma_wait3A = arith.constant 0 : i32
    %dma_wait3A_437 = arith.constant 0 : i32
    %dma_wait3A_438 = tpu.memref_slice %arg2[%dma_wait3A, %dma_wait3A_437] : memref<2x320000xi32, #tpu.memory_space<hbm>> -> memref<1x128xi32, #tpu.memory_space<hbm>>
    %dma_wait3A_439 = tpu.memref_squeeze %dma_wait3A_438 : memref<1x128xi32, #tpu.memory_space<hbm>> -> memref<128xi32, #tpu.memory_space<hbm>>
    %dma_wait3A_440 = arith.constant 0 : i32
    %dma_wait3A_441 = tpu.memref_slice %arg2[%dma_wait3A, %dma_wait3A_440] : memref<2x320000xi32, #tpu.memory_space<hbm>> -> memref<1x128xi32, #tpu.memory_space<hbm>>
    %dma_wait3A_442 = tpu.memref_squeeze %dma_wait3A_441 : memref<1x128xi32, #tpu.memory_space<hbm>> -> memref<128xi32, #tpu.memory_space<hbm>>
    tpu.wait_dma2 semaphore(%arg23 : memref<!tpu.dma_semaphore, #tpu.memory_space<semaphore_mem>>) src(%dma_wait3A_442 : memref<128xi32, #tpu.memory_space<hbm>>) dst(%arg8 : memref<128xi32, #tpu.memory_space<vmem>>)
    %dma_wait3A_443 = arith.constant 1 : i32
    %dma_wait3A_444 = arith.constant 0 : i32
    %dma_wait3A_445 = tpu.memref_slice %arg2[%dma_wait3A_443, %dma_wait3A_444] : memref<2x320000xi32, #tpu.memory_space<hbm>> -> memref<1x128xi32, #tpu.memory_space<hbm>>
    %dma_wait3A_446 = tpu.memref_squeeze %dma_wait3A_445 : memref<1x128xi32, #tpu.memory_space<hbm>> -> memref<128xi32, #tpu.memory_space<hbm>>
    %dma_wait3A_447 = arith.constant 0 : i32
    %dma_wait3A_448 = tpu.memref_slice %arg2[%dma_wait3A_443, %dma_wait3A_447] : memref<2x320000xi32, #tpu.memory_space<hbm>> -> memref<1x128xi32, #tpu.memory_space<hbm>>
    %dma_wait3A_449 = tpu.memref_squeeze %dma_wait3A_448 : memref<1x128xi32, #tpu.memory_space<hbm>> -> memref<128xi32, #tpu.memory_space<hbm>>
    tpu.wait_dma2 semaphore(%arg25 : memref<!tpu.dma_semaphore, #tpu.memory_space<semaphore_mem>>) src(%dma_wait3A_449 : memref<128xi32, #tpu.memory_space<hbm>>) dst(%arg10 : memref<128xi32, #tpu.memory_space<vmem>>)
    %dma_wait3A_450 = arith.constant 0 : i32
    %dma_wait3A_451 = tpu.memref_slice %arg3[%dma_wait3A_450] : memref<320000xf32, #tpu.memory_space<hbm>> -> memref<128xf32, #tpu.memory_space<hbm>>
    %dma_wait3A_452 = arith.constant 0 : i32
    %dma_wait3A_453 = tpu.memref_slice %arg3[%dma_wait3A_452] : memref<320000xf32, #tpu.memory_space<hbm>> -> memref<128xf32, #tpu.memory_space<hbm>>
    tpu.wait_dma2 semaphore(%arg27 : memref<!tpu.dma_semaphore, #tpu.memory_space<semaphore_mem>>) src(%dma_wait3A_453 : memref<128xf32, #tpu.memory_space<hbm>>) dst(%arg12 : memref<128xf32, #tpu.memory_space<vmem>>)
    %dma_wait3A_454 = arith.constant 0 : i32
    %dma_wait3A_455 = tpu.memref_slice %arg4[%dma_wait3A_454] : memref<320000xf32, #tpu.memory_space<hbm>> -> memref<128xf32, #tpu.memory_space<hbm>>
    %dma_wait3A_456 = arith.constant 0 : i32
    %dma_wait3A_457 = tpu.memref_slice %arg4[%dma_wait3A_456] : memref<320000xf32, #tpu.memory_space<hbm>> -> memref<128xf32, #tpu.memory_space<hbm>>
    tpu.wait_dma2 semaphore(%arg29 : memref<!tpu.dma_semaphore, #tpu.memory_space<semaphore_mem>>) src(%dma_wait3A_457 : memref<128xf32, #tpu.memory_space<hbm>>) dst(%arg14 : memref<128xf32, #tpu.memory_space<vmem>>)
    %dma_start3A_458 = arith.constant 0 : i32
    %dma_start3A_459 = arith.constant 0 : i32
    %dma_start3A_460 = tpu.memref_slice %arg6[%dma_start3A_458, %dma_start3A_459] : memref<10000x128xf32, #tpu.memory_space<hbm>> -> memref<10000x128xf32, #tpu.memory_space<hbm>>
    tpu.enqueue_indirect_dma source(%dma_start3A_460 : memref<10000x128xf32, #tpu.memory_space<hbm>>) target(%arg17 : memref<128x128xf32, #tpu.memory_space<vmem>>) offsets(%arg8 : memref<128xi32, #tpu.memory_space<vmem>>) semaphore(%arg31 : memref<!tpu.dma_semaphore, #tpu.memory_space<semaphore_mem>>)
    %scan3A_461 = arith.constant 0 : i32
    %scan3A_462 = arith.constant 0 : i32
    %scan3A_463 = arith.constant 39 : i32
    %scan3A_464 = arith.addi %scan3A_462, %scan3A_463 : i32
    %scan3A_465 = arith.constant 1 : i32
    scf.for %scan3A_916 = %scan3A_462 to %scan3A_464 step %scan3A_465  : i32 {
      %mul3A_917 = arith.constant 2 : i32
      %mul3A_918 = arith.muli %mul3A_917, %scan3A_916 : i32
      %dma_wait3A_919 = arith.constant 0 : i32
      %dma_wait3A_920 = arith.constant 0 : i32
      %dma_wait3A_921 = tpu.memref_slice %arg2[%dma_wait3A_919, %dma_wait3A_920] : memref<2x320000xi32, #tpu.memory_space<hbm>> -> memref<1x128xi32, #tpu.memory_space<hbm>>
      %dma_wait3A_922 = tpu.memref_squeeze %dma_wait3A_921 : memref<1x128xi32, #tpu.memory_space<hbm>> -> memref<128xi32, #tpu.memory_space<hbm>>
      %dma_wait3A_923 = arith.constant 0 : i32
      %dma_wait3A_924 = tpu.memref_slice %arg2[%dma_wait3A_919, %dma_wait3A_923] : memref<2x320000xi32, #tpu.memory_space<hbm>> -> memref<1x128xi32, #tpu.memory_space<hbm>>
      %dma_wait3A_925 = tpu.memref_squeeze %dma_wait3A_924 : memref<1x128xi32, #tpu.memory_space<hbm>> -> memref<128xi32, #tpu.memory_space<hbm>>
      tpu.wait_dma2 semaphore(%arg24 : memref<!tpu.dma_semaphore, #tpu.memory_space<semaphore_mem>>) src(%dma_wait3A_925 : memref<128xi32, #tpu.memory_space<hbm>>) dst(%arg9 : memref<128xi32, #tpu.memory_space<vmem>>)
      %dma_wait3A_926 = arith.constant 1 : i32
      %dma_wait3A_927 = arith.constant 0 : i32
      %dma_wait3A_928 = tpu.memref_slice %arg2[%dma_wait3A_926, %dma_wait3A_927] : memref<2x320000xi32, #tpu.memory_space<hbm>> -> memref<1x128xi32, #tpu.memory_space<hbm>>
      %dma_wait3A_929 = tpu.memref_squeeze %dma_wait3A_928 : memref<1x128xi32, #tpu.memory_space<hbm>> -> memref<128xi32, #tpu.memory_space<hbm>>
      %dma_wait3A_930 = arith.constant 0 : i32
      %dma_wait3A_931 = tpu.memref_slice %arg2[%dma_wait3A_926, %dma_wait3A_930] : memref<2x320000xi32, #tpu.memory_space<hbm>> -> memref<1x128xi32, #tpu.memory_space<hbm>>
      %dma_wait3A_932 = tpu.memref_squeeze %dma_wait3A_931 : memref<1x128xi32, #tpu.memory_space<hbm>> -> memref<128xi32, #tpu.memory_space<hbm>>
      tpu.wait_dma2 semaphore(%arg26 : memref<!tpu.dma_semaphore, #tpu.memory_space<semaphore_mem>>) src(%dma_wait3A_932 : memref<128xi32, #tpu.memory_space<hbm>>) dst(%arg11 : memref<128xi32, #tpu.memory_space<vmem>>)
      %dma_wait3A_933 = arith.constant 0 : i32
      %dma_wait3A_934 = tpu.memref_slice %arg3[%dma_wait3A_933] : memref<320000xf32, #tpu.memory_space<hbm>> -> memref<128xf32, #tpu.memory_space<hbm>>
      %dma_wait3A_935 = arith.constant 0 : i32
      %dma_wait3A_936 = tpu.memref_slice %arg3[%dma_wait3A_935] : memref<320000xf32, #tpu.memory_space<hbm>> -> memref<128xf32, #tpu.memory_space<hbm>>
      tpu.wait_dma2 semaphore(%arg28 : memref<!tpu.dma_semaphore, #tpu.memory_space<semaphore_mem>>) src(%dma_wait3A_936 : memref<128xf32, #tpu.memory_space<hbm>>) dst(%arg13 : memref<128xf32, #tpu.memory_space<vmem>>)
      %dma_wait3A_937 = arith.constant 0 : i32
      %dma_wait3A_938 = tpu.memref_slice %arg4[%dma_wait3A_937] : memref<320000xf32, #tpu.memory_space<hbm>> -> memref<128xf32, #tpu.memory_space<hbm>>
      %dma_wait3A_939 = arith.constant 0 : i32
      %dma_wait3A_940 = tpu.memref_slice %arg4[%dma_wait3A_939] : memref<320000xf32, #tpu.memory_space<hbm>> -> memref<128xf32, #tpu.memory_space<hbm>>
      tpu.wait_dma2 semaphore(%arg30 : memref<!tpu.dma_semaphore, #tpu.memory_space<semaphore_mem>>) src(%dma_wait3A_940 : memref<128xf32, #tpu.memory_space<hbm>>) dst(%arg15 : memref<128xf32, #tpu.memory_space<vmem>>)
      %dma_start3A_941 = arith.constant 0 : i32
      %dma_start3A_942 = arith.constant 0 : i32
      %dma_start3A_943 = tpu.memref_slice %arg6[%dma_start3A_941, %dma_start3A_942] : memref<10000x128xf32, #tpu.memory_space<hbm>> -> memref<10000x128xf32, #tpu.memory_space<hbm>>
      tpu.enqueue_indirect_dma source(%dma_start3A_943 : memref<10000x128xf32, #tpu.memory_space<hbm>>) target(%arg18 : memref<128x128xf32, #tpu.memory_space<vmem>>) offsets(%arg9 : memref<128xi32, #tpu.memory_space<vmem>>) semaphore(%arg32 : memref<!tpu.dma_semaphore, #tpu.memory_space<semaphore_mem>>)
      %mul3A_944 = arith.constant 32 : i32
      %mul3A_945 = arith.muli %mul3A_944, %mul3A_918 : i32
      %add3A_946 = arith.addi %add3A, %mul3A_945 : i32
      %lt3A_947 = arith.constant 2500 : i32
      %lt3A_948 = arith.cmpi slt, %add3A_946, %lt3A_947 : i32
      %jit3A_949 = arith.constant 1.000000e+00 : f32
      %jit3A_950 = arith.constant 0.000000e+00 : f32
      %select_n3A_951 = arith.select %lt3A_948, %jit3A_949, %jit3A_950 : f32
      %get3A_952 = arith.constant 0 : index
      %get3A_953 = tpu.vector_load %arg12[%get3A_952] {strides = array<i32>} : memref<128xf32, #tpu.memory_space<vmem>>, vector<16xf32>,
      %get3A_954 = vector.shape_cast %get3A_953 : vector<16xf32> to vector<16xf32>
      %get3A_955 = arith.constant 0 : index
      %get3A_956 = tpu.vector_load %arg14[%get3A_955] {strides = array<i32>} : memref<128xf32, #tpu.memory_space<vmem>>, vector<16xf32>,
      %get3A_957 = vector.shape_cast %get3A_956 : vector<16xf32> to vector<16xf32>
      %mul3A_958 = arith.mulf %get3A_393, %get3A_954 : vector<16xf32>
      %mul3A_959 = arith.mulf %get3A_398, %get3A_957 : vector<16xf32>
      %add3A_960 = arith.addf %mul3A_958, %mul3A_959 : vector<16xf32>
      %mul3A_961 = vector.broadcast %select_n3A_951 : f32 to vector<16xf32>
      %mul3A_962 = arith.mulf %add3A_960, %mul3A_961 : vector<16xf32>
      %ne3A_963 = arith.constant 0.000000e+00 : f32
      %ne3A_964 = vector.broadcast %ne3A_963 : f32 to vector<16xf32>
      %ne3A_965 = arith.cmpf one, %mul3A_962, %ne3A_964 : vector<16xf32>
      %add3A_966 = arith.constant 10000 : i32
      %add3A_967 = vector.broadcast %add3A_966 : i32 to vector<16xi32>
      %add3A_968 = arith.addi %add3A_967, %iota3A : vector<16xi32>
      %get3A_969 = arith.constant 0 : index
      %get3A_970 = tpu.vector_load %arg10[%get3A_969] {strides = array<i32>} : memref<128xi32, #tpu.memory_space<vmem>>, vector<16xi32>,
      %get3A_971 = vector.shape_cast %get3A_970 : vector<16xi32> to vector<16xi32>
      %select_n3A_972 = arith.select %ne3A_965, %get3A_971, %add3A_968 : vector<16xi1>, vector<16xi32>
      %swap3A_973 = arith.constant 0 : index
      %swap3A_974 = tpu.vector_load %arg19[%swap3A_973] {strides = array<i32>} : memref<128xi32, #tpu.memory_space<vmem>>, vector<16xi32>,
      %swap3A_975 = vector.shape_cast %swap3A_974 : vector<16xi32> to vector<16xi32>
      %swap3A_976 = vector.shape_cast %select_n3A_972 : vector<16xi32> to vector<16xi32>
      tpu.vector_store %arg19[%swap3A_973], %swap3A_976 {strides = array<i32>} : memref<128xi32, #tpu.memory_space<vmem>>, vector<16xi32>,
      %get3A_977 = arith.constant 16 : index
      %get3A_978 = tpu.vector_load %arg12[%get3A_977] {strides = array<i32>} : memref<128xf32, #tpu.memory_space<vmem>>, vector<16xf32>,
      %get3A_979 = vector.shape_cast %get3A_978 : vector<16xf32> to vector<16xf32>
      %get3A_980 = arith.constant 16 : index
      %get3A_981 = tpu.vector_load %arg14[%get3A_980] {strides = array<i32>} : memref<128xf32, #tpu.memory_space<vmem>>, vector<16xf32>,
      %get3A_982 = vector.shape_cast %get3A_981 : vector<16xf32> to vector<16xf32>
      %mul3A_983 = arith.mulf %get3A_393, %get3A_979 : vector<16xf32>
      %mul3A_984 = arith.mulf %get3A_398, %get3A_982 : vector<16xf32>
      %add3A_985 = arith.addf %mul3A_983, %mul3A_984 : vector<16xf32>
      %mul3A_986 = vector.broadcast %select_n3A_951 : f32 to vector<16xf32>
      %mul3A_987 = arith.mulf %add3A_985, %mul3A_986 : vector<16xf32>
      %ne3A_988 = arith.constant 0.000000e+00 : f32
      %ne3A_989 = vector.broadcast %ne3A_988 : f32 to vector<16xf32>
      %ne3A_990 = arith.cmpf one, %mul3A_987, %ne3A_989 : vector<16xf32>
      %add3A_991 = arith.constant 10016 : i32
      %add3A_992 = vector.broadcast %add3A_991 : i32 to vector<16xi32>
      %add3A_993 = arith.addi %add3A_992, %iota3A : vector<16xi32>
      %get3A_994 = arith.constant 16 : index
      %get3A_995 = tpu.vector_load %arg10[%get3A_994] {strides = array<i32>} : memref<128xi32, #tpu.memory_space<vmem>>, vector<16xi32>,
      %get3A_996 = vector.shape_cast %get3A_995 : vector<16xi32> to vector<16xi32>
      %select_n3A_997 = arith.select %ne3A_990, %get3A_996, %add3A_993 : vector<16xi1>, vector<16xi32>
      %swap3A_998 = arith.constant 16 : index
      %swap3A_999 = tpu.vector_load %arg19[%swap3A_998] {strides = array<i32>} : memref<128xi32, #tpu.memory_space<vmem>>, vector<16xi32>,
      %swap3A_1000 = vector.shape_cast %swap3A_999 : vector<16xi32> to vector<16xi32>
      %swap3A_1001 = vector.shape_cast %select_n3A_997 : vector<16xi32> to vector<16xi32>
      tpu.vector_store %arg19[%swap3A_998], %swap3A_1001 {strides = array<i32>} : memref<128xi32, #tpu.memory_space<vmem>>, vector<16xi32>,
      %get3A_1002 = arith.constant 32 : index
      %get3A_1003 = tpu.vector_load %arg12[%get3A_1002] {strides = array<i32>} : memref<128xf32, #tpu.memory_space<vmem>>, vector<16xf32>,
      %get3A_1004 = vector.shape_cast %get3A_1003 : vector<16xf32> to vector<16xf32>
      %get3A_1005 = arith.constant 32 : index
      %get3A_1006 = tpu.vector_load %arg14[%get3A_1005] {strides = array<i32>} : memref<128xf32, #tpu.memory_space<vmem>>, vector<16xf32>,
      %get3A_1007 = vector.shape_cast %get3A_1006 : vector<16xf32> to vector<16xf32>
      %mul3A_1008 = arith.mulf %get3A_393, %get3A_1004 : vector<16xf32>
      %mul3A_1009 = arith.mulf %get3A_398, %get3A_1007 : vector<16xf32>
      %add3A_1010 = arith.addf %mul3A_1008, %mul3A_1009 : vector<16xf32>
      %mul3A_1011 = vector.broadcast %select_n3A_951 : f32 to vector<16xf32>
      %mul3A_1012 = arith.mulf %add3A_1010, %mul3A_1011 : vector<16xf32>
      %ne3A_1013 = arith.constant 0.000000e+00 : f32
      %ne3A_1014 = vector.broadcast %ne3A_1013 : f32 to vector<16xf32>
      %ne3A_1015 = arith.cmpf one, %mul3A_1012, %ne3A_1014 : vector<16xf32>
      %add3A_1016 = arith.constant 10032 : i32
      %add3A_1017 = vector.broadcast %add3A_1016 : i32 to vector<16xi32>
      %add3A_1018 = arith.addi %add3A_1017, %iota3A : vector<16xi32>
      %get3A_1019 = arith.constant 32 : index
      %get3A_1020 = tpu.vector_load %arg10[%get3A_1019] {strides = array<i32>} : memref<128xi32, #tpu.memory_space<vmem>>, vector<16xi32>,
      %get3A_1021 = vector.shape_cast %get3A_1020 : vector<16xi32> to vector<16xi32>
      %select_n3A_1022 = arith.select %ne3A_1015, %get3A_1021, %add3A_1018 : vector<16xi1>, vector<16xi32>
      %swap3A_1023 = arith.constant 32 : index
      %swap3A_1024 = tpu.vector_load %arg19[%swap3A_1023] {strides = array<i32>} : memref<128xi32, #tpu.memory_space<vmem>>, vector<16xi32>,
      %swap3A_1025 = vector.shape_cast %swap3A_1024 : vector<16xi32> to vector<16xi32>
      %swap3A_1026 = vector.shape_cast %select_n3A_1022 : vector<16xi32> to vector<16xi32>
      tpu.vector_store %arg19[%swap3A_1023], %swap3A_1026 {strides = array<i32>} : memref<128xi32, #tpu.memory_space<vmem>>, vector<16xi32>,
      %get3A_1027 = arith.constant 48 : index
      %get3A_1028 = tpu.vector_load %arg12[%get3A_1027] {strides = array<i32>} : memref<128xf32, #tpu.memory_space<vmem>>, vector<16xf32>,
      %get3A_1029 = vector.shape_cast %get3A_1028 : vector<16xf32> to vector<16xf32>
      %get3A_1030 = arith.constant 48 : index
      %get3A_1031 = tpu.vector_load %arg14[%get3A_1030] {strides = array<i32>} : memref<128xf32, #tpu.memory_space<vmem>>, vector<16xf32>,
      %get3A_1032 = vector.shape_cast %get3A_1031 : vector<16xf32> to vector<16xf32>
      %mul3A_1033 = arith.mulf %get3A_393, %get3A_1029 : vector<16xf32>
      %mul3A_1034 = arith.mulf %get3A_398, %get3A_1032 : vector<16xf32>
      %add3A_1035 = arith.addf %mul3A_1033, %mul3A_1034 : vector<16xf32>
      %mul3A_1036 = vector.broadcast %select_n3A_951 : f32 to vector<16xf32>
      %mul3A_1037 = arith.mulf %add3A_1035, %mul3A_1036 : vector<16xf32>
      %ne3A_1038 = arith.constant 0.000000e+00 : f32
      %ne3A_1039 = vector.broadcast %ne3A_1038 : f32 to vector<16xf32>
      %ne3A_1040 = arith.cmpf one, %mul3A_1037, %ne3A_1039 : vector<16xf32>
      %add3A_1041 = arith.constant 10048 : i32
      %add3A_1042 = vector.broadcast %add3A_1041 : i32 to vector<16xi32>
      %add3A_1043 = arith.addi %add3A_1042, %iota3A : vector<16xi32>
      %get3A_1044 = arith.constant 48 : index
      %get3A_1045 = tpu.vector_load %arg10[%get3A_1044] {strides = array<i32>} : memref<128xi32, #tpu.memory_space<vmem>>, vector<16xi32>,
      %get3A_1046 = vector.shape_cast %get3A_1045 : vector<16xi32> to vector<16xi32>
      %select_n3A_1047 = arith.select %ne3A_1040, %get3A_1046, %add3A_1043 : vector<16xi1>, vector<16xi32>
      %swap3A_1048 = arith.constant 48 : index
      %swap3A_1049 = tpu.vector_load %arg19[%swap3A_1048] {strides = array<i32>} : memref<128xi32, #tpu.memory_space<vmem>>, vector<16xi32>,
      %swap3A_1050 = vector.shape_cast %swap3A_1049 : vector<16xi32> to vector<16xi32>
      %swap3A_1051 = vector.shape_cast %select_n3A_1047 : vector<16xi32> to vector<16xi32>
      tpu.vector_store %arg19[%swap3A_1048], %swap3A_1051 {strides = array<i32>} : memref<128xi32, #tpu.memory_space<vmem>>, vector<16xi32>,
      %get3A_1052 = arith.constant 64 : index
      %get3A_1053 = tpu.vector_load %arg12[%get3A_1052] {strides = array<i32>} : memref<128xf32, #tpu.memory_space<vmem>>, vector<16xf32>,
      %get3A_1054 = vector.shape_cast %get3A_1053 : vector<16xf32> to vector<16xf32>
      %get3A_1055 = arith.constant 64 : index
      %get3A_1056 = tpu.vector_load %arg14[%get3A_1055] {strides = array<i32>} : memref<128xf32, #tpu.memory_space<vmem>>, vector<16xf32>,
      %get3A_1057 = vector.shape_cast %get3A_1056 : vector<16xf32> to vector<16xf32>
      %mul3A_1058 = arith.mulf %get3A_393, %get3A_1054 : vector<16xf32>
      %mul3A_1059 = arith.mulf %get3A_398, %get3A_1057 : vector<16xf32>
      %add3A_1060 = arith.addf %mul3A_1058, %mul3A_1059 : vector<16xf32>
      %mul3A_1061 = vector.broadcast %select_n3A_951 : f32 to vector<16xf32>
      %mul3A_1062 = arith.mulf %add3A_1060, %mul3A_1061 : vector<16xf32>
      %ne3A_1063 = arith.constant 0.000000e+00 : f32
      %ne3A_1064 = vector.broadcast %ne3A_1063 : f32 to vector<16xf32>
      %ne3A_1065 = arith.cmpf one, %mul3A_1062, %ne3A_1064 : vector<16xf32>
      %add3A_1066 = arith.constant 10064 : i32
      %add3A_1067 = vector.broadcast %add3A_1066 : i32 to vector<16xi32>
      %add3A_1068 = arith.addi %add3A_1067, %iota3A : vector<16xi32>
      %get3A_1069 = arith.constant 64 : index
      %get3A_1070 = tpu.vector_load %arg10[%get3A_1069] {strides = array<i32>} : memref<128xi32, #tpu.memory_space<vmem>>, vector<16xi32>,
      %get3A_1071 = vector.shape_cast %get3A_1070 : vector<16xi32> to vector<16xi32>
      %select_n3A_1072 = arith.select %ne3A_1065, %get3A_1071, %add3A_1068 : vector<16xi1>, vector<16xi32>
      %swap3A_1073 = arith.constant 64 : index
      %swap3A_1074 = tpu.vector_load %arg19[%swap3A_1073] {strides = array<i32>} : memref<128xi32, #tpu.memory_space<vmem>>, vector<16xi32>,
      %swap3A_1075 = vector.shape_cast %swap3A_1074 : vector<16xi32> to vector<16xi32>
      %swap3A_1076 = vector.shape_cast %select_n3A_1072 : vector<16xi32> to vector<16xi32>
      tpu.vector_store %arg19[%swap3A_1073], %swap3A_1076 {strides = array<i32>} : memref<128xi32, #tpu.memory_space<vmem>>, vector<16xi32>,
      %get3A_1077 = arith.constant 80 : index
      %get3A_1078 = tpu.vector_load %arg12[%get3A_1077] {strides = array<i32>} : memref<128xf32, #tpu.memory_space<vmem>>, vector<16xf32>,
      %get3A_1079 = vector.shape_cast %get3A_1078 : vector<16xf32> to vector<16xf32>
      %get3A_1080 = arith.constant 80 : index
      %get3A_1081 = tpu.vector_load %arg14[%get3A_1080] {strides = array<i32>} : memref<128xf32, #tpu.memory_space<vmem>>, vector<16xf32>,
      %get3A_1082 = vector.shape_cast %get3A_1081 : vector<16xf32> to vector<16xf32>
      %mul3A_1083 = arith.mulf %get3A_393, %get3A_1079 : vector<16xf32>
      %mul3A_1084 = arith.mulf %get3A_398, %get3A_1082 : vector<16xf32>
      %add3A_1085 = arith.addf %mul3A_1083, %mul3A_1084 : vector<16xf32>
      %mul3A_1086 = vector.broadcast %select_n3A_951 : f32 to vector<16xf32>
      %mul3A_1087 = arith.mulf %add3A_1085, %mul3A_1086 : vector<16xf32>
      %ne3A_1088 = arith.constant 0.000000e+00 : f32
      %ne3A_1089 = vector.broadcast %ne3A_1088 : f32 to vector<16xf32>
      %ne3A_1090 = arith.cmpf one, %mul3A_1087, %ne3A_1089 : vector<16xf32>
      %add3A_1091 = arith.constant 10080 : i32
      %add3A_1092 = vector.broadcast %add3A_1091 : i32 to vector<16xi32>
      %add3A_1093 = arith.addi %add3A_1092, %iota3A : vector<16xi32>
      %get3A_1094 = arith.constant 80 : index
      %get3A_1095 = tpu.vector_load %arg10[%get3A_1094] {strides = array<i32>} : memref<128xi32, #tpu.memory_space<vmem>>, vector<16xi32>,
      %get3A_1096 = vector.shape_cast %get3A_1095 : vector<16xi32> to vector<16xi32>
      %select_n3A_1097 = arith.select %ne3A_1090, %get3A_1096, %add3A_1093 : vector<16xi1>, vector<16xi32>
      %swap3A_1098 = arith.constant 80 : index
      %swap3A_1099 = tpu.vector_load %arg19[%swap3A_1098] {strides = array<i32>} : memref<128xi32, #tpu.memory_space<vmem>>, vector<16xi32>,
      %swap3A_1100 = vector.shape_cast %swap3A_1099 : vector<16xi32> to vector<16xi32>
      %swap3A_1101 = vector.shape_cast %select_n3A_1097 : vector<16xi32> to vector<16xi32>
      tpu.vector_store %arg19[%swap3A_1098], %swap3A_1101 {strides = array<i32>} : memref<128xi32, #tpu.memory_space<vmem>>, vector<16xi32>,
      %get3A_1102 = arith.constant 96 : index
      %get3A_1103 = tpu.vector_load %arg12[%get3A_1102] {strides = array<i32>} : memref<128xf32, #tpu.memory_space<vmem>>, vector<16xf32>,
      %get3A_1104 = vector.shape_cast %get3A_1103 : vector<16xf32> to vector<16xf32>
      %get3A_1105 = arith.constant 96 : index
      %get3A_1106 = tpu.vector_load %arg14[%get3A_1105] {strides = array<i32>} : memref<128xf32, #tpu.memory_space<vmem>>, vector<16xf32>,
      %get3A_1107 = vector.shape_cast %get3A_1106 : vector<16xf32> to vector<16xf32>
      %mul3A_1108 = arith.mulf %get3A_393, %get3A_1104 : vector<16xf32>
      %mul3A_1109 = arith.mulf %get3A_398, %get3A_1107 : vector<16xf32>
      %add3A_1110 = arith.addf %mul3A_1108, %mul3A_1109 : vector<16xf32>
      %mul3A_1111 = vector.broadcast %select_n3A_951 : f32 to vector<16xf32>
      %mul3A_1112 = arith.mulf %add3A_1110, %mul3A_1111 : vector<16xf32>
      %ne3A_1113 = arith.constant 0.000000e+00 : f32
      %ne3A_1114 = vector.broadcast %ne3A_1113 : f32 to vector<16xf32>
      %ne3A_1115 = arith.cmpf one, %mul3A_1112, %ne3A_1114 : vector<16xf32>
      %add3A_1116 = arith.constant 10096 : i32
      %add3A_1117 = vector.broadcast %add3A_1116 : i32 to vector<16xi32>
      %add3A_1118 = arith.addi %add3A_1117, %iota3A : vector<16xi32>
      %get3A_1119 = arith.constant 96 : index
      %get3A_1120 = tpu.vector_load %arg10[%get3A_1119] {strides = array<i32>} : memref<128xi32, #tpu.memory_space<vmem>>, vector<16xi32>,
      %get3A_1121 = vector.shape_cast %get3A_1120 : vector<16xi32> to vector<16xi32>
      %select_n3A_1122 = arith.select %ne3A_1115, %get3A_1121, %add3A_1118 : vector<16xi1>, vector<16xi32>
      %swap3A_1123 = arith.constant 96 : index
      %swap3A_1124 = tpu.vector_load %arg19[%swap3A_1123] {strides = array<i32>} : memref<128xi32, #tpu.memory_space<vmem>>, vector<16xi32>,
      %swap3A_1125 = vector.shape_cast %swap3A_1124 : vector<16xi32> to vector<16xi32>
      %swap3A_1126 = vector.shape_cast %select_n3A_1122 : vector<16xi32> to vector<16xi32>
      tpu.vector_store %arg19[%swap3A_1123], %swap3A_1126 {strides = array<i32>} : memref<128xi32, #tpu.memory_space<vmem>>, vector<16xi32>,
      %get3A_1127 = arith.constant 112 : index
      %get3A_1128 = tpu.vector_load %arg12[%get3A_1127] {strides = array<i32>} : memref<128xf32, #tpu.memory_space<vmem>>, vector<16xf32>,
      %get3A_1129 = vector.shape_cast %get3A_1128 : vector<16xf32> to vector<16xf32>
      %get3A_1130 = arith.constant 112 : index
      %get3A_1131 = tpu.vector_load %arg14[%get3A_1130] {strides = array<i32>} : memref<128xf32, #tpu.memory_space<vmem>>, vector<16xf32>,
      %get3A_1132 = vector.shape_cast %get3A_1131 : vector<16xf32> to vector<16xf32>
      %mul3A_1133 = arith.mulf %get3A_393, %get3A_1129 : vector<16xf32>
      %mul3A_1134 = arith.mulf %get3A_398, %get3A_1132 : vector<16xf32>
      %add3A_1135 = arith.addf %mul3A_1133, %mul3A_1134 : vector<16xf32>
      %mul3A_1136 = vector.broadcast %select_n3A_951 : f32 to vector<16xf32>
      %mul3A_1137 = arith.mulf %add3A_1135, %mul3A_1136 : vector<16xf32>
      %ne3A_1138 = arith.constant 0.000000e+00 : f32
      %ne3A_1139 = vector.broadcast %ne3A_1138 : f32 to vector<16xf32>
      %ne3A_1140 = arith.cmpf one, %mul3A_1137, %ne3A_1139 : vector<16xf32>
      %add3A_1141 = arith.constant 10112 : i32
      %add3A_1142 = vector.broadcast %add3A_1141 : i32 to vector<16xi32>
      %add3A_1143 = arith.addi %add3A_1142, %iota3A : vector<16xi32>
      %get3A_1144 = arith.constant 112 : index
      %get3A_1145 = tpu.vector_load %arg10[%get3A_1144] {strides = array<i32>} : memref<128xi32, #tpu.memory_space<vmem>>, vector<16xi32>,
      %get3A_1146 = vector.shape_cast %get3A_1145 : vector<16xi32> to vector<16xi32>
      %select_n3A_1147 = arith.select %ne3A_1140, %get3A_1146, %add3A_1143 : vector<16xi1>, vector<16xi32>
      %swap3A_1148 = arith.constant 112 : index
      %swap3A_1149 = tpu.vector_load %arg19[%swap3A_1148] {strides = array<i32>} : memref<128xi32, #tpu.memory_space<vmem>>, vector<16xi32>,
      %swap3A_1150 = vector.shape_cast %swap3A_1149 : vector<16xi32> to vector<16xi32>
      %swap3A_1151 = vector.shape_cast %select_n3A_1147 : vector<16xi32> to vector<16xi32>
      tpu.vector_store %arg19[%swap3A_1148], %swap3A_1151 {strides = array<i32>} : memref<128xi32, #tpu.memory_space<vmem>>, vector<16xi32>,
      %dma_wait3A_1152 = arith.constant 0 : i32
      %dma_wait3A_1153 = arith.constant 0 : i32
      %dma_wait3A_1154 = tpu.memref_slice %arg6[%dma_wait3A_1152, %dma_wait3A_1153] : memref<10000x128xf32, #tpu.memory_space<hbm>> -> memref<10000x128xf32, #tpu.memory_space<hbm>>
      tpu.wait_indirect_dma semaphore(%arg31 : memref<!tpu.dma_semaphore, #tpu.memory_space<semaphore_mem>>) src(%dma_wait3A_1154 : memref<10000x128xf32, #tpu.memory_space<hbm>>) dst(%arg17 : memref<128x128xf32, #tpu.memory_space<vmem>>)
      "tpu.region"() ({
        %run_scoped3A = tpu.sem_alloc : memref<!tpu.dma_semaphore, #tpu.memory_space<semaphore_mem>>
        %dma_start3A_1439 = arith.constant 0 : i32
        %dma_start3A_1440 = arith.constant 0 : i32
        %dma_start3A_1441 = tpu.memref_slice %arg22[%dma_start3A_1439, %dma_start3A_1440] : memref<10240x128xf32, #tpu.memory_space<vmem_shared>> -> memref<10240x128xf32, #tpu.memory_space<vmem_shared>>
        tpu.enqueue_indirect_dma source(%arg17 : memref<128x128xf32, #tpu.memory_space<vmem>>) target(%dma_start3A_1441 : memref<10240x128xf32, #tpu.memory_space<vmem_shared>>) offsets(%arg19 : memref<128xi32, #tpu.memory_space<vmem>>) semaphore(%run_scoped3A : memref<!tpu.dma_semaphore, #tpu.memory_space<semaphore_mem>>) {add = true}
        %dma_wait3A_1442 = arith.constant 0 : i32
        %dma_wait3A_1443 = arith.constant 0 : i32
        %dma_wait3A_1444 = tpu.memref_slice %arg22[%dma_wait3A_1442, %dma_wait3A_1443] : memref<10240x128xf32, #tpu.memory_space<vmem_shared>> -> memref<10240x128xf32, #tpu.memory_space<vmem_shared>>
        tpu.wait_indirect_dma semaphore(%run_scoped3A : memref<!tpu.dma_semaphore, #tpu.memory_space<semaphore_mem>>) src(%arg17 : memref<128x128xf32, #tpu.memory_space<vmem>>) dst(%dma_wait3A_1444 : memref<10240x128xf32, #tpu.memory_space<vmem_shared>>)
        tpu.yield
      }) : () -> ()
      %add3A_1155 = arith.constant 2 : i32
      %add3A_1156 = arith.addi %mul3A_918, %add3A_1155 : i32
      %mul3A_1157 = arith.constant 32 : i32
      %mul3A_1158 = arith.muli %mul3A_1157, %add3A_1156 : i32
      %add3A_1159 = arith.addi %add3A, %mul3A_1158 : i32
      %min3A_1160 = arith.constant 2499 : i32
      %min3A_1161 = arith.minsi %add3A_1159, %min3A_1160 : i32
      %mul3A_1162 = arith.constant 128 : i32
      %mul3A_1163 = arith.muli %min3A_1161, %mul3A_1162 : i32
      %dma_start3A_1164 = arith.constant 0 : i32
      %dma_start3A_1165 = tpu.memref_slice %arg2[%dma_start3A_1164, %mul3A_1163] : memref<2x320000xi32, #tpu.memory_space<hbm>> -> memref<1x128xi32, #tpu.memory_space<hbm>>
      %dma_start3A_1166 = tpu.memref_squeeze %dma_start3A_1165 : memref<1x128xi32, #tpu.memory_space<hbm>> -> memref<128xi32, #tpu.memory_space<hbm>>
      %dma_start3A_1167 = tpu.memref_slice %arg2[%dma_start3A_1164, %mul3A_1163] : memref<2x320000xi32, #tpu.memory_space<hbm>> -> memref<1x128xi32, #tpu.memory_space<hbm>>
      %dma_start3A_1168 = tpu.memref_squeeze %dma_start3A_1167 : memref<1x128xi32, #tpu.memory_space<hbm>> -> memref<128xi32, #tpu.memory_space<hbm>>
      tpu.enqueue_dma source(%dma_start3A_1168 : memref<128xi32, #tpu.memory_space<hbm>>) target(%arg8 : memref<128xi32, #tpu.memory_space<vmem>>) target_semaphore(%arg23 : memref<!tpu.dma_semaphore, #tpu.memory_space<semaphore_mem>>)
      %dma_start3A_1169 = arith.constant 1 : i32
      %dma_start3A_1170 = tpu.memref_slice %arg2[%dma_start3A_1169, %mul3A_1163] : memref<2x320000xi32, #tpu.memory_space<hbm>> -> memref<1x128xi32, #tpu.memory_space<hbm>>
      %dma_start3A_1171 = tpu.memref_squeeze %dma_start3A_1170 : memref<1x128xi32, #tpu.memory_space<hbm>> -> memref<128xi32, #tpu.memory_space<hbm>>
      %dma_start3A_1172 = tpu.memref_slice %arg2[%dma_start3A_1169, %mul3A_1163] : memref<2x320000xi32, #tpu.memory_space<hbm>> -> memref<1x128xi32, #tpu.memory_space<hbm>>
      %dma_start3A_1173 = tpu.memref_squeeze %dma_start3A_1172 : memref<1x128xi32, #tpu.memory_space<hbm>> -> memref<128xi32, #tpu.memory_space<hbm>>
      tpu.enqueue_dma source(%dma_start3A_1173 : memref<128xi32, #tpu.memory_space<hbm>>) target(%arg10 : memref<128xi32, #tpu.memory_space<vmem>>) target_semaphore(%arg25 : memref<!tpu.dma_semaphore, #tpu.memory_space<semaphore_mem>>)
      %dma_start3A_1174 = tpu.memref_slice %arg3[%mul3A_1163] : memref<320000xf32, #tpu.memory_space<hbm>> -> memref<128xf32, #tpu.memory_space<hbm>>
      %dma_start3A_1175 = tpu.memref_slice %arg3[%mul3A_1163] : memref<320000xf32, #tpu.memory_space<hbm>> -> memref<128xf32, #tpu.memory_space<hbm>>
      tpu.enqueue_dma source(%dma_start3A_1175 : memref<128xf32, #tpu.memory_space<hbm>>) target(%arg12 : memref<128xf32, #tpu.memory_space<vmem>>) target_semaphore(%arg27 : memref<!tpu.dma_semaphore, #tpu.memory_space<semaphore_mem>>)
      %dma_start3A_1176 = tpu.memref_slice %arg4[%mul3A_1163] : memref<320000xf32, #tpu.memory_space<hbm>> -> memref<128xf32, #tpu.memory_space<hbm>>
      %dma_start3A_1177 = tpu.memref_slice %arg4[%mul3A_1163] : memref<320000xf32, #tpu.memory_space<hbm>> -> memref<128xf32, #tpu.memory_space<hbm>>
      tpu.enqueue_dma source(%dma_start3A_1177 : memref<128xf32, #tpu.memory_space<hbm>>) target(%arg14 : memref<128xf32, #tpu.memory_space<vmem>>) target_semaphore(%arg29 : memref<!tpu.dma_semaphore, #tpu.memory_space<semaphore_mem>>)
      %dma_wait3A_1178 = arith.constant 0 : i32
      %dma_wait3A_1179 = arith.constant 0 : i32
      %dma_wait3A_1180 = tpu.memref_slice %arg2[%dma_wait3A_1178, %dma_wait3A_1179] : memref<2x320000xi32, #tpu.memory_space<hbm>> -> memref<1x128xi32, #tpu.memory_space<hbm>>
      %dma_wait3A_1181 = tpu.memref_squeeze %dma_wait3A_1180 : memref<1x128xi32, #tpu.memory_space<hbm>> -> memref<128xi32, #tpu.memory_space<hbm>>
      %dma_wait3A_1182 = arith.constant 0 : i32
      %dma_wait3A_1183 = tpu.memref_slice %arg2[%dma_wait3A_1178, %dma_wait3A_1182] : memref<2x320000xi32, #tpu.memory_space<hbm>> -> memref<1x128xi32, #tpu.memory_space<hbm>>
      %dma_wait3A_1184 = tpu.memref_squeeze %dma_wait3A_1183 : memref<1x128xi32, #tpu.memory_space<hbm>> -> memref<128xi32, #tpu.memory_space<hbm>>
      tpu.wait_dma2 semaphore(%arg23 : memref<!tpu.dma_semaphore, #tpu.memory_space<semaphore_mem>>) src(%dma_wait3A_1184 : memref<128xi32, #tpu.memory_space<hbm>>) dst(%arg8 : memref<128xi32, #tpu.memory_space<vmem>>)
      %dma_wait3A_1185 = arith.constant 1 : i32
      %dma_wait3A_1186 = arith.constant 0 : i32
      %dma_wait3A_1187 = tpu.memref_slice %arg2[%dma_wait3A_1185, %dma_wait3A_1186] : memref<2x320000xi32, #tpu.memory_space<hbm>> -> memref<1x128xi32, #tpu.memory_space<hbm>>
      %dma_wait3A_1188 = tpu.memref_squeeze %dma_wait3A_1187 : memref<1x128xi32, #tpu.memory_space<hbm>> -> memref<128xi32, #tpu.memory_space<hbm>>
      %dma_wait3A_1189 = arith.constant 0 : i32
      %dma_wait3A_1190 = tpu.memref_slice %arg2[%dma_wait3A_1185, %dma_wait3A_1189] : memref<2x320000xi32, #tpu.memory_space<hbm>> -> memref<1x128xi32, #tpu.memory_space<hbm>>
      %dma_wait3A_1191 = tpu.memref_squeeze %dma_wait3A_1190 : memref<1x128xi32, #tpu.memory_space<hbm>> -> memref<128xi32, #tpu.memory_space<hbm>>
      tpu.wait_dma2 semaphore(%arg25 : memref<!tpu.dma_semaphore, #tpu.memory_space<semaphore_mem>>) src(%dma_wait3A_1191 : memref<128xi32, #tpu.memory_space<hbm>>) dst(%arg10 : memref<128xi32, #tpu.memory_space<vmem>>)
      %dma_wait3A_1192 = arith.constant 0 : i32
      %dma_wait3A_1193 = tpu.memref_slice %arg3[%dma_wait3A_1192] : memref<320000xf32, #tpu.memory_space<hbm>> -> memref<128xf32, #tpu.memory_space<hbm>>
      %dma_wait3A_1194 = arith.constant 0 : i32
      %dma_wait3A_1195 = tpu.memref_slice %arg3[%dma_wait3A_1194] : memref<320000xf32, #tpu.memory_space<hbm>> -> memref<128xf32, #tpu.memory_space<hbm>>
      tpu.wait_dma2 semaphore(%arg27 : memref<!tpu.dma_semaphore, #tpu.memory_space<semaphore_mem>>) src(%dma_wait3A_1195 : memref<128xf32, #tpu.memory_space<hbm>>) dst(%arg12 : memref<128xf32, #tpu.memory_space<vmem>>)
      %dma_wait3A_1196 = arith.constant 0 : i32
      %dma_wait3A_1197 = tpu.memref_slice %arg4[%dma_wait3A_1196] : memref<320000xf32, #tpu.memory_space<hbm>> -> memref<128xf32, #tpu.memory_space<hbm>>
      %dma_wait3A_1198 = arith.constant 0 : i32
      %dma_wait3A_1199 = tpu.memref_slice %arg4[%dma_wait3A_1198] : memref<320000xf32, #tpu.memory_space<hbm>> -> memref<128xf32, #tpu.memory_space<hbm>>
      tpu.wait_dma2 semaphore(%arg29 : memref<!tpu.dma_semaphore, #tpu.memory_space<semaphore_mem>>) src(%dma_wait3A_1199 : memref<128xf32, #tpu.memory_space<hbm>>) dst(%arg14 : memref<128xf32, #tpu.memory_space<vmem>>)
      %dma_start3A_1200 = arith.constant 0 : i32
      %dma_start3A_1201 = arith.constant 0 : i32
      %dma_start3A_1202 = tpu.memref_slice %arg6[%dma_start3A_1200, %dma_start3A_1201] : memref<10000x128xf32, #tpu.memory_space<hbm>> -> memref<10000x128xf32, #tpu.memory_space<hbm>>
      tpu.enqueue_indirect_dma source(%dma_start3A_1202 : memref<10000x128xf32, #tpu.memory_space<hbm>>) target(%arg17 : memref<128x128xf32, #tpu.memory_space<vmem>>) offsets(%arg8 : memref<128xi32, #tpu.memory_space<vmem>>) semaphore(%arg31 : memref<!tpu.dma_semaphore, #tpu.memory_space<semaphore_mem>>)
      %add3A_1203 = arith.constant 1 : i32
      %add3A_1204 = arith.addi %mul3A_918, %add3A_1203 : i32
      %mul3A_1205 = arith.constant 32 : i32
      %mul3A_1206 = arith.muli %mul3A_1205, %add3A_1204 : i32
      %add3A_1207 = arith.addi %add3A, %mul3A_1206 : i32
      %lt3A_1208 = arith.constant 2500 : i32
      %lt3A_1209 = arith.cmpi slt, %add3A_1207, %lt3A_1208 : i32
      %jit3A_1210 = arith.constant 1.000000e+00 : f32
      %jit3A_1211 = arith.constant 0.000000e+00 : f32
      %select_n3A_1212 = arith.select %lt3A_1209, %jit3A_1210, %jit3A_1211 : f32
      %get3A_1213 = arith.constant 0 : index
      %get3A_1214 = tpu.vector_load %arg13[%get3A_1213] {strides = array<i32>} : memref<128xf32, #tpu.memory_space<vmem>>, vector<16xf32>,
      %get3A_1215 = vector.shape_cast %get3A_1214 : vector<16xf32> to vector<16xf32>
      %get3A_1216 = arith.constant 0 : index
      %get3A_1217 = tpu.vector_load %arg15[%get3A_1216] {strides = array<i32>} : memref<128xf32, #tpu.memory_space<vmem>>, vector<16xf32>,
      %get3A_1218 = vector.shape_cast %get3A_1217 : vector<16xf32> to vector<16xf32>
      %mul3A_1219 = arith.mulf %get3A_393, %get3A_1215 : vector<16xf32>
      %mul3A_1220 = arith.mulf %get3A_398, %get3A_1218 : vector<16xf32>
      %add3A_1221 = arith.addf %mul3A_1219, %mul3A_1220 : vector<16xf32>
      %mul3A_1222 = vector.broadcast %select_n3A_1212 : f32 to vector<16xf32>
      %mul3A_1223 = arith.mulf %add3A_1221, %mul3A_1222 : vector<16xf32>
      %ne3A_1224 = arith.constant 0.000000e+00 : f32
      %ne3A_1225 = vector.broadcast %ne3A_1224 : f32 to vector<16xf32>
      %ne3A_1226 = arith.cmpf one, %mul3A_1223, %ne3A_1225 : vector<16xf32>
      %add3A_1227 = arith.constant 10000 : i32
      %add3A_1228 = vector.broadcast %add3A_1227 : i32 to vector<16xi32>
      %add3A_1229 = arith.addi %add3A_1228, %iota3A : vector<16xi32>
      %get3A_1230 = arith.constant 0 : index
      %get3A_1231 = tpu.vector_load %arg11[%get3A_1230] {strides = array<i32>} : memref<128xi32, #tpu.memory_space<vmem>>, vector<16xi32>,
      %get3A_1232 = vector.shape_cast %get3A_1231 : vector<16xi32> to vector<16xi32>
      %select_n3A_1233 = arith.select %ne3A_1226, %get3A_1232, %add3A_1229 : vector<16xi1>, vector<16xi32>
      %swap3A_1234 = arith.constant 0 : index
      %swap3A_1235 = tpu.vector_load %arg20[%swap3A_1234] {strides = array<i32>} : memref<128xi32, #tpu.memory_space<vmem>>, vector<16xi32>,
      %swap3A_1236 = vector.shape_cast %swap3A_1235 : vector<16xi32> to vector<16xi32>
      %swap3A_1237 = vector.shape_cast %select_n3A_1233 : vector<16xi32> to vector<16xi32>
      tpu.vector_store %arg20[%swap3A_1234], %swap3A_1237 {strides = array<i32>} : memref<128xi32, #tpu.memory_space<vmem>>, vector<16xi32>,
      %get3A_1238 = arith.constant 16 : index
      %get3A_1239 = tpu.vector_load %arg13[%get3A_1238] {strides = array<i32>} : memref<128xf32, #tpu.memory_space<vmem>>, vector<16xf32>,
      %get3A_1240 = vector.shape_cast %get3A_1239 : vector<16xf32> to vector<16xf32>
      %get3A_1241 = arith.constant 16 : index
      %get3A_1242 = tpu.vector_load %arg15[%get3A_1241] {strides = array<i32>} : memref<128xf32, #tpu.memory_space<vmem>>, vector<16xf32>,
      %get3A_1243 = vector.shape_cast %get3A_1242 : vector<16xf32> to vector<16xf32>
      %mul3A_1244 = arith.mulf %get3A_393, %get3A_1240 : vector<16xf32>
      %mul3A_1245 = arith.mulf %get3A_398, %get3A_1243 : vector<16xf32>
      %add3A_1246 = arith.addf %mul3A_1244, %mul3A_1245 : vector<16xf32>
      %mul3A_1247 = vector.broadcast %select_n3A_1212 : f32 to vector<16xf32>
      %mul3A_1248 = arith.mulf %add3A_1246, %mul3A_1247 : vector<16xf32>
      %ne3A_1249 = arith.constant 0.000000e+00 : f32
      %ne3A_1250 = vector.broadcast %ne3A_1249 : f32 to vector<16xf32>
      %ne3A_1251 = arith.cmpf one, %mul3A_1248, %ne3A_1250 : vector<16xf32>
      %add3A_1252 = arith.constant 10016 : i32
      %add3A_1253 = vector.broadcast %add3A_1252 : i32 to vector<16xi32>
      %add3A_1254 = arith.addi %add3A_1253, %iota3A : vector<16xi32>
      %get3A_1255 = arith.constant 16 : index
      %get3A_1256 = tpu.vector_load %arg11[%get3A_1255] {strides = array<i32>} : memref<128xi32, #tpu.memory_space<vmem>>, vector<16xi32>,
      %get3A_1257 = vector.shape_cast %get3A_1256 : vector<16xi32> to vector<16xi32>
      %select_n3A_1258 = arith.select %ne3A_1251, %get3A_1257, %add3A_1254 : vector<16xi1>, vector<16xi32>
      %swap3A_1259 = arith.constant 16 : index
      %swap3A_1260 = tpu.vector_load %arg20[%swap3A_1259] {strides = array<i32>} : memref<128xi32, #tpu.memory_space<vmem>>, vector<16xi32>,
      %swap3A_1261 = vector.shape_cast %swap3A_1260 : vector<16xi32> to vector<16xi32>
      %swap3A_1262 = vector.shape_cast %select_n3A_1258 : vector<16xi32> to vector<16xi32>
      tpu.vector_store %arg20[%swap3A_1259], %swap3A_1262 {strides = array<i32>} : memref<128xi32, #tpu.memory_space<vmem>>, vector<16xi32>,
      %get3A_1263 = arith.constant 32 : index
      %get3A_1264 = tpu.vector_load %arg13[%get3A_1263] {strides = array<i32>} : memref<128xf32, #tpu.memory_space<vmem>>, vector<16xf32>,
      %get3A_1265 = vector.shape_cast %get3A_1264 : vector<16xf32> to vector<16xf32>
      %get3A_1266 = arith.constant 32 : index
      %get3A_1267 = tpu.vector_load %arg15[%get3A_1266] {strides = array<i32>} : memref<128xf32, #tpu.memory_space<vmem>>, vector<16xf32>,
      %get3A_1268 = vector.shape_cast %get3A_1267 : vector<16xf32> to vector<16xf32>
      %mul3A_1269 = arith.mulf %get3A_393, %get3A_1265 : vector<16xf32>
      %mul3A_1270 = arith.mulf %get3A_398, %get3A_1268 : vector<16xf32>
      %add3A_1271 = arith.addf %mul3A_1269, %mul3A_1270 : vector<16xf32>
      %mul3A_1272 = vector.broadcast %select_n3A_1212 : f32 to vector<16xf32>
      %mul3A_1273 = arith.mulf %add3A_1271, %mul3A_1272 : vector<16xf32>
      %ne3A_1274 = arith.constant 0.000000e+00 : f32
      %ne3A_1275 = vector.broadcast %ne3A_1274 : f32 to vector<16xf32>
      %ne3A_1276 = arith.cmpf one, %mul3A_1273, %ne3A_1275 : vector<16xf32>
      %add3A_1277 = arith.constant 10032 : i32
      %add3A_1278 = vector.broadcast %add3A_1277 : i32 to vector<16xi32>
      %add3A_1279 = arith.addi %add3A_1278, %iota3A : vector<16xi32>
      %get3A_1280 = arith.constant 32 : index
      %get3A_1281 = tpu.vector_load %arg11[%get3A_1280] {strides = array<i32>} : memref<128xi32, #tpu.memory_space<vmem>>, vector<16xi32>,
      %get3A_1282 = vector.shape_cast %get3A_1281 : vector<16xi32> to vector<16xi32>
      %select_n3A_1283 = arith.select %ne3A_1276, %get3A_1282, %add3A_1279 : vector<16xi1>, vector<16xi32>
      %swap3A_1284 = arith.constant 32 : index
      %swap3A_1285 = tpu.vector_load %arg20[%swap3A_1284] {strides = array<i32>} : memref<128xi32, #tpu.memory_space<vmem>>, vector<16xi32>,
      %swap3A_1286 = vector.shape_cast %swap3A_1285 : vector<16xi32> to vector<16xi32>
      %swap3A_1287 = vector.shape_cast %select_n3A_1283 : vector<16xi32> to vector<16xi32>
      tpu.vector_store %arg20[%swap3A_1284], %swap3A_1287 {strides = array<i32>} : memref<128xi32, #tpu.memory_space<vmem>>, vector<16xi32>,
      %get3A_1288 = arith.constant 48 : index
      %get3A_1289 = tpu.vector_load %arg13[%get3A_1288] {strides = array<i32>} : memref<128xf32, #tpu.memory_space<vmem>>, vector<16xf32>,
      %get3A_1290 = vector.shape_cast %get3A_1289 : vector<16xf32> to vector<16xf32>
      %get3A_1291 = arith.constant 48 : index
      %get3A_1292 = tpu.vector_load %arg15[%get3A_1291] {strides = array<i32>} : memref<128xf32, #tpu.memory_space<vmem>>, vector<16xf32>,
      %get3A_1293 = vector.shape_cast %get3A_1292 : vector<16xf32> to vector<16xf32>
      %mul3A_1294 = arith.mulf %get3A_393, %get3A_1290 : vector<16xf32>
      %mul3A_1295 = arith.mulf %get3A_398, %get3A_1293 : vector<16xf32>
      %add3A_1296 = arith.addf %mul3A_1294, %mul3A_1295 : vector<16xf32>
      %mul3A_1297 = vector.broadcast %select_n3A_1212 : f32 to vector<16xf32>
      %mul3A_1298 = arith.mulf %add3A_1296, %mul3A_1297 : vector<16xf32>
      %ne3A_1299 = arith.constant 0.000000e+00 : f32
      %ne3A_1300 = vector.broadcast %ne3A_1299 : f32 to vector<16xf32>
      %ne3A_1301 = arith.cmpf one, %mul3A_1298, %ne3A_1300 : vector<16xf32>
      %add3A_1302 = arith.constant 10048 : i32
      %add3A_1303 = vector.broadcast %add3A_1302 : i32 to vector<16xi32>
      %add3A_1304 = arith.addi %add3A_1303, %iota3A : vector<16xi32>
      %get3A_1305 = arith.constant 48 : index
      %get3A_1306 = tpu.vector_load %arg11[%get3A_1305] {strides = array<i32>} : memref<128xi32, #tpu.memory_space<vmem>>, vector<16xi32>,
      %get3A_1307 = vector.shape_cast %get3A_1306 : vector<16xi32> to vector<16xi32>
      %select_n3A_1308 = arith.select %ne3A_1301, %get3A_1307, %add3A_1304 : vector<16xi1>, vector<16xi32>
      %swap3A_1309 = arith.constant 48 : index
      %swap3A_1310 = tpu.vector_load %arg20[%swap3A_1309] {strides = array<i32>} : memref<128xi32, #tpu.memory_space<vmem>>, vector<16xi32>,
      %swap3A_1311 = vector.shape_cast %swap3A_1310 : vector<16xi32> to vector<16xi32>
      %swap3A_1312 = vector.shape_cast %select_n3A_1308 : vector<16xi32> to vector<16xi32>
      tpu.vector_store %arg20[%swap3A_1309], %swap3A_1312 {strides = array<i32>} : memref<128xi32, #tpu.memory_space<vmem>>, vector<16xi32>,
      %get3A_1313 = arith.constant 64 : index
      %get3A_1314 = tpu.vector_load %arg13[%get3A_1313] {strides = array<i32>} : memref<128xf32, #tpu.memory_space<vmem>>, vector<16xf32>,
      %get3A_1315 = vector.shape_cast %get3A_1314 : vector<16xf32> to vector<16xf32>
      %get3A_1316 = arith.constant 64 : index
      %get3A_1317 = tpu.vector_load %arg15[%get3A_1316] {strides = array<i32>} : memref<128xf32, #tpu.memory_space<vmem>>, vector<16xf32>,
      %get3A_1318 = vector.shape_cast %get3A_1317 : vector<16xf32> to vector<16xf32>
      %mul3A_1319 = arith.mulf %get3A_393, %get3A_1315 : vector<16xf32>
      %mul3A_1320 = arith.mulf %get3A_398, %get3A_1318 : vector<16xf32>
      %add3A_1321 = arith.addf %mul3A_1319, %mul3A_1320 : vector<16xf32>
      %mul3A_1322 = vector.broadcast %select_n3A_1212 : f32 to vector<16xf32>
      %mul3A_1323 = arith.mulf %add3A_1321, %mul3A_1322 : vector<16xf32>
      %ne3A_1324 = arith.constant 0.000000e+00 : f32
      %ne3A_1325 = vector.broadcast %ne3A_1324 : f32 to vector<16xf32>
      %ne3A_1326 = arith.cmpf one, %mul3A_1323, %ne3A_1325 : vector<16xf32>
      %add3A_1327 = arith.constant 10064 : i32
      %add3A_1328 = vector.broadcast %add3A_1327 : i32 to vector<16xi32>
      %add3A_1329 = arith.addi %add3A_1328, %iota3A : vector<16xi32>
      %get3A_1330 = arith.constant 64 : index
      %get3A_1331 = tpu.vector_load %arg11[%get3A_1330] {strides = array<i32>} : memref<128xi32, #tpu.memory_space<vmem>>, vector<16xi32>,
      %get3A_1332 = vector.shape_cast %get3A_1331 : vector<16xi32> to vector<16xi32>
      %select_n3A_1333 = arith.select %ne3A_1326, %get3A_1332, %add3A_1329 : vector<16xi1>, vector<16xi32>
      %swap3A_1334 = arith.constant 64 : index
      %swap3A_1335 = tpu.vector_load %arg20[%swap3A_1334] {strides = array<i32>} : memref<128xi32, #tpu.memory_space<vmem>>, vector<16xi32>,
      %swap3A_1336 = vector.shape_cast %swap3A_1335 : vector<16xi32> to vector<16xi32>
      %swap3A_1337 = vector.shape_cast %select_n3A_1333 : vector<16xi32> to vector<16xi32>
      tpu.vector_store %arg20[%swap3A_1334], %swap3A_1337 {strides = array<i32>} : memref<128xi32, #tpu.memory_space<vmem>>, vector<16xi32>,
      %get3A_1338 = arith.constant 80 : index
      %get3A_1339 = tpu.vector_load %arg13[%get3A_1338] {strides = array<i32>} : memref<128xf32, #tpu.memory_space<vmem>>, vector<16xf32>,
      %get3A_1340 = vector.shape_cast %get3A_1339 : vector<16xf32> to vector<16xf32>
      %get3A_1341 = arith.constant 80 : index
      %get3A_1342 = tpu.vector_load %arg15[%get3A_1341] {strides = array<i32>} : memref<128xf32, #tpu.memory_space<vmem>>, vector<16xf32>,
      %get3A_1343 = vector.shape_cast %get3A_1342 : vector<16xf32> to vector<16xf32>
      %mul3A_1344 = arith.mulf %get3A_393, %get3A_1340 : vector<16xf32>
      %mul3A_1345 = arith.mulf %get3A_398, %get3A_1343 : vector<16xf32>
      %add3A_1346 = arith.addf %mul3A_1344, %mul3A_1345 : vector<16xf32>
      %mul3A_1347 = vector.broadcast %select_n3A_1212 : f32 to vector<16xf32>
      %mul3A_1348 = arith.mulf %add3A_1346, %mul3A_1347 : vector<16xf32>
      %ne3A_1349 = arith.constant 0.000000e+00 : f32
      %ne3A_1350 = vector.broadcast %ne3A_1349 : f32 to vector<16xf32>
      %ne3A_1351 = arith.cmpf one, %mul3A_1348, %ne3A_1350 : vector<16xf32>
      %add3A_1352 = arith.constant 10080 : i32
      %add3A_1353 = vector.broadcast %add3A_1352 : i32 to vector<16xi32>
      %add3A_1354 = arith.addi %add3A_1353, %iota3A : vector<16xi32>
      %get3A_1355 = arith.constant 80 : index
      %get3A_1356 = tpu.vector_load %arg11[%get3A_1355] {strides = array<i32>} : memref<128xi32, #tpu.memory_space<vmem>>, vector<16xi32>,
      %get3A_1357 = vector.shape_cast %get3A_1356 : vector<16xi32> to vector<16xi32>
      %select_n3A_1358 = arith.select %ne3A_1351, %get3A_1357, %add3A_1354 : vector<16xi1>, vector<16xi32>
      %swap3A_1359 = arith.constant 80 : index
      %swap3A_1360 = tpu.vector_load %arg20[%swap3A_1359] {strides = array<i32>} : memref<128xi32, #tpu.memory_space<vmem>>, vector<16xi32>,
      %swap3A_1361 = vector.shape_cast %swap3A_1360 : vector<16xi32> to vector<16xi32>
      %swap3A_1362 = vector.shape_cast %select_n3A_1358 : vector<16xi32> to vector<16xi32>
      tpu.vector_store %arg20[%swap3A_1359], %swap3A_1362 {strides = array<i32>} : memref<128xi32, #tpu.memory_space<vmem>>, vector<16xi32>,
      %get3A_1363 = arith.constant 96 : index
      %get3A_1364 = tpu.vector_load %arg13[%get3A_1363] {strides = array<i32>} : memref<128xf32, #tpu.memory_space<vmem>>, vector<16xf32>,
      %get3A_1365 = vector.shape_cast %get3A_1364 : vector<16xf32> to vector<16xf32>
      %get3A_1366 = arith.constant 96 : index
      %get3A_1367 = tpu.vector_load %arg15[%get3A_1366] {strides = array<i32>} : memref<128xf32, #tpu.memory_space<vmem>>, vector<16xf32>,
      %get3A_1368 = vector.shape_cast %get3A_1367 : vector<16xf32> to vector<16xf32>
      %mul3A_1369 = arith.mulf %get3A_393, %get3A_1365 : vector<16xf32>
      %mul3A_1370 = arith.mulf %get3A_398, %get3A_1368 : vector<16xf32>
      %add3A_1371 = arith.addf %mul3A_1369, %mul3A_1370 : vector<16xf32>
      %mul3A_1372 = vector.broadcast %select_n3A_1212 : f32 to vector<16xf32>
      %mul3A_1373 = arith.mulf %add3A_1371, %mul3A_1372 : vector<16xf32>
      %ne3A_1374 = arith.constant 0.000000e+00 : f32
      %ne3A_1375 = vector.broadcast %ne3A_1374 : f32 to vector<16xf32>
      %ne3A_1376 = arith.cmpf one, %mul3A_1373, %ne3A_1375 : vector<16xf32>
      %add3A_1377 = arith.constant 10096 : i32
      %add3A_1378 = vector.broadcast %add3A_1377 : i32 to vector<16xi32>
      %add3A_1379 = arith.addi %add3A_1378, %iota3A : vector<16xi32>
      %get3A_1380 = arith.constant 96 : index
      %get3A_1381 = tpu.vector_load %arg11[%get3A_1380] {strides = array<i32>} : memref<128xi32, #tpu.memory_space<vmem>>, vector<16xi32>,
      %get3A_1382 = vector.shape_cast %get3A_1381 : vector<16xi32> to vector<16xi32>
      %select_n3A_1383 = arith.select %ne3A_1376, %get3A_1382, %add3A_1379 : vector<16xi1>, vector<16xi32>
      %swap3A_1384 = arith.constant 96 : index
      %swap3A_1385 = tpu.vector_load %arg20[%swap3A_1384] {strides = array<i32>} : memref<128xi32, #tpu.memory_space<vmem>>, vector<16xi32>,
      %swap3A_1386 = vector.shape_cast %swap3A_1385 : vector<16xi32> to vector<16xi32>
      %swap3A_1387 = vector.shape_cast %select_n3A_1383 : vector<16xi32> to vector<16xi32>
      tpu.vector_store %arg20[%swap3A_1384], %swap3A_1387 {strides = array<i32>} : memref<128xi32, #tpu.memory_space<vmem>>, vector<16xi32>,
      %get3A_1388 = arith.constant 112 : index
      %get3A_1389 = tpu.vector_load %arg13[%get3A_1388] {strides = array<i32>} : memref<128xf32, #tpu.memory_space<vmem>>, vector<16xf32>,
      %get3A_1390 = vector.shape_cast %get3A_1389 : vector<16xf32> to vector<16xf32>
      %get3A_1391 = arith.constant 112 : index
      %get3A_1392 = tpu.vector_load %arg15[%get3A_1391] {strides = array<i32>} : memref<128xf32, #tpu.memory_space<vmem>>, vector<16xf32>,
      %get3A_1393 = vector.shape_cast %get3A_1392 : vector<16xf32> to vector<16xf32>
      %mul3A_1394 = arith.mulf %get3A_393, %get3A_1390 : vector<16xf32>
      %mul3A_1395 = arith.mulf %get3A_398, %get3A_1393 : vector<16xf32>
      %add3A_1396 = arith.addf %mul3A_1394, %mul3A_1395 : vector<16xf32>
      %mul3A_1397 = vector.broadcast %select_n3A_1212 : f32 to vector<16xf32>
      %mul3A_1398 = arith.mulf %add3A_1396, %mul3A_1397 : vector<16xf32>
      %ne3A_1399 = arith.constant 0.000000e+00 : f32
      %ne3A_1400 = vector.broadcast %ne3A_1399 : f32 to vector<16xf32>
      %ne3A_1401 = arith.cmpf one, %mul3A_1398, %ne3A_1400 : vector<16xf32>
      %add3A_1402 = arith.constant 10112 : i32
      %add3A_1403 = vector.broadcast %add3A_1402 : i32 to vector<16xi32>
      %add3A_1404 = arith.addi %add3A_1403, %iota3A : vector<16xi32>
      %get3A_1405 = arith.constant 112 : index
      %get3A_1406 = tpu.vector_load %arg11[%get3A_1405] {strides = array<i32>} : memref<128xi32, #tpu.memory_space<vmem>>, vector<16xi32>,
      %get3A_1407 = vector.shape_cast %get3A_1406 : vector<16xi32> to vector<16xi32>
      %select_n3A_1408 = arith.select %ne3A_1401, %get3A_1407, %add3A_1404 : vector<16xi1>, vector<16xi32>
      %swap3A_1409 = arith.constant 112 : index
      %swap3A_1410 = tpu.vector_load %arg20[%swap3A_1409] {strides = array<i32>} : memref<128xi32, #tpu.memory_space<vmem>>, vector<16xi32>,
      %swap3A_1411 = vector.shape_cast %swap3A_1410 : vector<16xi32> to vector<16xi32>
      %swap3A_1412 = vector.shape_cast %select_n3A_1408 : vector<16xi32> to vector<16xi32>
      tpu.vector_store %arg20[%swap3A_1409], %swap3A_1412 {strides = array<i32>} : memref<128xi32, #tpu.memory_space<vmem>>, vector<16xi32>,
      %dma_wait3A_1413 = arith.constant 0 : i32
      %dma_wait3A_1414 = arith.constant 0 : i32
      %dma_wait3A_1415 = tpu.memref_slice %arg6[%dma_wait3A_1413, %dma_wait3A_1414] : memref<10000x128xf32, #tpu.memory_space<hbm>> -> memref<10000x128xf32, #tpu.memory_space<hbm>>
      tpu.wait_indirect_dma semaphore(%arg32 : memref<!tpu.dma_semaphore, #tpu.memory_space<semaphore_mem>>) src(%dma_wait3A_1415 : memref<10000x128xf32, #tpu.memory_space<hbm>>) dst(%arg18 : memref<128x128xf32, #tpu.memory_space<vmem>>)
      "tpu.region"() ({
        %run_scoped3A = tpu.sem_alloc : memref<!tpu.dma_semaphore, #tpu.memory_space<semaphore_mem>>
        %dma_start3A_1439 = arith.constant 0 : i32
        %dma_start3A_1440 = arith.constant 0 : i32
        %dma_start3A_1441 = tpu.memref_slice %arg22[%dma_start3A_1439, %dma_start3A_1440] : memref<10240x128xf32, #tpu.memory_space<vmem_shared>> -> memref<10240x128xf32, #tpu.memory_space<vmem_shared>>
        tpu.enqueue_indirect_dma source(%arg18 : memref<128x128xf32, #tpu.memory_space<vmem>>) target(%dma_start3A_1441 : memref<10240x128xf32, #tpu.memory_space<vmem_shared>>) offsets(%arg20 : memref<128xi32, #tpu.memory_space<vmem>>) semaphore(%run_scoped3A : memref<!tpu.dma_semaphore, #tpu.memory_space<semaphore_mem>>) {add = true}
        %dma_wait3A_1442 = arith.constant 0 : i32
        %dma_wait3A_1443 = arith.constant 0 : i32
        %dma_wait3A_1444 = tpu.memref_slice %arg22[%dma_wait3A_1442, %dma_wait3A_1443] : memref<10240x128xf32, #tpu.memory_space<vmem_shared>> -> memref<10240x128xf32, #tpu.memory_space<vmem_shared>>
        tpu.wait_indirect_dma semaphore(%run_scoped3A : memref<!tpu.dma_semaphore, #tpu.memory_space<semaphore_mem>>) src(%arg18 : memref<128x128xf32, #tpu.memory_space<vmem>>) dst(%dma_wait3A_1444 : memref<10240x128xf32, #tpu.memory_space<vmem_shared>>)
        tpu.yield
      }) : () -> ()
      %add3A_1416 = arith.constant 3 : i32
      %add3A_1417 = arith.addi %mul3A_918, %add3A_1416 : i32
      %mul3A_1418 = arith.constant 32 : i32
      %mul3A_1419 = arith.muli %mul3A_1418, %add3A_1417 : i32
      %add3A_1420 = arith.addi %add3A, %mul3A_1419 : i32
      %min3A_1421 = arith.constant 2499 : i32
      %min3A_1422 = arith.minsi %add3A_1420, %min3A_1421 : i32
      %mul3A_1423 = arith.constant 128 : i32
      %mul3A_1424 = arith.muli %min3A_1422, %mul3A_1423 : i32
      %dma_start3A_1425 = arith.constant 0 : i32
      %dma_start3A_1426 = tpu.memref_slice %arg2[%dma_start3A_1425, %mul3A_1424] : memref<2x320000xi32, #tpu.memory_space<hbm>> -> memref<1x128xi32, #tpu.memory_space<hbm>>
      %dma_start3A_1427 = tpu.memref_squeeze %dma_start3A_1426 : memref<1x128xi32, #tpu.memory_space<hbm>> -> memref<128xi32, #tpu.memory_space<hbm>>
      %dma_start3A_1428 = tpu.memref_slice %arg2[%dma_start3A_1425, %mul3A_1424] : memref<2x320000xi32, #tpu.memory_space<hbm>> -> memref<1x128xi32, #tpu.memory_space<hbm>>
      %dma_start3A_1429 = tpu.memref_squeeze %dma_start3A_1428 : memref<1x128xi32, #tpu.memory_space<hbm>> -> memref<128xi32, #tpu.memory_space<hbm>>
      tpu.enqueue_dma source(%dma_start3A_1429 : memref<128xi32, #tpu.memory_space<hbm>>) target(%arg9 : memref<128xi32, #tpu.memory_space<vmem>>) target_semaphore(%arg24 : memref<!tpu.dma_semaphore, #tpu.memory_space<semaphore_mem>>)
      %dma_start3A_1430 = arith.constant 1 : i32
      %dma_start3A_1431 = tpu.memref_slice %arg2[%dma_start3A_1430, %mul3A_1424] : memref<2x320000xi32, #tpu.memory_space<hbm>> -> memref<1x128xi32, #tpu.memory_space<hbm>>
      %dma_start3A_1432 = tpu.memref_squeeze %dma_start3A_1431 : memref<1x128xi32, #tpu.memory_space<hbm>> -> memref<128xi32, #tpu.memory_space<hbm>>
      %dma_start3A_1433 = tpu.memref_slice %arg2[%dma_start3A_1430, %mul3A_1424] : memref<2x320000xi32, #tpu.memory_space<hbm>> -> memref<1x128xi32, #tpu.memory_space<hbm>>
      %dma_start3A_1434 = tpu.memref_squeeze %dma_start3A_1433 : memref<1x128xi32, #tpu.memory_space<hbm>> -> memref<128xi32, #tpu.memory_space<hbm>>
      tpu.enqueue_dma source(%dma_start3A_1434 : memref<128xi32, #tpu.memory_space<hbm>>) target(%arg11 : memref<128xi32, #tpu.memory_space<vmem>>) target_semaphore(%arg26 : memref<!tpu.dma_semaphore, #tpu.memory_space<semaphore_mem>>)
      %dma_start3A_1435 = tpu.memref_slice %arg3[%mul3A_1424] : memref<320000xf32, #tpu.memory_space<hbm>> -> memref<128xf32, #tpu.memory_space<hbm>>
      %dma_start3A_1436 = tpu.memref_slice %arg3[%mul3A_1424] : memref<320000xf32, #tpu.memory_space<hbm>> -> memref<128xf32, #tpu.memory_space<hbm>>
      tpu.enqueue_dma source(%dma_start3A_1436 : memref<128xf32, #tpu.memory_space<hbm>>) target(%arg13 : memref<128xf32, #tpu.memory_space<vmem>>) target_semaphore(%arg28 : memref<!tpu.dma_semaphore, #tpu.memory_space<semaphore_mem>>)
      %dma_start3A_1437 = tpu.memref_slice %arg4[%mul3A_1424] : memref<320000xf32, #tpu.memory_space<hbm>> -> memref<128xf32, #tpu.memory_space<hbm>>
      %dma_start3A_1438 = tpu.memref_slice %arg4[%mul3A_1424] : memref<320000xf32, #tpu.memory_space<hbm>> -> memref<128xf32, #tpu.memory_space<hbm>>
      tpu.enqueue_dma source(%dma_start3A_1438 : memref<128xf32, #tpu.memory_space<hbm>>) target(%arg15 : memref<128xf32, #tpu.memory_space<vmem>>) target_semaphore(%arg30 : memref<!tpu.dma_semaphore, #tpu.memory_space<semaphore_mem>>)
    }
    %scan3A_466 = arith.constant 39 : i32
    %dma_wait3A_467 = arith.constant 0 : i32
    %dma_wait3A_468 = arith.constant 0 : i32
    %dma_wait3A_469 = tpu.memref_slice %arg2[%dma_wait3A_467, %dma_wait3A_468] : memref<2x320000xi32, #tpu.memory_space<hbm>> -> memref<1x128xi32, #tpu.memory_space<hbm>>
    %dma_wait3A_470 = tpu.memref_squeeze %dma_wait3A_469 : memref<1x128xi32, #tpu.memory_space<hbm>> -> memref<128xi32, #tpu.memory_space<hbm>>
    %dma_wait3A_471 = arith.constant 0 : i32
    %dma_wait3A_472 = tpu.memref_slice %arg2[%dma_wait3A_467, %dma_wait3A_471] : memref<2x320000xi32, #tpu.memory_space<hbm>> -> memref<1x128xi32, #tpu.memory_space<hbm>>
    %dma_wait3A_473 = tpu.memref_squeeze %dma_wait3A_472 : memref<1x128xi32, #tpu.memory_space<hbm>> -> memref<128xi32, #tpu.memory_space<hbm>>
    tpu.wait_dma2 semaphore(%arg24 : memref<!tpu.dma_semaphore, #tpu.memory_space<semaphore_mem>>) src(%dma_wait3A_473 : memref<128xi32, #tpu.memory_space<hbm>>) dst(%arg9 : memref<128xi32, #tpu.memory_space<vmem>>)
    %dma_wait3A_474 = arith.constant 1 : i32
    %dma_wait3A_475 = arith.constant 0 : i32
    %dma_wait3A_476 = tpu.memref_slice %arg2[%dma_wait3A_474, %dma_wait3A_475] : memref<2x320000xi32, #tpu.memory_space<hbm>> -> memref<1x128xi32, #tpu.memory_space<hbm>>
    %dma_wait3A_477 = tpu.memref_squeeze %dma_wait3A_476 : memref<1x128xi32, #tpu.memory_space<hbm>> -> memref<128xi32, #tpu.memory_space<hbm>>
    %dma_wait3A_478 = arith.constant 0 : i32
    %dma_wait3A_479 = tpu.memref_slice %arg2[%dma_wait3A_474, %dma_wait3A_478] : memref<2x320000xi32, #tpu.memory_space<hbm>> -> memref<1x128xi32, #tpu.memory_space<hbm>>
    %dma_wait3A_480 = tpu.memref_squeeze %dma_wait3A_479 : memref<1x128xi32, #tpu.memory_space<hbm>> -> memref<128xi32, #tpu.memory_space<hbm>>
    tpu.wait_dma2 semaphore(%arg26 : memref<!tpu.dma_semaphore, #tpu.memory_space<semaphore_mem>>) src(%dma_wait3A_480 : memref<128xi32, #tpu.memory_space<hbm>>) dst(%arg11 : memref<128xi32, #tpu.memory_space<vmem>>)
    %dma_wait3A_481 = arith.constant 0 : i32
    %dma_wait3A_482 = tpu.memref_slice %arg3[%dma_wait3A_481] : memref<320000xf32, #tpu.memory_space<hbm>> -> memref<128xf32, #tpu.memory_space<hbm>>
    %dma_wait3A_483 = arith.constant 0 : i32
    %dma_wait3A_484 = tpu.memref_slice %arg3[%dma_wait3A_483] : memref<320000xf32, #tpu.memory_space<hbm>> -> memref<128xf32, #tpu.memory_space<hbm>>
    tpu.wait_dma2 semaphore(%arg28 : memref<!tpu.dma_semaphore, #tpu.memory_space<semaphore_mem>>) src(%dma_wait3A_484 : memref<128xf32, #tpu.memory_space<hbm>>) dst(%arg13 : memref<128xf32, #tpu.memory_space<vmem>>)
    %dma_wait3A_485 = arith.constant 0 : i32
    %dma_wait3A_486 = tpu.memref_slice %arg4[%dma_wait3A_485] : memref<320000xf32, #tpu.memory_space<hbm>> -> memref<128xf32, #tpu.memory_space<hbm>>
    %dma_wait3A_487 = arith.constant 0 : i32
    %dma_wait3A_488 = tpu.memref_slice %arg4[%dma_wait3A_487] : memref<320000xf32, #tpu.memory_space<hbm>> -> memref<128xf32, #tpu.memory_space<hbm>>
    tpu.wait_dma2 semaphore(%arg30 : memref<!tpu.dma_semaphore, #tpu.memory_space<semaphore_mem>>) src(%dma_wait3A_488 : memref<128xf32, #tpu.memory_space<hbm>>) dst(%arg15 : memref<128xf32, #tpu.memory_space<vmem>>)
    %dma_start3A_489 = arith.constant 0 : i32
    %dma_start3A_490 = arith.constant 0 : i32
    %dma_start3A_491 = tpu.memref_slice %arg6[%dma_start3A_489, %dma_start3A_490] : memref<10000x128xf32, #tpu.memory_space<hbm>> -> memref<10000x128xf32, #tpu.memory_space<hbm>>
    tpu.enqueue_indirect_dma source(%dma_start3A_491 : memref<10000x128xf32, #tpu.memory_space<hbm>>) target(%arg18 : memref<128x128xf32, #tpu.memory_space<vmem>>) offsets(%arg9 : memref<128xi32, #tpu.memory_space<vmem>>) semaphore(%arg32 : memref<!tpu.dma_semaphore, #tpu.memory_space<semaphore_mem>>)
    %add3A_492 = arith.constant 2496 : i32
    %add3A_493 = arith.addi %add3A, %add3A_492 : i32
    %lt3A = arith.constant 2500 : i32
    %lt3A_494 = arith.cmpi slt, %add3A_493, %lt3A : i32
    %jit3A = arith.constant 1.000000e+00 : f32
    %jit3A_495 = arith.constant 0.000000e+00 : f32
    %select_n3A = arith.select %lt3A_494, %jit3A, %jit3A_495 : f32
    %get3A_496 = arith.constant 0 : index
    %get3A_497 = tpu.vector_load %arg12[%get3A_496] {strides = array<i32>} : memref<128xf32, #tpu.memory_space<vmem>>, vector<16xf32>,
    %get3A_498 = vector.shape_cast %get3A_497 : vector<16xf32> to vector<16xf32>
    %get3A_499 = arith.constant 0 : index
    %get3A_500 = tpu.vector_load %arg14[%get3A_499] {strides = array<i32>} : memref<128xf32, #tpu.memory_space<vmem>>, vector<16xf32>,
    %get3A_501 = vector.shape_cast %get3A_500 : vector<16xf32> to vector<16xf32>
    %mul3A_502 = arith.mulf %get3A_393, %get3A_498 : vector<16xf32>
    %mul3A_503 = arith.mulf %get3A_398, %get3A_501 : vector<16xf32>
    %add3A_504 = arith.addf %mul3A_502, %mul3A_503 : vector<16xf32>
    %mul3A_505 = vector.broadcast %select_n3A : f32 to vector<16xf32>
    %mul3A_506 = arith.mulf %add3A_504, %mul3A_505 : vector<16xf32>
    %ne3A = arith.constant 0.000000e+00 : f32
    %ne3A_507 = vector.broadcast %ne3A : f32 to vector<16xf32>
    %ne3A_508 = arith.cmpf one, %mul3A_506, %ne3A_507 : vector<16xf32>
    %add3A_509 = arith.constant 10000 : i32
    %add3A_510 = vector.broadcast %add3A_509 : i32 to vector<16xi32>
    %add3A_511 = arith.addi %add3A_510, %iota3A : vector<16xi32>
    %get3A_512 = arith.constant 0 : index
    %get3A_513 = tpu.vector_load %arg10[%get3A_512] {strides = array<i32>} : memref<128xi32, #tpu.memory_space<vmem>>, vector<16xi32>,
    %get3A_514 = vector.shape_cast %get3A_513 : vector<16xi32> to vector<16xi32>
    %select_n3A_515 = arith.select %ne3A_508, %get3A_514, %add3A_511 : vector<16xi1>, vector<16xi32>
    %swap3A_516 = arith.constant 0 : index
    %swap3A_517 = tpu.vector_load %arg19[%swap3A_516] {strides = array<i32>} : memref<128xi32, #tpu.memory_space<vmem>>, vector<16xi32>,
    %swap3A_518 = vector.shape_cast %swap3A_517 : vector<16xi32> to vector<16xi32>
    %swap3A_519 = vector.shape_cast %select_n3A_515 : vector<16xi32> to vector<16xi32>
    tpu.vector_store %arg19[%swap3A_516], %swap3A_519 {strides = array<i32>} : memref<128xi32, #tpu.memory_space<vmem>>, vector<16xi32>,
    %get3A_520 = arith.constant 16 : index
    %get3A_521 = tpu.vector_load %arg12[%get3A_520] {strides = array<i32>} : memref<128xf32, #tpu.memory_space<vmem>>, vector<16xf32>,
    %get3A_522 = vector.shape_cast %get3A_521 : vector<16xf32> to vector<16xf32>
    %get3A_523 = arith.constant 16 : index
    %get3A_524 = tpu.vector_load %arg14[%get3A_523] {strides = array<i32>} : memref<128xf32, #tpu.memory_space<vmem>>, vector<16xf32>,
    %get3A_525 = vector.shape_cast %get3A_524 : vector<16xf32> to vector<16xf32>
    %mul3A_526 = arith.mulf %get3A_393, %get3A_522 : vector<16xf32>
    %mul3A_527 = arith.mulf %get3A_398, %get3A_525 : vector<16xf32>
    %add3A_528 = arith.addf %mul3A_526, %mul3A_527 : vector<16xf32>
    %mul3A_529 = vector.broadcast %select_n3A : f32 to vector<16xf32>
    %mul3A_530 = arith.mulf %add3A_528, %mul3A_529 : vector<16xf32>
    %ne3A_531 = arith.constant 0.000000e+00 : f32
    %ne3A_532 = vector.broadcast %ne3A_531 : f32 to vector<16xf32>
    %ne3A_533 = arith.cmpf one, %mul3A_530, %ne3A_532 : vector<16xf32>
    %add3A_534 = arith.constant 10016 : i32
    %add3A_535 = vector.broadcast %add3A_534 : i32 to vector<16xi32>
    %add3A_536 = arith.addi %add3A_535, %iota3A : vector<16xi32>
    %get3A_537 = arith.constant 16 : index
    %get3A_538 = tpu.vector_load %arg10[%get3A_537] {strides = array<i32>} : memref<128xi32, #tpu.memory_space<vmem>>, vector<16xi32>,
    %get3A_539 = vector.shape_cast %get3A_538 : vector<16xi32> to vector<16xi32>
    %select_n3A_540 = arith.select %ne3A_533, %get3A_539, %add3A_536 : vector<16xi1>, vector<16xi32>
    %swap3A_541 = arith.constant 16 : index
    %swap3A_542 = tpu.vector_load %arg19[%swap3A_541] {strides = array<i32>} : memref<128xi32, #tpu.memory_space<vmem>>, vector<16xi32>,
    %swap3A_543 = vector.shape_cast %swap3A_542 : vector<16xi32> to vector<16xi32>
    %swap3A_544 = vector.shape_cast %select_n3A_540 : vector<16xi32> to vector<16xi32>
    tpu.vector_store %arg19[%swap3A_541], %swap3A_544 {strides = array<i32>} : memref<128xi32, #tpu.memory_space<vmem>>, vector<16xi32>,
    %get3A_545 = arith.constant 32 : index
    %get3A_546 = tpu.vector_load %arg12[%get3A_545] {strides = array<i32>} : memref<128xf32, #tpu.memory_space<vmem>>, vector<16xf32>,
    %get3A_547 = vector.shape_cast %get3A_546 : vector<16xf32> to vector<16xf32>
    %get3A_548 = arith.constant 32 : index
    %get3A_549 = tpu.vector_load %arg14[%get3A_548] {strides = array<i32>} : memref<128xf32, #tpu.memory_space<vmem>>, vector<16xf32>,
    %get3A_550 = vector.shape_cast %get3A_549 : vector<16xf32> to vector<16xf32>
    %mul3A_551 = arith.mulf %get3A_393, %get3A_547 : vector<16xf32>
    %mul3A_552 = arith.mulf %get3A_398, %get3A_550 : vector<16xf32>
    %add3A_553 = arith.addf %mul3A_551, %mul3A_552 : vector<16xf32>
    %mul3A_554 = vector.broadcast %select_n3A : f32 to vector<16xf32>
    %mul3A_555 = arith.mulf %add3A_553, %mul3A_554 : vector<16xf32>
    %ne3A_556 = arith.constant 0.000000e+00 : f32
    %ne3A_557 = vector.broadcast %ne3A_556 : f32 to vector<16xf32>
    %ne3A_558 = arith.cmpf one, %mul3A_555, %ne3A_557 : vector<16xf32>
    %add3A_559 = arith.constant 10032 : i32
    %add3A_560 = vector.broadcast %add3A_559 : i32 to vector<16xi32>
    %add3A_561 = arith.addi %add3A_560, %iota3A : vector<16xi32>
    %get3A_562 = arith.constant 32 : index
    %get3A_563 = tpu.vector_load %arg10[%get3A_562] {strides = array<i32>} : memref<128xi32, #tpu.memory_space<vmem>>, vector<16xi32>,
    %get3A_564 = vector.shape_cast %get3A_563 : vector<16xi32> to vector<16xi32>
    %select_n3A_565 = arith.select %ne3A_558, %get3A_564, %add3A_561 : vector<16xi1>, vector<16xi32>
    %swap3A_566 = arith.constant 32 : index
    %swap3A_567 = tpu.vector_load %arg19[%swap3A_566] {strides = array<i32>} : memref<128xi32, #tpu.memory_space<vmem>>, vector<16xi32>,
    %swap3A_568 = vector.shape_cast %swap3A_567 : vector<16xi32> to vector<16xi32>
    %swap3A_569 = vector.shape_cast %select_n3A_565 : vector<16xi32> to vector<16xi32>
    tpu.vector_store %arg19[%swap3A_566], %swap3A_569 {strides = array<i32>} : memref<128xi32, #tpu.memory_space<vmem>>, vector<16xi32>,
    %get3A_570 = arith.constant 48 : index
    %get3A_571 = tpu.vector_load %arg12[%get3A_570] {strides = array<i32>} : memref<128xf32, #tpu.memory_space<vmem>>, vector<16xf32>,
    %get3A_572 = vector.shape_cast %get3A_571 : vector<16xf32> to vector<16xf32>
    %get3A_573 = arith.constant 48 : index
    %get3A_574 = tpu.vector_load %arg14[%get3A_573] {strides = array<i32>} : memref<128xf32, #tpu.memory_space<vmem>>, vector<16xf32>,
    %get3A_575 = vector.shape_cast %get3A_574 : vector<16xf32> to vector<16xf32>
    %mul3A_576 = arith.mulf %get3A_393, %get3A_572 : vector<16xf32>
    %mul3A_577 = arith.mulf %get3A_398, %get3A_575 : vector<16xf32>
    %add3A_578 = arith.addf %mul3A_576, %mul3A_577 : vector<16xf32>
    %mul3A_579 = vector.broadcast %select_n3A : f32 to vector<16xf32>
    %mul3A_580 = arith.mulf %add3A_578, %mul3A_579 : vector<16xf32>
    %ne3A_581 = arith.constant 0.000000e+00 : f32
    %ne3A_582 = vector.broadcast %ne3A_581 : f32 to vector<16xf32>
    %ne3A_583 = arith.cmpf one, %mul3A_580, %ne3A_582 : vector<16xf32>
    %add3A_584 = arith.constant 10048 : i32
    %add3A_585 = vector.broadcast %add3A_584 : i32 to vector<16xi32>
    %add3A_586 = arith.addi %add3A_585, %iota3A : vector<16xi32>
    %get3A_587 = arith.constant 48 : index
    %get3A_588 = tpu.vector_load %arg10[%get3A_587] {strides = array<i32>} : memref<128xi32, #tpu.memory_space<vmem>>, vector<16xi32>,
    %get3A_589 = vector.shape_cast %get3A_588 : vector<16xi32> to vector<16xi32>
    %select_n3A_590 = arith.select %ne3A_583, %get3A_589, %add3A_586 : vector<16xi1>, vector<16xi32>
    %swap3A_591 = arith.constant 48 : index
    %swap3A_592 = tpu.vector_load %arg19[%swap3A_591] {strides = array<i32>} : memref<128xi32, #tpu.memory_space<vmem>>, vector<16xi32>,
    %swap3A_593 = vector.shape_cast %swap3A_592 : vector<16xi32> to vector<16xi32>
    %swap3A_594 = vector.shape_cast %select_n3A_590 : vector<16xi32> to vector<16xi32>
    tpu.vector_store %arg19[%swap3A_591], %swap3A_594 {strides = array<i32>} : memref<128xi32, #tpu.memory_space<vmem>>, vector<16xi32>,
    %get3A_595 = arith.constant 64 : index
    %get3A_596 = tpu.vector_load %arg12[%get3A_595] {strides = array<i32>} : memref<128xf32, #tpu.memory_space<vmem>>, vector<16xf32>,
    %get3A_597 = vector.shape_cast %get3A_596 : vector<16xf32> to vector<16xf32>
    %get3A_598 = arith.constant 64 : index
    %get3A_599 = tpu.vector_load %arg14[%get3A_598] {strides = array<i32>} : memref<128xf32, #tpu.memory_space<vmem>>, vector<16xf32>,
    %get3A_600 = vector.shape_cast %get3A_599 : vector<16xf32> to vector<16xf32>
    %mul3A_601 = arith.mulf %get3A_393, %get3A_597 : vector<16xf32>
    %mul3A_602 = arith.mulf %get3A_398, %get3A_600 : vector<16xf32>
    %add3A_603 = arith.addf %mul3A_601, %mul3A_602 : vector<16xf32>
    %mul3A_604 = vector.broadcast %select_n3A : f32 to vector<16xf32>
    %mul3A_605 = arith.mulf %add3A_603, %mul3A_604 : vector<16xf32>
    %ne3A_606 = arith.constant 0.000000e+00 : f32
    %ne3A_607 = vector.broadcast %ne3A_606 : f32 to vector<16xf32>
    %ne3A_608 = arith.cmpf one, %mul3A_605, %ne3A_607 : vector<16xf32>
    %add3A_609 = arith.constant 10064 : i32
    %add3A_610 = vector.broadcast %add3A_609 : i32 to vector<16xi32>
    %add3A_611 = arith.addi %add3A_610, %iota3A : vector<16xi32>
    %get3A_612 = arith.constant 64 : index
    %get3A_613 = tpu.vector_load %arg10[%get3A_612] {strides = array<i32>} : memref<128xi32, #tpu.memory_space<vmem>>, vector<16xi32>,
    %get3A_614 = vector.shape_cast %get3A_613 : vector<16xi32> to vector<16xi32>
    %select_n3A_615 = arith.select %ne3A_608, %get3A_614, %add3A_611 : vector<16xi1>, vector<16xi32>
    %swap3A_616 = arith.constant 64 : index
    %swap3A_617 = tpu.vector_load %arg19[%swap3A_616] {strides = array<i32>} : memref<128xi32, #tpu.memory_space<vmem>>, vector<16xi32>,
    %swap3A_618 = vector.shape_cast %swap3A_617 : vector<16xi32> to vector<16xi32>
    %swap3A_619 = vector.shape_cast %select_n3A_615 : vector<16xi32> to vector<16xi32>
    tpu.vector_store %arg19[%swap3A_616], %swap3A_619 {strides = array<i32>} : memref<128xi32, #tpu.memory_space<vmem>>, vector<16xi32>,
    %get3A_620 = arith.constant 80 : index
    %get3A_621 = tpu.vector_load %arg12[%get3A_620] {strides = array<i32>} : memref<128xf32, #tpu.memory_space<vmem>>, vector<16xf32>,
    %get3A_622 = vector.shape_cast %get3A_621 : vector<16xf32> to vector<16xf32>
    %get3A_623 = arith.constant 80 : index
    %get3A_624 = tpu.vector_load %arg14[%get3A_623] {strides = array<i32>} : memref<128xf32, #tpu.memory_space<vmem>>, vector<16xf32>,
    %get3A_625 = vector.shape_cast %get3A_624 : vector<16xf32> to vector<16xf32>
    %mul3A_626 = arith.mulf %get3A_393, %get3A_622 : vector<16xf32>
    %mul3A_627 = arith.mulf %get3A_398, %get3A_625 : vector<16xf32>
    %add3A_628 = arith.addf %mul3A_626, %mul3A_627 : vector<16xf32>
    %mul3A_629 = vector.broadcast %select_n3A : f32 to vector<16xf32>
    %mul3A_630 = arith.mulf %add3A_628, %mul3A_629 : vector<16xf32>
    %ne3A_631 = arith.constant 0.000000e+00 : f32
    %ne3A_632 = vector.broadcast %ne3A_631 : f32 to vector<16xf32>
    %ne3A_633 = arith.cmpf one, %mul3A_630, %ne3A_632 : vector<16xf32>
    %add3A_634 = arith.constant 10080 : i32
    %add3A_635 = vector.broadcast %add3A_634 : i32 to vector<16xi32>
    %add3A_636 = arith.addi %add3A_635, %iota3A : vector<16xi32>
    %get3A_637 = arith.constant 80 : index
    %get3A_638 = tpu.vector_load %arg10[%get3A_637] {strides = array<i32>} : memref<128xi32, #tpu.memory_space<vmem>>, vector<16xi32>,
    %get3A_639 = vector.shape_cast %get3A_638 : vector<16xi32> to vector<16xi32>
    %select_n3A_640 = arith.select %ne3A_633, %get3A_639, %add3A_636 : vector<16xi1>, vector<16xi32>
    %swap3A_641 = arith.constant 80 : index
    %swap3A_642 = tpu.vector_load %arg19[%swap3A_641] {strides = array<i32>} : memref<128xi32, #tpu.memory_space<vmem>>, vector<16xi32>,
    %swap3A_643 = vector.shape_cast %swap3A_642 : vector<16xi32> to vector<16xi32>
    %swap3A_644 = vector.shape_cast %select_n3A_640 : vector<16xi32> to vector<16xi32>
    tpu.vector_store %arg19[%swap3A_641], %swap3A_644 {strides = array<i32>} : memref<128xi32, #tpu.memory_space<vmem>>, vector<16xi32>,
    %get3A_645 = arith.constant 96 : index
    %get3A_646 = tpu.vector_load %arg12[%get3A_645] {strides = array<i32>} : memref<128xf32, #tpu.memory_space<vmem>>, vector<16xf32>,
    %get3A_647 = vector.shape_cast %get3A_646 : vector<16xf32> to vector<16xf32>
    %get3A_648 = arith.constant 96 : index
    %get3A_649 = tpu.vector_load %arg14[%get3A_648] {strides = array<i32>} : memref<128xf32, #tpu.memory_space<vmem>>, vector<16xf32>,
    %get3A_650 = vector.shape_cast %get3A_649 : vector<16xf32> to vector<16xf32>
    %mul3A_651 = arith.mulf %get3A_393, %get3A_647 : vector<16xf32>
    %mul3A_652 = arith.mulf %get3A_398, %get3A_650 : vector<16xf32>
    %add3A_653 = arith.addf %mul3A_651, %mul3A_652 : vector<16xf32>
    %mul3A_654 = vector.broadcast %select_n3A : f32 to vector<16xf32>
    %mul3A_655 = arith.mulf %add3A_653, %mul3A_654 : vector<16xf32>
    %ne3A_656 = arith.constant 0.000000e+00 : f32
    %ne3A_657 = vector.broadcast %ne3A_656 : f32 to vector<16xf32>
    %ne3A_658 = arith.cmpf one, %mul3A_655, %ne3A_657 : vector<16xf32>
    %add3A_659 = arith.constant 10096 : i32
    %add3A_660 = vector.broadcast %add3A_659 : i32 to vector<16xi32>
    %add3A_661 = arith.addi %add3A_660, %iota3A : vector<16xi32>
    %get3A_662 = arith.constant 96 : index
    %get3A_663 = tpu.vector_load %arg10[%get3A_662] {strides = array<i32>} : memref<128xi32, #tpu.memory_space<vmem>>, vector<16xi32>,
    %get3A_664 = vector.shape_cast %get3A_663 : vector<16xi32> to vector<16xi32>
    %select_n3A_665 = arith.select %ne3A_658, %get3A_664, %add3A_661 : vector<16xi1>, vector<16xi32>
    %swap3A_666 = arith.constant 96 : index
    %swap3A_667 = tpu.vector_load %arg19[%swap3A_666] {strides = array<i32>} : memref<128xi32, #tpu.memory_space<vmem>>, vector<16xi32>,
    %swap3A_668 = vector.shape_cast %swap3A_667 : vector<16xi32> to vector<16xi32>
    %swap3A_669 = vector.shape_cast %select_n3A_665 : vector<16xi32> to vector<16xi32>
    tpu.vector_store %arg19[%swap3A_666], %swap3A_669 {strides = array<i32>} : memref<128xi32, #tpu.memory_space<vmem>>, vector<16xi32>,
    %get3A_670 = arith.constant 112 : index
    %get3A_671 = tpu.vector_load %arg12[%get3A_670] {strides = array<i32>} : memref<128xf32, #tpu.memory_space<vmem>>, vector<16xf32>,
    %get3A_672 = vector.shape_cast %get3A_671 : vector<16xf32> to vector<16xf32>
    %get3A_673 = arith.constant 112 : index
    %get3A_674 = tpu.vector_load %arg14[%get3A_673] {strides = array<i32>} : memref<128xf32, #tpu.memory_space<vmem>>, vector<16xf32>,
    %get3A_675 = vector.shape_cast %get3A_674 : vector<16xf32> to vector<16xf32>
    %mul3A_676 = arith.mulf %get3A_393, %get3A_672 : vector<16xf32>
    %mul3A_677 = arith.mulf %get3A_398, %get3A_675 : vector<16xf32>
    %add3A_678 = arith.addf %mul3A_676, %mul3A_677 : vector<16xf32>
    %mul3A_679 = vector.broadcast %select_n3A : f32 to vector<16xf32>
    %mul3A_680 = arith.mulf %add3A_678, %mul3A_679 : vector<16xf32>
    %ne3A_681 = arith.constant 0.000000e+00 : f32
    %ne3A_682 = vector.broadcast %ne3A_681 : f32 to vector<16xf32>
    %ne3A_683 = arith.cmpf one, %mul3A_680, %ne3A_682 : vector<16xf32>
    %add3A_684 = arith.constant 10112 : i32
    %add3A_685 = vector.broadcast %add3A_684 : i32 to vector<16xi32>
    %add3A_686 = arith.addi %add3A_685, %iota3A : vector<16xi32>
    %get3A_687 = arith.constant 112 : index
    %get3A_688 = tpu.vector_load %arg10[%get3A_687] {strides = array<i32>} : memref<128xi32, #tpu.memory_space<vmem>>, vector<16xi32>,
    %get3A_689 = vector.shape_cast %get3A_688 : vector<16xi32> to vector<16xi32>
    %select_n3A_690 = arith.select %ne3A_683, %get3A_689, %add3A_686 : vector<16xi1>, vector<16xi32>
    %swap3A_691 = arith.constant 112 : index
    %swap3A_692 = tpu.vector_load %arg19[%swap3A_691] {strides = array<i32>} : memref<128xi32, #tpu.memory_space<vmem>>, vector<16xi32>,
    %swap3A_693 = vector.shape_cast %swap3A_692 : vector<16xi32> to vector<16xi32>
    %swap3A_694 = vector.shape_cast %select_n3A_690 : vector<16xi32> to vector<16xi32>
    tpu.vector_store %arg19[%swap3A_691], %swap3A_694 {strides = array<i32>} : memref<128xi32, #tpu.memory_space<vmem>>, vector<16xi32>,
    %dma_wait3A_695 = arith.constant 0 : i32
    %dma_wait3A_696 = arith.constant 0 : i32
    %dma_wait3A_697 = tpu.memref_slice %arg6[%dma_wait3A_695, %dma_wait3A_696] : memref<10000x128xf32, #tpu.memory_space<hbm>> -> memref<10000x128xf32, #tpu.memory_space<hbm>>
    tpu.wait_indirect_dma semaphore(%arg31 : memref<!tpu.dma_semaphore, #tpu.memory_space<semaphore_mem>>) src(%dma_wait3A_697 : memref<10000x128xf32, #tpu.memory_space<hbm>>) dst(%arg17 : memref<128x128xf32, #tpu.memory_space<vmem>>)
    "tpu.region"() ({
      %run_scoped3A = tpu.sem_alloc : memref<!tpu.dma_semaphore, #tpu.memory_space<semaphore_mem>>
      %dma_start3A_916 = arith.constant 0 : i32
      %dma_start3A_917 = arith.constant 0 : i32
      %dma_start3A_918 = tpu.memref_slice %arg22[%dma_start3A_916, %dma_start3A_917] : memref<10240x128xf32, #tpu.memory_space<vmem_shared>> -> memref<10240x128xf32, #tpu.memory_space<vmem_shared>>
      tpu.enqueue_indirect_dma source(%arg17 : memref<128x128xf32, #tpu.memory_space<vmem>>) target(%dma_start3A_918 : memref<10240x128xf32, #tpu.memory_space<vmem_shared>>) offsets(%arg19 : memref<128xi32, #tpu.memory_space<vmem>>) semaphore(%run_scoped3A : memref<!tpu.dma_semaphore, #tpu.memory_space<semaphore_mem>>) {add = true}
      %dma_wait3A_919 = arith.constant 0 : i32
      %dma_wait3A_920 = arith.constant 0 : i32
      %dma_wait3A_921 = tpu.memref_slice %arg22[%dma_wait3A_919, %dma_wait3A_920] : memref<10240x128xf32, #tpu.memory_space<vmem_shared>> -> memref<10240x128xf32, #tpu.memory_space<vmem_shared>>
      tpu.wait_indirect_dma semaphore(%run_scoped3A : memref<!tpu.dma_semaphore, #tpu.memory_space<semaphore_mem>>) src(%arg17 : memref<128x128xf32, #tpu.memory_space<vmem>>) dst(%dma_wait3A_921 : memref<10240x128xf32, #tpu.memory_space<vmem_shared>>)
      tpu.yield
    }) : () -> ()
    %add3A_698 = arith.constant 2528 : i32
    %add3A_699 = arith.addi %add3A, %add3A_698 : i32
    %lt3A_700 = arith.constant 2500 : i32
    %lt3A_701 = arith.cmpi slt, %add3A_699, %lt3A_700 : i32
    %jit3A_702 = arith.constant 1.000000e+00 : f32
    %jit3A_703 = arith.constant 0.000000e+00 : f32
    %select_n3A_704 = arith.select %lt3A_701, %jit3A_702, %jit3A_703 : f32
    %get3A_705 = arith.constant 0 : index
    %get3A_706 = tpu.vector_load %arg13[%get3A_705] {strides = array<i32>} : memref<128xf32, #tpu.memory_space<vmem>>, vector<16xf32>,
    %get3A_707 = vector.shape_cast %get3A_706 : vector<16xf32> to vector<16xf32>
    %get3A_708 = arith.constant 0 : index
    %get3A_709 = tpu.vector_load %arg15[%get3A_708] {strides = array<i32>} : memref<128xf32, #tpu.memory_space<vmem>>, vector<16xf32>,
    %get3A_710 = vector.shape_cast %get3A_709 : vector<16xf32> to vector<16xf32>
    %mul3A_711 = arith.mulf %get3A_393, %get3A_707 : vector<16xf32>
    %mul3A_712 = arith.mulf %get3A_398, %get3A_710 : vector<16xf32>
    %add3A_713 = arith.addf %mul3A_711, %mul3A_712 : vector<16xf32>
    %mul3A_714 = vector.broadcast %select_n3A_704 : f32 to vector<16xf32>
    %mul3A_715 = arith.mulf %add3A_713, %mul3A_714 : vector<16xf32>
    %ne3A_716 = arith.constant 0.000000e+00 : f32
    %ne3A_717 = vector.broadcast %ne3A_716 : f32 to vector<16xf32>
    %ne3A_718 = arith.cmpf one, %mul3A_715, %ne3A_717 : vector<16xf32>
    %add3A_719 = arith.constant 10000 : i32
    %add3A_720 = vector.broadcast %add3A_719 : i32 to vector<16xi32>
    %add3A_721 = arith.addi %add3A_720, %iota3A : vector<16xi32>
    %get3A_722 = arith.constant 0 : index
    %get3A_723 = tpu.vector_load %arg11[%get3A_722] {strides = array<i32>} : memref<128xi32, #tpu.memory_space<vmem>>, vector<16xi32>,
    %get3A_724 = vector.shape_cast %get3A_723 : vector<16xi32> to vector<16xi32>
    %select_n3A_725 = arith.select %ne3A_718, %get3A_724, %add3A_721 : vector<16xi1>, vector<16xi32>
    %swap3A_726 = arith.constant 0 : index
    %swap3A_727 = tpu.vector_load %arg20[%swap3A_726] {strides = array<i32>} : memref<128xi32, #tpu.memory_space<vmem>>, vector<16xi32>,
    %swap3A_728 = vector.shape_cast %swap3A_727 : vector<16xi32> to vector<16xi32>
    %swap3A_729 = vector.shape_cast %select_n3A_725 : vector<16xi32> to vector<16xi32>
    tpu.vector_store %arg20[%swap3A_726], %swap3A_729 {strides = array<i32>} : memref<128xi32, #tpu.memory_space<vmem>>, vector<16xi32>,
    %get3A_730 = arith.constant 16 : index
    %get3A_731 = tpu.vector_load %arg13[%get3A_730] {strides = array<i32>} : memref<128xf32, #tpu.memory_space<vmem>>, vector<16xf32>,
    %get3A_732 = vector.shape_cast %get3A_731 : vector<16xf32> to vector<16xf32>
    %get3A_733 = arith.constant 16 : index
    %get3A_734 = tpu.vector_load %arg15[%get3A_733] {strides = array<i32>} : memref<128xf32, #tpu.memory_space<vmem>>, vector<16xf32>,
    %get3A_735 = vector.shape_cast %get3A_734 : vector<16xf32> to vector<16xf32>
    %mul3A_736 = arith.mulf %get3A_393, %get3A_732 : vector<16xf32>
    %mul3A_737 = arith.mulf %get3A_398, %get3A_735 : vector<16xf32>
    %add3A_738 = arith.addf %mul3A_736, %mul3A_737 : vector<16xf32>
    %mul3A_739 = vector.broadcast %select_n3A_704 : f32 to vector<16xf32>
    %mul3A_740 = arith.mulf %add3A_738, %mul3A_739 : vector<16xf32>
    %ne3A_741 = arith.constant 0.000000e+00 : f32
    %ne3A_742 = vector.broadcast %ne3A_741 : f32 to vector<16xf32>
    %ne3A_743 = arith.cmpf one, %mul3A_740, %ne3A_742 : vector<16xf32>
    %add3A_744 = arith.constant 10016 : i32
    %add3A_745 = vector.broadcast %add3A_744 : i32 to vector<16xi32>
    %add3A_746 = arith.addi %add3A_745, %iota3A : vector<16xi32>
    %get3A_747 = arith.constant 16 : index
    %get3A_748 = tpu.vector_load %arg11[%get3A_747] {strides = array<i32>} : memref<128xi32, #tpu.memory_space<vmem>>, vector<16xi32>,
    %get3A_749 = vector.shape_cast %get3A_748 : vector<16xi32> to vector<16xi32>
    %select_n3A_750 = arith.select %ne3A_743, %get3A_749, %add3A_746 : vector<16xi1>, vector<16xi32>
    %swap3A_751 = arith.constant 16 : index
    %swap3A_752 = tpu.vector_load %arg20[%swap3A_751] {strides = array<i32>} : memref<128xi32, #tpu.memory_space<vmem>>, vector<16xi32>,
    %swap3A_753 = vector.shape_cast %swap3A_752 : vector<16xi32> to vector<16xi32>
    %swap3A_754 = vector.shape_cast %select_n3A_750 : vector<16xi32> to vector<16xi32>
    tpu.vector_store %arg20[%swap3A_751], %swap3A_754 {strides = array<i32>} : memref<128xi32, #tpu.memory_space<vmem>>, vector<16xi32>,
    %get3A_755 = arith.constant 32 : index
    %get3A_756 = tpu.vector_load %arg13[%get3A_755] {strides = array<i32>} : memref<128xf32, #tpu.memory_space<vmem>>, vector<16xf32>,
    %get3A_757 = vector.shape_cast %get3A_756 : vector<16xf32> to vector<16xf32>
    %get3A_758 = arith.constant 32 : index
    %get3A_759 = tpu.vector_load %arg15[%get3A_758] {strides = array<i32>} : memref<128xf32, #tpu.memory_space<vmem>>, vector<16xf32>,
    %get3A_760 = vector.shape_cast %get3A_759 : vector<16xf32> to vector<16xf32>
    %mul3A_761 = arith.mulf %get3A_393, %get3A_757 : vector<16xf32>
    %mul3A_762 = arith.mulf %get3A_398, %get3A_760 : vector<16xf32>
    %add3A_763 = arith.addf %mul3A_761, %mul3A_762 : vector<16xf32>
    %mul3A_764 = vector.broadcast %select_n3A_704 : f32 to vector<16xf32>
    %mul3A_765 = arith.mulf %add3A_763, %mul3A_764 : vector<16xf32>
    %ne3A_766 = arith.constant 0.000000e+00 : f32
    %ne3A_767 = vector.broadcast %ne3A_766 : f32 to vector<16xf32>
    %ne3A_768 = arith.cmpf one, %mul3A_765, %ne3A_767 : vector<16xf32>
    %add3A_769 = arith.constant 10032 : i32
    %add3A_770 = vector.broadcast %add3A_769 : i32 to vector<16xi32>
    %add3A_771 = arith.addi %add3A_770, %iota3A : vector<16xi32>
    %get3A_772 = arith.constant 32 : index
    %get3A_773 = tpu.vector_load %arg11[%get3A_772] {strides = array<i32>} : memref<128xi32, #tpu.memory_space<vmem>>, vector<16xi32>,
    %get3A_774 = vector.shape_cast %get3A_773 : vector<16xi32> to vector<16xi32>
    %select_n3A_775 = arith.select %ne3A_768, %get3A_774, %add3A_771 : vector<16xi1>, vector<16xi32>
    %swap3A_776 = arith.constant 32 : index
    %swap3A_777 = tpu.vector_load %arg20[%swap3A_776] {strides = array<i32>} : memref<128xi32, #tpu.memory_space<vmem>>, vector<16xi32>,
    %swap3A_778 = vector.shape_cast %swap3A_777 : vector<16xi32> to vector<16xi32>
    %swap3A_779 = vector.shape_cast %select_n3A_775 : vector<16xi32> to vector<16xi32>
    tpu.vector_store %arg20[%swap3A_776], %swap3A_779 {strides = array<i32>} : memref<128xi32, #tpu.memory_space<vmem>>, vector<16xi32>,
    %get3A_780 = arith.constant 48 : index
    %get3A_781 = tpu.vector_load %arg13[%get3A_780] {strides = array<i32>} : memref<128xf32, #tpu.memory_space<vmem>>, vector<16xf32>,
    %get3A_782 = vector.shape_cast %get3A_781 : vector<16xf32> to vector<16xf32>
    %get3A_783 = arith.constant 48 : index
    %get3A_784 = tpu.vector_load %arg15[%get3A_783] {strides = array<i32>} : memref<128xf32, #tpu.memory_space<vmem>>, vector<16xf32>,
    %get3A_785 = vector.shape_cast %get3A_784 : vector<16xf32> to vector<16xf32>
    %mul3A_786 = arith.mulf %get3A_393, %get3A_782 : vector<16xf32>
    %mul3A_787 = arith.mulf %get3A_398, %get3A_785 : vector<16xf32>
    %add3A_788 = arith.addf %mul3A_786, %mul3A_787 : vector<16xf32>
    %mul3A_789 = vector.broadcast %select_n3A_704 : f32 to vector<16xf32>
    %mul3A_790 = arith.mulf %add3A_788, %mul3A_789 : vector<16xf32>
    %ne3A_791 = arith.constant 0.000000e+00 : f32
    %ne3A_792 = vector.broadcast %ne3A_791 : f32 to vector<16xf32>
    %ne3A_793 = arith.cmpf one, %mul3A_790, %ne3A_792 : vector<16xf32>
    %add3A_794 = arith.constant 10048 : i32
    %add3A_795 = vector.broadcast %add3A_794 : i32 to vector<16xi32>
    %add3A_796 = arith.addi %add3A_795, %iota3A : vector<16xi32>
    %get3A_797 = arith.constant 48 : index
    %get3A_798 = tpu.vector_load %arg11[%get3A_797] {strides = array<i32>} : memref<128xi32, #tpu.memory_space<vmem>>, vector<16xi32>,
    %get3A_799 = vector.shape_cast %get3A_798 : vector<16xi32> to vector<16xi32>
    %select_n3A_800 = arith.select %ne3A_793, %get3A_799, %add3A_796 : vector<16xi1>, vector<16xi32>
    %swap3A_801 = arith.constant 48 : index
    %swap3A_802 = tpu.vector_load %arg20[%swap3A_801] {strides = array<i32>} : memref<128xi32, #tpu.memory_space<vmem>>, vector<16xi32>,
    %swap3A_803 = vector.shape_cast %swap3A_802 : vector<16xi32> to vector<16xi32>
    %swap3A_804 = vector.shape_cast %select_n3A_800 : vector<16xi32> to vector<16xi32>
    tpu.vector_store %arg20[%swap3A_801], %swap3A_804 {strides = array<i32>} : memref<128xi32, #tpu.memory_space<vmem>>, vector<16xi32>,
    %get3A_805 = arith.constant 64 : index
    %get3A_806 = tpu.vector_load %arg13[%get3A_805] {strides = array<i32>} : memref<128xf32, #tpu.memory_space<vmem>>, vector<16xf32>,
    %get3A_807 = vector.shape_cast %get3A_806 : vector<16xf32> to vector<16xf32>
    %get3A_808 = arith.constant 64 : index
    %get3A_809 = tpu.vector_load %arg15[%get3A_808] {strides = array<i32>} : memref<128xf32, #tpu.memory_space<vmem>>, vector<16xf32>,
    %get3A_810 = vector.shape_cast %get3A_809 : vector<16xf32> to vector<16xf32>
    %mul3A_811 = arith.mulf %get3A_393, %get3A_807 : vector<16xf32>
    %mul3A_812 = arith.mulf %get3A_398, %get3A_810 : vector<16xf32>
    %add3A_813 = arith.addf %mul3A_811, %mul3A_812 : vector<16xf32>
    %mul3A_814 = vector.broadcast %select_n3A_704 : f32 to vector<16xf32>
    %mul3A_815 = arith.mulf %add3A_813, %mul3A_814 : vector<16xf32>
    %ne3A_816 = arith.constant 0.000000e+00 : f32
    %ne3A_817 = vector.broadcast %ne3A_816 : f32 to vector<16xf32>
    %ne3A_818 = arith.cmpf one, %mul3A_815, %ne3A_817 : vector<16xf32>
    %add3A_819 = arith.constant 10064 : i32
    %add3A_820 = vector.broadcast %add3A_819 : i32 to vector<16xi32>
    %add3A_821 = arith.addi %add3A_820, %iota3A : vector<16xi32>
    %get3A_822 = arith.constant 64 : index
    %get3A_823 = tpu.vector_load %arg11[%get3A_822] {strides = array<i32>} : memref<128xi32, #tpu.memory_space<vmem>>, vector<16xi32>,
    %get3A_824 = vector.shape_cast %get3A_823 : vector<16xi32> to vector<16xi32>
    %select_n3A_825 = arith.select %ne3A_818, %get3A_824, %add3A_821 : vector<16xi1>, vector<16xi32>
    %swap3A_826 = arith.constant 64 : index
    %swap3A_827 = tpu.vector_load %arg20[%swap3A_826] {strides = array<i32>} : memref<128xi32, #tpu.memory_space<vmem>>, vector<16xi32>,
    %swap3A_828 = vector.shape_cast %swap3A_827 : vector<16xi32> to vector<16xi32>
    %swap3A_829 = vector.shape_cast %select_n3A_825 : vector<16xi32> to vector<16xi32>
    tpu.vector_store %arg20[%swap3A_826], %swap3A_829 {strides = array<i32>} : memref<128xi32, #tpu.memory_space<vmem>>, vector<16xi32>,
    %get3A_830 = arith.constant 80 : index
    %get3A_831 = tpu.vector_load %arg13[%get3A_830] {strides = array<i32>} : memref<128xf32, #tpu.memory_space<vmem>>, vector<16xf32>,
    %get3A_832 = vector.shape_cast %get3A_831 : vector<16xf32> to vector<16xf32>
    %get3A_833 = arith.constant 80 : index
    %get3A_834 = tpu.vector_load %arg15[%get3A_833] {strides = array<i32>} : memref<128xf32, #tpu.memory_space<vmem>>, vector<16xf32>,
    %get3A_835 = vector.shape_cast %get3A_834 : vector<16xf32> to vector<16xf32>
    %mul3A_836 = arith.mulf %get3A_393, %get3A_832 : vector<16xf32>
    %mul3A_837 = arith.mulf %get3A_398, %get3A_835 : vector<16xf32>
    %add3A_838 = arith.addf %mul3A_836, %mul3A_837 : vector<16xf32>
    %mul3A_839 = vector.broadcast %select_n3A_704 : f32 to vector<16xf32>
    %mul3A_840 = arith.mulf %add3A_838, %mul3A_839 : vector<16xf32>
    %ne3A_841 = arith.constant 0.000000e+00 : f32
    %ne3A_842 = vector.broadcast %ne3A_841 : f32 to vector<16xf32>
    %ne3A_843 = arith.cmpf one, %mul3A_840, %ne3A_842 : vector<16xf32>
    %add3A_844 = arith.constant 10080 : i32
    %add3A_845 = vector.broadcast %add3A_844 : i32 to vector<16xi32>
    %add3A_846 = arith.addi %add3A_845, %iota3A : vector<16xi32>
    %get3A_847 = arith.constant 80 : index
    %get3A_848 = tpu.vector_load %arg11[%get3A_847] {strides = array<i32>} : memref<128xi32, #tpu.memory_space<vmem>>, vector<16xi32>,
    %get3A_849 = vector.shape_cast %get3A_848 : vector<16xi32> to vector<16xi32>
    %select_n3A_850 = arith.select %ne3A_843, %get3A_849, %add3A_846 : vector<16xi1>, vector<16xi32>
    %swap3A_851 = arith.constant 80 : index
    %swap3A_852 = tpu.vector_load %arg20[%swap3A_851] {strides = array<i32>} : memref<128xi32, #tpu.memory_space<vmem>>, vector<16xi32>,
    %swap3A_853 = vector.shape_cast %swap3A_852 : vector<16xi32> to vector<16xi32>
    %swap3A_854 = vector.shape_cast %select_n3A_850 : vector<16xi32> to vector<16xi32>
    tpu.vector_store %arg20[%swap3A_851], %swap3A_854 {strides = array<i32>} : memref<128xi32, #tpu.memory_space<vmem>>, vector<16xi32>,
    %get3A_855 = arith.constant 96 : index
    %get3A_856 = tpu.vector_load %arg13[%get3A_855] {strides = array<i32>} : memref<128xf32, #tpu.memory_space<vmem>>, vector<16xf32>,
    %get3A_857 = vector.shape_cast %get3A_856 : vector<16xf32> to vector<16xf32>
    %get3A_858 = arith.constant 96 : index
    %get3A_859 = tpu.vector_load %arg15[%get3A_858] {strides = array<i32>} : memref<128xf32, #tpu.memory_space<vmem>>, vector<16xf32>,
    %get3A_860 = vector.shape_cast %get3A_859 : vector<16xf32> to vector<16xf32>
    %mul3A_861 = arith.mulf %get3A_393, %get3A_857 : vector<16xf32>
    %mul3A_862 = arith.mulf %get3A_398, %get3A_860 : vector<16xf32>
    %add3A_863 = arith.addf %mul3A_861, %mul3A_862 : vector<16xf32>
    %mul3A_864 = vector.broadcast %select_n3A_704 : f32 to vector<16xf32>
    %mul3A_865 = arith.mulf %add3A_863, %mul3A_864 : vector<16xf32>
    %ne3A_866 = arith.constant 0.000000e+00 : f32
    %ne3A_867 = vector.broadcast %ne3A_866 : f32 to vector<16xf32>
    %ne3A_868 = arith.cmpf one, %mul3A_865, %ne3A_867 : vector<16xf32>
    %add3A_869 = arith.constant 10096 : i32
    %add3A_870 = vector.broadcast %add3A_869 : i32 to vector<16xi32>
    %add3A_871 = arith.addi %add3A_870, %iota3A : vector<16xi32>
    %get3A_872 = arith.constant 96 : index
    %get3A_873 = tpu.vector_load %arg11[%get3A_872] {strides = array<i32>} : memref<128xi32, #tpu.memory_space<vmem>>, vector<16xi32>,
    %get3A_874 = vector.shape_cast %get3A_873 : vector<16xi32> to vector<16xi32>
    %select_n3A_875 = arith.select %ne3A_868, %get3A_874, %add3A_871 : vector<16xi1>, vector<16xi32>
    %swap3A_876 = arith.constant 96 : index
    %swap3A_877 = tpu.vector_load %arg20[%swap3A_876] {strides = array<i32>} : memref<128xi32, #tpu.memory_space<vmem>>, vector<16xi32>,
    %swap3A_878 = vector.shape_cast %swap3A_877 : vector<16xi32> to vector<16xi32>
    %swap3A_879 = vector.shape_cast %select_n3A_875 : vector<16xi32> to vector<16xi32>
    tpu.vector_store %arg20[%swap3A_876], %swap3A_879 {strides = array<i32>} : memref<128xi32, #tpu.memory_space<vmem>>, vector<16xi32>,
    %get3A_880 = arith.constant 112 : index
    %get3A_881 = tpu.vector_load %arg13[%get3A_880] {strides = array<i32>} : memref<128xf32, #tpu.memory_space<vmem>>, vector<16xf32>,
    %get3A_882 = vector.shape_cast %get3A_881 : vector<16xf32> to vector<16xf32>
    %get3A_883 = arith.constant 112 : index
    %get3A_884 = tpu.vector_load %arg15[%get3A_883] {strides = array<i32>} : memref<128xf32, #tpu.memory_space<vmem>>, vector<16xf32>,
    %get3A_885 = vector.shape_cast %get3A_884 : vector<16xf32> to vector<16xf32>
    %mul3A_886 = arith.mulf %get3A_393, %get3A_882 : vector<16xf32>
    %mul3A_887 = arith.mulf %get3A_398, %get3A_885 : vector<16xf32>
    %add3A_888 = arith.addf %mul3A_886, %mul3A_887 : vector<16xf32>
    %mul3A_889 = vector.broadcast %select_n3A_704 : f32 to vector<16xf32>
    %mul3A_890 = arith.mulf %add3A_888, %mul3A_889 : vector<16xf32>
    %ne3A_891 = arith.constant 0.000000e+00 : f32
    %ne3A_892 = vector.broadcast %ne3A_891 : f32 to vector<16xf32>
    %ne3A_893 = arith.cmpf one, %mul3A_890, %ne3A_892 : vector<16xf32>
    %add3A_894 = arith.constant 10112 : i32
    %add3A_895 = vector.broadcast %add3A_894 : i32 to vector<16xi32>
    %add3A_896 = arith.addi %add3A_895, %iota3A : vector<16xi32>
    %get3A_897 = arith.constant 112 : index
    %get3A_898 = tpu.vector_load %arg11[%get3A_897] {strides = array<i32>} : memref<128xi32, #tpu.memory_space<vmem>>, vector<16xi32>,
    %get3A_899 = vector.shape_cast %get3A_898 : vector<16xi32> to vector<16xi32>
    %select_n3A_900 = arith.select %ne3A_893, %get3A_899, %add3A_896 : vector<16xi1>, vector<16xi32>
    %swap3A_901 = arith.constant 112 : index
    %swap3A_902 = tpu.vector_load %arg20[%swap3A_901] {strides = array<i32>} : memref<128xi32, #tpu.memory_space<vmem>>, vector<16xi32>,
    %swap3A_903 = vector.shape_cast %swap3A_902 : vector<16xi32> to vector<16xi32>
    %swap3A_904 = vector.shape_cast %select_n3A_900 : vector<16xi32> to vector<16xi32>
    tpu.vector_store %arg20[%swap3A_901], %swap3A_904 {strides = array<i32>} : memref<128xi32, #tpu.memory_space<vmem>>, vector<16xi32>,
    %dma_wait3A_905 = arith.constant 0 : i32
    %dma_wait3A_906 = arith.constant 0 : i32
    %dma_wait3A_907 = tpu.memref_slice %arg6[%dma_wait3A_905, %dma_wait3A_906] : memref<10000x128xf32, #tpu.memory_space<hbm>> -> memref<10000x128xf32, #tpu.memory_space<hbm>>
    tpu.wait_indirect_dma semaphore(%arg32 : memref<!tpu.dma_semaphore, #tpu.memory_space<semaphore_mem>>) src(%dma_wait3A_907 : memref<10000x128xf32, #tpu.memory_space<hbm>>) dst(%arg18 : memref<128x128xf32, #tpu.memory_space<vmem>>)
    "tpu.region"() ({
      %run_scoped3A = tpu.sem_alloc : memref<!tpu.dma_semaphore, #tpu.memory_space<semaphore_mem>>
      %dma_start3A_916 = arith.constant 0 : i32
      %dma_start3A_917 = arith.constant 0 : i32
      %dma_start3A_918 = tpu.memref_slice %arg22[%dma_start3A_916, %dma_start3A_917] : memref<10240x128xf32, #tpu.memory_space<vmem_shared>> -> memref<10240x128xf32, #tpu.memory_space<vmem_shared>>
      tpu.enqueue_indirect_dma source(%arg18 : memref<128x128xf32, #tpu.memory_space<vmem>>) target(%dma_start3A_918 : memref<10240x128xf32, #tpu.memory_space<vmem_shared>>) offsets(%arg20 : memref<128xi32, #tpu.memory_space<vmem>>) semaphore(%run_scoped3A : memref<!tpu.dma_semaphore, #tpu.memory_space<semaphore_mem>>) {add = true}
      %dma_wait3A_919 = arith.constant 0 : i32
      %dma_wait3A_920 = arith.constant 0 : i32
      %dma_wait3A_921 = tpu.memref_slice %arg22[%dma_wait3A_919, %dma_wait3A_920] : memref<10240x128xf32, #tpu.memory_space<vmem_shared>> -> memref<10240x128xf32, #tpu.memory_space<vmem_shared>>
      tpu.wait_indirect_dma semaphore(%run_scoped3A : memref<!tpu.dma_semaphore, #tpu.memory_space<semaphore_mem>>) src(%arg18 : memref<128x128xf32, #tpu.memory_space<vmem>>) dst(%dma_wait3A_921 : memref<10240x128xf32, #tpu.memory_space<vmem_shared>>)
      tpu.yield
    }) : () -> ()
    %barrier3A_908 = arith.constant 0 : index
    tpu.barrier barrier_id(%barrier3A_908)
    %mul3A_909 = arith.constant 640 : i32
    %mul3A_910 = arith.muli %arg1, %mul3A_909 : i32
    %mul3A_911 = arith.constant 10240 : i32
    %mul3A_912 = arith.muli %arg0, %mul3A_911 : i32
    %mul3A_913 = arith.constant 640 : i32
    %mul3A_914 = arith.muli %arg1, %mul3A_913 : i32
    %add3A_915 = arith.addi %mul3A_912, %mul3A_914 : i32
    "tpu.region"() ({
      %run_scoped3A = tpu.sem_alloc : memref<!tpu.dma_semaphore, #tpu.memory_space<semaphore_mem>>
      %dma_start3A_916 = arith.constant 0 : i32
      %dma_start3A_917 = tpu.memref_slice %arg7[%add3A_915, %dma_start3A_916] : memref<20480x128xf32, #tpu.memory_space<hbm>> -> memref<640x128xf32, #tpu.memory_space<hbm>>
      %dma_start3A_918 = arith.constant 0 : i32
      %dma_start3A_919 = tpu.memref_slice %arg22[%mul3A_910, %dma_start3A_918] : memref<10240x128xf32, #tpu.memory_space<vmem_shared>> -> memref<640x128xf32, #tpu.memory_space<vmem_shared>>
      tpu.enqueue_dma source(%dma_start3A_919 : memref<640x128xf32, #tpu.memory_space<vmem_shared>>) target(%dma_start3A_917 : memref<640x128xf32, #tpu.memory_space<hbm>>) target_semaphore(%run_scoped3A : memref<!tpu.dma_semaphore, #tpu.memory_space<semaphore_mem>>)
      %dma_wait3A_920 = arith.constant 0 : i32
      %dma_wait3A_921 = tpu.memref_slice %arg7[%add3A_915, %dma_wait3A_920] : memref<20480x128xf32, #tpu.memory_space<hbm>> -> memref<640x128xf32, #tpu.memory_space<hbm>>
      %dma_wait3A_922 = arith.constant 0 : i32
      %dma_wait3A_923 = tpu.memref_slice %arg22[%mul3A_910, %dma_wait3A_922] : memref<10240x128xf32, #tpu.memory_space<vmem_shared>> -> memref<640x128xf32, #tpu.memory_space<vmem_shared>>
      tpu.wait_dma2 semaphore(%run_scoped3A : memref<!tpu.dma_semaphore, #tpu.memory_space<semaphore_mem>>) src(%dma_wait3A_923 : memref<640x128xf32, #tpu.memory_space<vmem_shared>>) dst(%dma_wait3A_921 : memref<640x128xf32, #tpu.memory_space<hbm>>)
      tpu.yield
    }) : () -> ()
    return
  }
}

module attributes {stable_mosaic.version = 14 : i64} {
  func.func @_tc_body(%arg0: i32, %arg1: memref<1000x128xf32, #tpu.memory_space<vmem>>, %arg2: memref<1000x128xf32, #tpu.memory_space<vmem>>, %arg3: memref<1000x128xf32, #tpu.memory_space<vmem>>, %arg4: memref<128x128xf32, #tpu.memory_space<vmem>>, %arg5: memref<128x128xf32, #tpu.memory_space<vmem>>, %arg6: memref<8x128xf32, #tpu.memory_space<vmem>>, %arg7: memref<1000x128xf32, #tpu.memory_space<vmem>>) attributes {dimension_semantics = [#tpu.dimension_semantics<arbitrary>], iteration_bounds = array<i64: 10>, scalar_prefetch = 0 : i64, scratch_operands = 0 : i64, tpu.core_type = #tpu.core_type<tc>, window_params = [{transform_indices = @transform_0, window_bounds = array<i64: 1000, 128>}, {transform_indices = @transform_1, window_bounds = array<i64: 1000, 128>}, {transform_indices = @transform_2, window_bounds = array<i64: 1000, 128>}, {pipeline_mode = #tpu.pipeline_mode<synchronous>, transform_indices = @transform_3, window_bounds = array<i64: 128, 128>}, {pipeline_mode = #tpu.pipeline_mode<synchronous>, transform_indices = @transform_4, window_bounds = array<i64: 128, 128>}, {pipeline_mode = #tpu.pipeline_mode<synchronous>, transform_indices = @transform_5, window_bounds = array<i64: 8, 128>}, {transform_indices = @transform_6, window_bounds = array<i64: 1000, 128>}]} {
    %get3A = arith.constant 0 : index
    %get3A_0 = arith.constant 0 : index
    %get3A_1 = vector.load %arg1[%get3A, %get3A_0] : memref<1000x128xf32, #tpu.memory_space<vmem>>, vector<1000x128xf32>
    %get3A_2 = arith.constant 0 : index
    %get3A_3 = arith.constant 0 : index
    %get3A_4 = vector.load %arg2[%get3A_2, %get3A_3] : memref<1000x128xf32, #tpu.memory_space<vmem>>, vector<1000x128xf32>
    %add3A = arith.addf %get3A_1, %get3A_4 : vector<1000x128xf32>
    %get3A_5 = arith.constant 0 : index
    %get3A_6 = arith.constant 0 : index
    %get3A_7 = vector.load %arg4[%get3A_5, %get3A_6] : memref<128x128xf32, #tpu.memory_space<vmem>>, vector<128x128xf32>
    %dot_general3A = arith.constant dense<0.000000e+00> : vector<1000x128xf32>
    %dot_general3A_8 = tpu.matmul %add3A, %get3A_7, %dot_general3A {dimension_numbers = #tpu.dot_dimension_numbers<[1], [1], [0], [0], [0, 0, 1, 0], [], []>, transpose_lhs_hint = false} : vector<1000x128xf32>, vector<128x128xf32>, vector<1000x128xf32> -> vector<1000x128xf32>
    %get3A_9 = arith.constant 0 : index
    %get3A_10 = arith.constant 0 : index
    %get3A_11 = vector.load %arg3[%get3A_9, %get3A_10] : memref<1000x128xf32, #tpu.memory_space<vmem>>, vector<1000x128xf32>
    %get3A_12 = arith.constant 0 : index
    %get3A_13 = arith.constant 0 : index
    %get3A_14 = vector.load %arg5[%get3A_12, %get3A_13] : memref<128x128xf32, #tpu.memory_space<vmem>>, vector<128x128xf32>
    %dot_general3A_15 = arith.constant dense<0.000000e+00> : vector<1000x128xf32>
    %dot_general3A_16 = tpu.matmul %get3A_11, %get3A_14, %dot_general3A_15 {dimension_numbers = #tpu.dot_dimension_numbers<[1], [1], [0], [0], [0, 0, 1, 0], [], []>, transpose_lhs_hint = false} : vector<1000x128xf32>, vector<128x128xf32>, vector<1000x128xf32> -> vector<1000x128xf32>
    %add3A_17 = arith.addf %dot_general3A_8, %dot_general3A_16 : vector<1000x128xf32>
    %get3A_18 = arith.constant 0 : index
    %get3A_19 = arith.constant 0 : index
    %get3A_20 = vector.load %arg6[%get3A_18, %get3A_19] : memref<8x128xf32, #tpu.memory_space<vmem>>, vector<1x128xf32>
    %add3A_21 = vector.broadcast %get3A_20 : vector<1x128xf32> to vector<1000x128xf32>
    %add3A_22 = arith.addf %add3A_17, %add3A_21 : vector<1000x128xf32>
    %swap3A = arith.constant 0 : index
    %swap3A_23 = arith.constant 0 : index
    %swap3A_24 = vector.load %arg7[%swap3A, %swap3A_23] : memref<1000x128xf32, #tpu.memory_space<vmem>>, vector<1000x128xf32>
    tpu.vector_store %arg7[%swap3A, %swap3A_23], %add3A_22 {strides = array<i32>} : memref<1000x128xf32, #tpu.memory_space<vmem>>, vector<1000x128xf32>,
    return
  }
  func.func @transform_0(%arg0: i32) -> (i32, i32) {
    %c0_i32 = arith.constant 0 : i32
    %c0_i32_0 = arith.constant 0 : i32
    return %arg0, %c0_i32 : i32, i32
  }
  func.func @transform_1(%arg0: i32) -> (i32, i32) {
    %c0_i32 = arith.constant 0 : i32
    %c0_i32_0 = arith.constant 0 : i32
    return %arg0, %c0_i32 : i32, i32
  }
  func.func @transform_2(%arg0: i32) -> (i32, i32) {
    %c0_i32 = arith.constant 0 : i32
    %c0_i32_0 = arith.constant 0 : i32
    return %arg0, %c0_i32 : i32, i32
  }
  func.func @transform_3(%arg0: i32) -> (i32, i32) {
    %c0_i32 = arith.constant 0 : i32
    %c0_i32_0 = arith.constant 0 : i32
    %c0_i32_1 = arith.constant 0 : i32
    return %c0_i32, %c0_i32_0 : i32, i32
  }
  func.func @transform_4(%arg0: i32) -> (i32, i32) {
    %c0_i32 = arith.constant 0 : i32
    %c0_i32_0 = arith.constant 0 : i32
    %c0_i32_1 = arith.constant 0 : i32
    return %c0_i32, %c0_i32_0 : i32, i32
  }
  func.func @transform_5(%arg0: i32) -> (i32, i32) {
    %c0_i32 = arith.constant 0 : i32
    %c0_i32_0 = arith.constant 0 : i32
    %c0_i32_1 = arith.constant 0 : i32
    return %c0_i32, %c0_i32_0 : i32, i32
  }
  func.func @transform_6(%arg0: i32) -> (i32, i32) {
    %c0_i32 = arith.constant 0 : i32
    %c0_i32_0 = arith.constant 0 : i32
    return %arg0, %c0_i32 : i32, i32
  }
}

</mosaic_0001>

<sc_bundles>
// kernel: kernel.4.cloned.1.call-start
scs
__scs_entry_jumppad:
0x0: {  	(pc) =	sbr.rel $0x88, $3  }
0x1: {  	(tag) =	ssettag $0x0;
	lr =	simm.s32 $0x1  }
0x2: {  	[smem:$0x3F99] =	sst lr;
	_ =	strace $0xD0000000  }
0x3: {  	_ = 	snop  }
0x4: {  	_ = 	snop  }
0x5: {  	_ = 	snop  }
0x6: {  	_ = 	snop  }
0x7: {  	_ = 	snop  }
__scs_overlays_trampoline_lowered:
0x8: {  	[smem:$0x3FA8] =	sst s0  }
0x9: {  	[smem:$0x3FA9] =	sst s1  }
0xa: {  	[smem:$0x3FAA] =	sst s2  }
0xb: {  	[smem:$0x3FAB] =	sst s3  }
0xc: {  	[smem:$0x3FAC] =	sst s4  }
0xd: {  	[smem:$0x3FAD] =	sst s5  }
0xe: {  	[smem:$0x3FAE] =	sst s6  }
0xf: {  	[smem:$0x3FAF] =	sst s7  }
0x10: {  	[smem:$0x3FB0] =	sst s8  }
0x11: {  	[smem:$0x3FB1] =	sst s9;
	s0 =	simm.s32 @!p0 $0x0  }
0x12: {  	s1 =	sld [smem:$0x3F97];
	s0 =	simm.s32 @p0 $0x1  }
0x13: {  	[smem:$0x3FB2] =	sst s0;
	s0 =	simm.s32 @!p1 $0x0  }
0x14: {  	s2 =	sld [smem:$0x3F96];
	s0 =	simm.s32 @p1 $0x1  }
0x15: {  	[smem:$0x3FB3] =	sst s0;
	s0 =	simm.s32 @!p2 $0x0  }
0x16: {  	s3 =	sld [smem:$0x3FDB];
	s0 =	simm.s32 @p2 $0x1  }
0x17: {  	s4 =	simm.s32 $0x1BF5;
	[smem:$0x3FB5] =	sst s0  }
0x18: {  	s0 =	sld [smem:$0x3F98];
	_ =	swait.ge [sflag:s4], $0x0  }
0x19: {  	s7 =	sld [smem:$0x3F99]  }
0x1a: {  	s8 =	sadd.s32 $0xFFFFE003, lr  }
0x1b: {  	s9 =	sadd.s32 $0xFFFFFEF7, lr;
	s5 =	simm.s32 $0xFFFFFFFF;
	p2 =	slt.u32 s8, $0xFFFFF086  }
0x1c: {  	p1 =	slt.u32 s9, $0xF7A;
	s5 =	simm.s32 @!p2 $0x0  }
0x1d: {  	s5 =	simm.s32 @p1 $0x1;
	p0 =	seq.s32 s7, s2  }
0x1e: {  	s7 =	smul.u32 @!p0 $0xF7A, s2;
	p2 =	seq.s32 @!p0 s5, $0x0  }
0x1f: {  	s9 =	smul.u32 $0xF7A, s1;
	s8 =	simm.s32 @!p0 $0x1BF5;
	p2 =	por !p2, p0  }
0x20: {  	[sflag:s8] =	ssyncset.s32 @!p0 $0xFFFFF086;
	s6 =	sadd.s32 @!p0 s3, s7;
	s7 =	simm.s32 @!p0 $0x108  }
0x21: {  	s3 =	sadd.s32 s3, s9;
	s6 =	sadd.s32 @!p0 $0x88, s6;
	s7 =	simm.s32 @p2 $0x1082  }
0x22: {  	[simem:s7], [sflag:s8] =	dma.local @!p0 [hbm:s6], $0xF7A  }
0x23: {  	s9 =	sor.u32 $0xD0000000, s2;
	s6 =	simm.s32 $0x108;
	_ =	swait.ge @!p0 [sflag:s8], $0x0  }
0x24: {  	s3 =	sadd.s32 $0x88, s3;
	s6 =	simm.s32 @!p1 $0x1082;
	[sflag:s4] =	ssyncset.s32 $0xFFFFF086  }
0x25: {  	[simem:s6], [sflag:s4] =	dma.local [hbm:s3], $0xF7A  }
0x26: {  	[smem:$0x3F99] =	sst s1;
	(tag) =	ssettag s2;
	_ =	strace s9  }
0x27: {  	s1 =	sld [smem:$0x3FA9]  }
0x28: {  	s2 =	sld [smem:$0x3FAA]  }
0x29: {  	s4 =	sld [smem:$0x3FAC]  }
0x2a: {  	p0 =	seq.s32 s5, $0x0;
	s5 =	sld [smem:$0x3FAD]  }
0x2b: {  	s6 =	sld [smem:$0x3FAE]  }
0x2c: {  	s7 =	sld [smem:$0x3FAF]  }
0x2d: {  	s3 =	simm.s32 $0x108;
	s8 =	sld [smem:$0x3FB0]  }
0x2e: {  	s3 =	simm.s32 @!p0 $0x1082;
	s9 =	sld [smem:$0x3FB1]  }
0x2f: {  	lr =	sadd.s32 s0, s3;
	s0 =	sld [smem:$0x3FA8]  }
0x30: {  	s3 =	sld [smem:$0x3FAB]  }
0x31: {  	[smem:$0x3FB4] =	sst s10  }
0x32: {  	s10 =	sld [smem:$0x3FB2];
	_ =	sdelay $0x3  }
0x33: {  	p0 =	seq.s32 s10, $0x1;
	s10 =	sld [smem:$0x3FB4];
	_ =	sdelay $0x3  }
0x34: {  	[smem:$0x3FB4] =	sst s10  }
0x35: {  	s10 =	sld [smem:$0x3FB3];
	_ =	sdelay $0x3  }
0x36: {  	p1 =	seq.s32 s10, $0x1;
	s10 =	sld [smem:$0x3FB4];
	_ =	sdelay $0x3  }
0x37: {  	[smem:$0x3FB4] =	sst s10  }
0x38: {  	s10 =	sld [smem:$0x3FB5]  }
0x39: {  	_ = 	snop;
	(pc) =	sbr.ind lr, $3  }
0x3a: {  	_ = 	snop  }
0x3b: {  	_ = 	snop  }
0x3c: {  	p2 =	seq.s32 s10, $0x1;
	s10 =	sld [smem:$0x3FB4]  }
0x3d: {  	_ =	shalt  }
0x3e: {  	_ =	shalt  }
0x3f: {  	_ =	shalt  }
0x40: {  	_ =	shalt  }
0x41: {  	_ =	shalt  }
0x42: {  	_ =	shalt  }
0x43: {  	_ =	shalt  }
0x44: {  	_ =	shalt  }
0x45: {  	_ =	shalt  }
0x46: {  	_ =	shalt  }
0x47: {  	_ =	shalt  }
0x48: {  	_ =	shalt  }
0x49: {  	_ =	shalt  }
0x4a: {  	_ =	shalt  }
0x4b: {  	_ =	shalt  }
0x4c: {  	_ =	shalt  }
0x4d: {  	_ =	shalt  }
0x4e: {  	_ =	shalt  }
0x4f: {  	_ =	shalt  }
0x50: {  	_ =	shalt  }
0x51: {  	_ =	shalt  }
0x52: {  	_ =	shalt  }
0x53: {  	_ =	shalt  }
0x54: {  	_ =	shalt  }
0x55: {  	_ =	shalt  }
0x56: {  	_ =	shalt  }
0x57: {  	_ =	shalt  }
0x58: {  	_ =	shalt  }
0x59: {  	_ =	shalt  }
0x5a: {  	_ =	shalt  }
0x5b: {  	_ =	shalt  }
0x5c: {  	_ =	shalt  }
0x5d: {  	_ =	shalt  }
0x5e: {  	_ =	shalt  }
0x5f: {  	_ =	shalt  }
0x60: {  	_ =	shalt  }
0x61: {  	_ =	shalt  }
0x62: {  	_ =	shalt  }
0x63: {  	_ =	shalt  }
0x64: {  	_ =	shalt  }
0x65: {  	_ =	shalt  }
0x66: {  	_ =	shalt  }
0x67: {  	_ =	shalt  }
0x68: {  	_ =	shalt  }
0x69: {  	_ =	shalt  }
0x6a: {  	_ =	shalt  }
0x6b: {  	_ =	shalt  }
0x6c: {  	_ =	shalt  }
0x6d: {  	_ =	shalt  }
0x6e: {  	_ =	shalt  }
0x6f: {  	_ =	shalt  }
0x70: {  	_ =	shalt  }
0x71: {  	_ =	shalt  }
0x72: {  	_ =	shalt  }
0x73: {  	_ =	shalt  }
0x74: {  	_ =	shalt  }
0x75: {  	_ =	shalt  }
0x76: {  	_ =	shalt  }
0x77: {  	_ =	shalt  }
0x78: {  	_ =	shalt  }
0x79: {  	_ =	shalt  }
0x7a: {  	_ =	shalt  }
0x7b: {  	_ =	shalt  }
0x7c: {  	_ =	shalt  }
0x7d: {  	_ =	shalt  }
0x7e: {  	_ =	shalt  }
0x7f: {  	_ =	shalt  }
0x80: {  	_ =	shalt  }
0x81: {  	_ =	shalt  }
0x82: {  	_ =	shalt  }
0x83: {  	_ =	shalt  }
0x84: {  	_ =	shalt  }
0x85: {  	_ =	shalt  }
0x86: {  	_ =	shalt  }
0x87: {  	_ =	shalt  }
.Lfunc_end0:
.L_simem_size_0:
called_computation_lowered:
.L_overlay_start_0:
0x88: {  	s2 =	sld [smem:$0x3FD9]  }
0x89: {  	s3 =	sld [smem:$0x3FFE];
	_ =	sdelay $0x1  }
0x8a: {  	s1 =	srdreg.scid  }
0x8b: {  	s0 =	sand.u32 $0x1, s1  }
0x8c: {  	s17 =	sshll.u32 s0, $0xA;
	s2 =	sadd.s32 s3, s2  }
0x8d: {  	s2 =	sadd.s32 s2, s17  }
0x8e: {  	[smem:$0x3FC0] =	sst s2  }
0x8f: {  	_ = 	snop  }
0x90: {  	s2 =	sld [smem:$0x3FC9]  }
0x91: {  	s18 =	sld [smem:$0x3FC8]  }
0x92: {  	s4 =	sld [smem:$0x3FC7]  }
0x93: {  	s5 =	sld [smem:$0x3FC6]  }
0x94: {  	s6 =	sld [smem:$0x3FD0];
	(tm) =	ssettm $0x1  }
0x95: {  	s7 =	sld [smem:$0x3FFB];
	_ =	sdelay $0x3  }
0x96: {  	_ =	strace s7  }
0x97: {  	s7 =	sld [smem:$0x3FFC];
	_ =	sdelay $0x3  }
0x98: {  	_ =	strace s7  }
0x99: {  	s7 =	sld [smem:$0x3FFD];
	_ =	sdelay $0x3  }
0x9a: {  	_ =	strace s7  }
0x9b: {  	_ =	strace $0x8FFFFFFF  }
0x9c: {  	s19 =	sld [smem:$0x3FDB];
	_ =	sdelay $0x1  }
0x9d: {  	s8 =	simm.s32 $_scs_section_size  }
0x9e: {  	s9 =	simm.s32 $_size__tile_overlayer_lowered;
	s10 =	simm.s32 $_tile_overlayer_lowered  }
0x9f: {  	s22 =	simm.s32 $0x1BFF;
	s21 =	sshll.u32 s10, $0x1;
	s7 =	sadd.s32 s8, s19  }
0xa0: {  	s11 =	simm.s32 $0x0;
	s20 =	sshll.u32 s9, $0x1;
	s9 =	sadd.s32 s21, s7  }
0xa1: {  	[timem:s11], [sflag:s22] =	dma.local [hbm:s9], s20  }
0xa2: {  	_ =	swait.ge [sflag:s22], s20  }
0xa3: {  	s8 =	ssub.s32 $0x0, s20;
	[sflag:s22] =	ssyncset.done $0x0  }
0xa4: {  	[sflag:s22] =	ssyncadd.s32 s8;
	_ =	sdelay $0x1  }
0xa5: {  	s23 =	simm.s32 $0x1B8B  }
0xa6: {  	_ =	swait.ge [sflag:s23], $0x1  }
0xa7: {  	[sflag:s23] =	ssyncset.done $0x0  }
0xa8: {  	s25 =	simm.s32 $0x1B8E;
	s24 =	sld [smem:$0x3FFE];
	[sflag:s23] =	ssyncadd.s32 $0xFFFFFFFF  }
0xa9: {  	s26 =	simm.s32 $execute0_lowered;
	[smem:$0x3FD2] =	sst s25  }
0xaa: {  	s9 =	sshll.u32 s26, $0x1;
	_ =	strace $0x80000046;
	[dreg:$0x1] =	wrdreg $0xFFFFFFFF  }
0xab: {  	s28 =	simm.s32 $_size_execute0_lowered;
	s7 =	sadd.s32 s7, s9;
	[dreg:$0x0] =	wrdreg $0x0  }
0xac: {  	s9 =	sshll.u32 s28, $0x1;
	[dreg:$0x2] =	wrdreg s7  }
0xad: {  	[dreg:$0x3] =	wrdreg s9  }
0xae: {  	[dreg:$0x4] =	wrdreg $0xC0  }
0xaf: {  	_ =	task [dreg:s11], $0x5FFFF  }
0xb0: {  	[dreg:$0x1] =	wrdreg $0xFFFFFFFF  }
0xb1: {  	[dreg:$0x0] =	wrdreg $0x60  }
0xb2: {  	[dreg:$0x2] =	wrdreg s18  }
0xb3: {  	[dreg:$0x3] =	wrdreg s4  }
0xb4: {  	[dreg:$0x4] =	wrdreg s5  }
0xb5: {  	[dreg:$0x5] =	wrdreg s6  }
0xb6: {  	[dreg:$0x6] =	wrdreg s2  }
0xb7: {  	[dreg:$0x7] =	wrdreg s24  }
0xb8: {  	[dreg:$0x8] =	wrdreg $0x8A000  }
0xb9: {  	[dreg:$0x9] =	wrdreg $0x9  }
0xba: {  	_ =	task.clear_ibuf [dreg:s11], $0xAFFFF;
	_ =	strace $0x90000046  }
0xbb: {  	s29 =	simm.s32 $0x9;
	_ =	strace $0x80000048  }
0xbc: {  	_ =	swait.ge [sflag:s29], $0x1  }
0xbd: {  	[sflag:s29] =	ssyncadd.s32 $0xFFFFFFFF  }
0xbe: {  	_ =	strace $0x90000048  }
0xbf: {  	_ =	sfence  }
0xc0: {  	s30 =	sld [smem:$0x0];
	_ =	sdelay $0x2  }
0xc1: {  	s31 =	sshll.u32 s1, $0xD;
	s1 =	sshrl.u32 s1, $0x2  }
0xc2: {  	s3 =	sand.u32 $0x4000, s31;
	s1 =	sadd.s32 s1, s30  }
0xc3: {  	s0 =	sor.u32 s3, s0;
	s1 =	sshll.u32 s1, $0x11  }
0xc4: {  	s0 =	sor.u32 s1, s0  }
0xc5: {  	s0 =	sadd.s32 $0x8F2B, s0  }
0xc6: {  	[sflag:s0] =	ssyncadd.remote.s32 $0x1  }
0xc7: {  	_ =	sfence.sel $0xFFFF  }
0xc8: {  	[dreg:$0x0] =	wrdreg $0xFFFFFFFF;
	(pc) =	sbr.abs _section_cstart, $3  }
0xc9: {  	[dreg:$0x1] =	wrdreg $0xFFFFFFFF  }
0xca: {  	_ =	task.clear_ibuf [dreg:s11], $0x2FFFF;
	_ =	strace $0x9FFFFFFF  }
0xcb: {  	(tm) =	ssettm $0x7FFFFFFF  }
tec
execute0_lowered:
.L_overlay_start_1:
0x0: {  	(tag) =	ssettag $0x1  }
0x1: {  	s0 =	rddreg [dreg:$0x0]  }
0x2: {  	s3 =	rddreg [dreg:$0x1]  }
0x3: {  	s5 =	rddreg [dreg:$0x2]  }
0x4: {  	s6 =	rddreg [dreg:$0x4]  }
0x5: {  	s2 =	rddreg [dreg:$0x5]  }
0x6: {  	s28 =	rddreg [dreg:$0x6];
	s4 =	srdreg.scid  }
0x7: {  	s8 =	simm.s32 $0x0;
	s14 =	stileid.u32;
	s31 =	simm.s32 $0x100  }
0x8: {  	s29 =	simm.s32 $0x80;
	s15 =	simm.s32 $0x4;
	s4 =	sand.u32 $0x1, s4  }
0x9: {  	[smem:$0x7FF] =	sst s8;
	s9 =	smul.u32 $0x2800, s14;
	s16 =	sshll.u32 s14, $0x1  }
0xa: {  	s10 =	smul.u32 $0x50000, s14;
	s12 =	sadd.s32 $0x10, s0;
	p0 =	slt.u32 s14, $0x2  }
0xb: {  	s14 =	simm.s32 $0x2;
	s7 =	smul.u32 $0x28000, s4;
	s17 =	ssub.s32 $0x2, s4  }
0xc: {  	_ =	strace $0x80000047;
	s18 =	sshrl.u32 s17, $0x1;
	s10 =	sshrl.u32 s10, $0x2  }
0xd: {  	s7 =	sadd.s32 s9, s7;
	s9 =	sor.u32 s4, s16;
	s4 =	ssub.s32 s17, s18  }
0xe: {  	s30 =	sadd.s32 s10, s28;
	s16 =	simm.s32 $0x6;
	s17 =	simm.s32 $0x8  }
0xf: {  	s18 =	simm.s32 $0x4500;
	s2 =	sadd.s32 s7, s2;
	s11 =	sshll.u32 s9, $0x5  }
0x10: {  	s20 =	sshll.u32 s9, $0x4;
	s26 =	smax.u32 s4, $0x1;
	[dreg:$0x12] =	wrdreg s30  }
0x11: {  	s13 =	sor.u32 $0x20, s9;
	s19 =	sadd.s32 s0, s11;
	[dreg:$0x11] =	wrdreg s26  }
0x12: {  	s4 =	simm.s32 $0x1;
	s11 =	sadd.s32 s11, s12;
	[dreg:$0x8] =	wrdreg s19  }
0x13: {  	s21 =	sadd.s32 s3, s20;
	s22 =	sshll.u32 s13, $0x5;
	[dreg:$0x9] =	wrdreg s11  }
0x14: {  	s7 =	sadd.s32 s5, s20;
	s25 =	sshll.u32 s13, $0x4;
	[dreg:$0xa] =	wrdreg s21  }
0x15: {  	s2 =	sadd.s32 $0xE00, s2;
	s20 =	simm.s32 $0x0;
	[dreg:$0xb] =	wrdreg s7  }
0x16: {  	s23 =	sadd.s32 s0, s22;
	s24 =	sadd.s32 s22, s12;
	[dreg:$0x10] =	wrdreg s2  }
0x17: {  	s11 =	simm.f32 $1.000000000e+00;
	s13 =	sadd.s32 s3, s25;
	[dreg:$0xc] =	wrdreg s23  }
0x18: {  	s7 =	sadd.s32 s5, s25;
	s2 =	simm.s32 $0x8600;
	[dreg:$0xd] =	wrdreg s24  }
0x19: {  	v9 =	vlaneseq.u32;
	v1 =	vimm.f32 $0.0e+00;
	s22 =	simm.s32 $0x200;
	s0 =	simm.s32 $0x300;
	[dreg:$0xe] =	wrdreg s13  }
0x1a: {  	v2 =	vor.u32 $0x2710, v9;
	v3 =	vor.u32 $0x2720, v9;
	v4 =	vor.u32 $0x2730, v9;
	s19 =	simm.s32 $0x9;
	s21 =	simm.s32 $0xA;
	[dreg:$0xf] =	wrdreg s7  }
0x1b: {  	v5 =	vor.u32 $0x2740, v9;
	v6 =	vor.u32 $0x2750, v9;
	v7 =	vor.u32 $0x2760, v9;
	s11 =	simm.s32 @!p0 $0x0;
	s23 =	simm.s32 $0xB;
	s24 =	simm.s32 $0x3  }
0x1c: {  	v8 =	vor.u32 $0x2770, v9;
	v9 =	vor.u32 $0x2780, v9;
	s7 =	simm.s32 $0x5;
	s13 =	simm.s32 $0x500;
	v0 =	vmov s11;
	s11 =	simm.s32 $0x7  }
.LBB2_1:
0x1d: {  	[tilespmem:$0x8600] =	vst v1  }
0x1e: {  	[tilespmem:$0x8610] =	vst v1  }
0x1f: {  	[tilespmem:$0x8620] =	vst v1  }
0x20: {  	[tilespmem:$0x8630] =	vst v1  }
0x21: {  	[tilespmem:$0x8640] =	vst v1  }
0x22: {  	[tilespmem:$0x8650] =	vst v1  }
0x23: {  	[tilespmem:$0x8660] =	vst v1  }
0x24: {  	[tilespmem:$0x8670] =	vst v1  }
0x25: {  	[tilespmem:$0x8680] =	vst v1  }
0x26: {  	[tilespmem:$0x8690] =	vst v1  }
0x27: {  	[tilespmem:$0x86A0] =	vst v1  }
0x28: {  	[tilespmem:$0x86B0] =	vst v1  }
0x29: {  	[tilespmem:$0x86C0] =	vst v1  }
0x2a: {  	[tilespmem:$0x86D0] =	vst v1  }
0x2b: {  	[tilespmem:$0x86E0] =	vst v1  }
0x2c: {  	[tilespmem:$0x86F0] =	vst v1  }
0x2d: {  	[tilespmem:$0x8700] =	vst v1  }
0x2e: {  	[tilespmem:$0x8710] =	vst v1  }
0x2f: {  	[tilespmem:$0x8720] =	vst v1  }
0x30: {  	[tilespmem:$0x8730] =	vst v1  }
0x31: {  	[tilespmem:$0x8740] =	vst v1  }
0x32: {  	[tilespmem:$0x8750] =	vst v1  }
0x33: {  	[tilespmem:$0x8760] =	vst v1  }
0x34: {  	[tilespmem:$0x8770] =	vst v1  }
0x35: {  	[tilespmem:$0x8780] =	vst v1  }
0x36: {  	[tilespmem:$0x8790] =	vst v1  }
0x37: {  	[tilespmem:$0x87A0] =	vst v1  }
0x38: {  	[tilespmem:$0x87B0] =	vst v1  }
0x39: {  	[tilespmem:$0x87C0] =	vst v1  }
0x3a: {  	[tilespmem:$0x87D0] =	vst v1  }
0x3b: {  	[tilespmem:$0x87E0] =	vst v1  }
0x3c: {  	[tilespmem:$0x87F0] =	vst v1  }
0x3d: {  	[tilespmem:$0x8800] =	vst v1  }
0x3e: {  	[tilespmem:$0x8810] =	vst v1  }
0x3f: {  	[tilespmem:$0x8820] =	vst v1  }
0x40: {  	[tilespmem:$0x8830] =	vst v1  }
0x41: {  	[tilespmem:$0x8840] =	vst v1  }
0x42: {  	[tilespmem:$0x8850] =	vst v1  }
0x43: {  	[tilespmem:$0x8860] =	vst v1  }
0x44: {  	[tilespmem:$0x8870] =	vst v1  }
0x45: {  	[tilespmem:$0x8880] =	vst v1  }
0x46: {  	[tilespmem:$0x8890] =	vst v1  }
0x47: {  	[tilespmem:$0x88A0] =	vst v1  }
0x48: {  	[tilespmem:$0x88B0] =	vst v1  }
0x49: {  	[tilespmem:$0x88C0] =	vst v1  }
0x4a: {  	[tilespmem:$0x88D0] =	vst v1  }
0x4b: {  	[tilespmem:$0x88E0] =	vst v1  }
0x4c: {  	[tilespmem:$0x88F0] =	vst v1  }
0x4d: {  	[tilespmem:$0x8900] =	vst v1  }
0x4e: {  	[tilespmem:$0x8910] =	vst v1  }
0x4f: {  	[tilespmem:$0x8920] =	vst v1  }
0x50: {  	[tilespmem:$0x8930] =	vst v1  }
0x51: {  	[tilespmem:$0x8940] =	vst v1  }
0x52: {  	[tilespmem:$0x8950] =	vst v1  }
0x53: {  	[tilespmem:$0x8960] =	vst v1  }
0x54: {  	[tilespmem:$0x8970] =	vst v1  }
0x55: {  	[tilespmem:$0x8980] =	vst v1  }
0x56: {  	[tilespmem:$0x8990] =	vst v1  }
0x57: {  	[tilespmem:$0x89A0] =	vst v1  }
0x58: {  	[tilespmem:$0x89B0] =	vst v1  }
0x59: {  	[tilespmem:$0x89C0] =	vst v1  }
0x5a: {  	[tilespmem:$0x89D0] =	vst v1  }
0x5b: {  	[tilespmem:$0x89E0] =	vst v1  }
0x5c: {  	[dreg:$0x13] =	wrdreg s20;
	[tilespmem:$0x89F0] =	vst v1;
	s25 =	sadd.s32 $0x0, s30  }
0x5d: {  	[spmem:s25] =	stream.linear.scatter [tilespmem:s2], [sflag:$0xB], $0x400, $0x38;
	[tilespmem:$0x1CA00] =	vst v63  }
0x5e: {  	s25 =	simm.s32 $0x1000;
	_ =	swait.ge [sflag:s23], $0x400  }
.LBB2_2:
0x5f: {  	s26 =	sshra.s32 s25, $0x2;
	[sflag:s23] =	ssyncset.done $0x0;
	p0 =	sne.s32 s25, $0x4F000  }
.Ltmp0:
0x60: {  	s26 =	sadd.s32 s26, s30;
	[sflag:s23] =	ssyncadd.s32 $0xFFFFFC00;
	(pc) =	sbr.rel @p0 .LBB2_2-.Ltmp0, $3  }
0x61: {  	[spmem:s26] =	stream.linear.scatter [tilespmem:s2], [sflag:$0xB], $0x400, $0x38;
	[tilespmem:$0x1CA00] =	vst v63  }
0x62: {  	s25 =	sadd.s32 $0x1000, s25;
	_ =	sdelay $0x1  }
0x63: {  	_ =	swait.ge [sflag:s23], $0x400  }
0x64: {  	[sflag:s23] =	ssyncset.done $0x0  }
0x65: {  	[sflag:s23] =	ssyncadd.s32 $0xFFFFFC00  }
0x66: {  	[bflag:$0x0] =	sbarrier.arrive $0xFFFF  }
0x67: {  	s20 =	simm.s32 $0x400;
	s2 =	rddreg [dreg:$0x3]  }
0x68: {  	[tilespmem:s20], [sflag:$0xB] =	stream.linear.gather [hbm4b:s2+s8], $0x100, $0x38;
	[tilespmem:$0x1CA00] =	vst v63  }
0x69: {  	_ =	swait.ge [sflag:s23], $0x100  }
0x6a: {  	[sflag:s23] =	ssyncset.done $0x0  }
0x6b: {  	[sflag:s23] =	ssyncadd.s32 $0xFFFFFF00  }
0x6c: {  	s26 =	rddreg [dreg:$0x8];
	v10 =	vld [tilespmem:$0x400]  }
0x6d: {  	v11 =	vld [tilespmem:$0x480];
	[tilespmem:s8], [sflag:$0x1] =	stream.linear.gather [hbm4b:s26+s8], $0x80, $0x38  }
0x6e: {  	s1 =	rddreg [dreg:$0x9]  }
0x6f: {  	[tilespmem:s31], [sflag:$0x3] =	stream.linear.gather [hbm4b:s1+s8], $0x80, $0x38;
	[tilespmem:$0x1CA00] =	vst v63  }
0x70: {  	s10 =	rddreg [dreg:$0xa]  }
0x71: {  	[tilespmem:s22], [sflag:$0x5] =	stream.linear.gather [hbm4b:s10+s8], $0x80, $0x38;
	[tilespmem:$0x1CA00] =	vst v63  }
0x72: {  	s20 =	rddreg [dreg:$0xb]  }
0x73: {  	[tilespmem:s0], [sflag:$0x7] =	stream.linear.gather [hbm4b:s20+s8], $0x80, $0x38;
	[tilespmem:$0x1CA00] =	vst v63  }
0x74: {  	s22 =	rddreg [dreg:$0xc]  }
0x75: {  	[tilespmem:s29], [sflag:$0x2] =	stream.linear.gather [hbm4b:s22+s8], $0x80, $0x38;
	[tilespmem:$0x1CA00] =	vst v63  }
0x76: {  	s25 =	rddreg [dreg:$0xd];
	s26 =	simm.s32 $0x180  }
0x77: {  	[tilespmem:s26], [sflag:$0x4] =	stream.linear.gather [hbm4b:s25+s8], $0x80, $0x38;
	[tilespmem:$0x1CA00] =	vst v63  }
0x78: {  	s1 =	simm.s32 $0x280;
	s0 =	rddreg [dreg:$0xe]  }
0x79: {  	[tilespmem:s1], [sflag:$0x6] =	stream.linear.gather [hbm4b:s0+s8], $0x80, $0x38;
	[tilespmem:$0x1CA00] =	vst v63  }
0x7a: {  	s10 =	rddreg [dreg:$0xf];
	s20 =	simm.s32 $0x380  }
0x7b: {  	[tilespmem:s20], [sflag:$0x8] =	stream.linear.gather [hbm4b:s10+s8], $0x80, $0x38;
	[tilespmem:$0x1CA00] =	vst v63  }
0x7c: {  	_ =	swait.ge [sflag:s4], $0x80  }
0x7d: {  	[sflag:s4] =	ssyncset.done $0x0  }
0x7e: {  	[sflag:s4] =	ssyncadd.s32 $0xFFFFFF80  }
0x7f: {  	_ =	swait.ge [sflag:s24], $0x80  }
0x80: {  	[sflag:s24] =	ssyncset.done $0x0  }
0x81: {  	[sflag:s24] =	ssyncadd.s32 $0xFFFFFF80  }
0x82: {  	_ =	swait.ge [sflag:s7], $0x80  }
0x83: {  	[sflag:s7] =	ssyncset.done $0x0  }
0x84: {  	[sflag:s7] =	ssyncadd.s32 $0xFFFFFF80  }
0x85: {  	_ =	swait.ge [sflag:s11], $0x80  }
0x86: {  	[sflag:s11] =	ssyncset.done $0x0  }
0x87: {  	[sflag:s11] =	ssyncadd.s32 $0xFFFFFF80  }
0x88: {  	[tilespmem:s13], [sflag:$0x9] =	stream.indirect.gather [hbm4b:s6+s29], $0x80, s8, s29, $0xb8;
	[tilespmem:$0x1CA00] =	vst v63  }
0x89: {  	_ =	swait.ge [sflag:s14], $0x80  }
0x8a: {  	[sflag:s14] =	ssyncset.done $0x0  }
0x8b: {  	[sflag:s14] =	ssyncadd.s32 $0xFFFFFF80  }
0x8c: {  	_ =	swait.ge [sflag:s15], $0x80  }
0x8d: {  	[sflag:s15] =	ssyncset.done $0x0  }
0x8e: {  	[sflag:s15] =	ssyncadd.s32 $0xFFFFFF80  }
0x8f: {  	_ =	swait.ge [sflag:s16], $0x80  }
0x90: {  	[sflag:s16] =	ssyncset.done $0x0  }
0x91: {  	[sflag:s16] =	ssyncadd.s32 $0xFFFFFF80  }
0x92: {  	_ =	swait.ge [sflag:s17], $0x80  }
0x93: {  	[sflag:s17] =	ssyncset.done $0x0  }
0x94: {  	[sflag:s17] =	ssyncadd.s32 $0xFFFFFF80  }
0x95: {  	[tilespmem:s18], [sflag:$0xA] =	stream.indirect.gather [hbm4b:s6+s29], $0x80, s29, s29, $0xb8;
	[tilespmem:$0x1CA00] =	vst v63  }
0x96: {  	v12 =	vld [tilespmem:$0x370]  }
0x97: {  	v13 =	vld [tilespmem:$0x340]  }
0x98: {  	v14 =	vld [tilespmem:$0x350]  }
0x99: {  	v15 =	vld [tilespmem:$0x240]  }
0x9a: {  	v16 =	vld [tilespmem:$0x320]  }
0x9b: {  	v17 =	vld [tilespmem:$0x220]  }
0x9c: {  	v18 =	vld [tilespmem:$0x210]  }
0x9d: {  	v19 =	vld [tilespmem:$0x270]  }
0x9e: {  	v20 =	vld [tilespmem:$0x310]  }
0x9f: {  	v21 =	vld [tilespmem:$0x300]  }
0xa0: {  	v22 =	vld [tilespmem:$0x250]  }
0xa1: {  	v23 =	vld [tilespmem:$0x360];
	v12 =	vmul.f32 v12, v11;
	v16 =	vmul.f32 v16, v11  }
0xa2: {  	v25 =	vld [tilespmem:$0x200];
	v17 =	vmul.f32 v17, v10;
	v18 =	vmul.f32 v18, v10  }
0xa3: {  	v56 =	vld [tilespmem:$0x330];
	v19 =	vmul.f32 v19, v10;
	v49 =	vmul.f32 v20, v11  }
0xa4: {  	v24 =	vld [tilespmem:$0x260];
	v14 =	vmul.f32 v14, v11;
	v50 =	vmul.f32 v21, v11  }
0xa5: {  	v15 =	vmul.f32 v15, v10;
	v13 =	vmul.f32 v13, v11  }
0xa6: {  	v53 =	vmul.f32 v22, v10;
	v55 =	vmul.f32 v23, v11  }
0xa7: {  	v51 =	vld [tilespmem:$0x230];
	v57 =	vmul.f32 v25, v10;
	v16 =	vadd.f32 v16, v17;
	v12 =	vadd.f32 v12, v19  }
0xa8: {  	v62 =	vmul.f32 v56, v11;
	v17 =	vadd.f32 v49, v18;
	v13 =	vadd.f32 v13, v15  }
0xa9: {  	v52 =	vld [tilespmem:$0x150];
	v15 =	vmul.f32 v24, v10;
	v14 =	vadd.f32 v14, v53;
	v20 =	vadd.f32 v50, v57  }
0xaa: {  	v58 =	vld [tilespmem:$0x140];
	vm0 =	vlt.f32 v16, $0.0e+00;
	vm1 =	vgt.f32 v16, $0.0e+00;
	vm14 =	vlt.f32 v17, $0.0e+00  }
0xab: {  	vm2 =	vgt.f32 v17, $0.0e+00;
	vm3 =	vlt.f32 v13, $0.0e+00;
	vm4 =	vgt.f32 v13, $0.0e+00  }
0xac: {  	v54 =	vld [tilespmem:$0x120];
	v13 =	vmul.f32 v51, v10;
	vm5 =	vlt.f32 v14, $0.0e+00;
	vm6 =	vgt.f32 v14, $0.0e+00  }
0xad: {  	v61 =	vld [tilespmem:$0x160];
	v14 =	vadd.f32 v55, v15;
	vm8 =	vgt.f32 v12, $0.0e+00;
	vm10 =	vlt.f32 v12, $0.0e+00  }
0xae: {  	v15 =	vld [tilespmem:$0x170];
	vm0 =	vmor vm1, vm0;
	vm3 =	vmor vm4, vm3;
	vm15 =	vmor vm6, vm5  }
0xaf: {  	v59 =	vld [tilespmem:$0x110];
	vm1 =	vmor vm2, vm14;
	v60 =	vsel vm15, v52, v7;
	v18 =	vsel vm3, v58, v6  }
0xb0: {  	v12 =	vld [tilespmem:$0x100];
	vm9 =	vgt.f32 v14, $0.0e+00;
	vm11 =	vlt.f32 v14, $0.0e+00;
	v13 =	vadd.f32 v62, v13;
	[tilespmem:$0x8550] =	vst v60  }
0xb1: {  	v63 =	vld [tilespmem:$0x130];
	vm2 =	vmor vm8, vm10;
	v21 =	vsel vm0, v54, v4;
	[tilespmem:$0x8540] =	vst v18;
	vm0 =	vmor vm9, vm11  }
0xb2: {  	[tilespmem:$0x8520] =	vst v21;
	vm13 =	vlt.f32 v13, $0.0e+00;
	vm14 =	vgt.f32 v13, $0.0e+00;
	v13 =	vsel vm0, v61, v8  }
0xb3: {  	vm12 =	vgt.f32 v20, $0.0e+00;
	vm15 =	vlt.f32 v20, $0.0e+00;
	v14 =	vsel vm2, v15, v9;
	[tilespmem:$0x8560] =	vst v13  }
0xb4: {  	vm0 =	vmor vm12, vm15;
	v15 =	vsel vm1, v59, v3;
	[tilespmem:$0x8570] =	vst v14  }
0xb5: {  	vm1 =	vmor vm14, vm13;
	v12 =	vsel vm0, v12, v2;
	[tilespmem:$0x8510] =	vst v15  }
0xb6: {  	v14 =	vsel vm1, v63, v5;
	[tilespmem:$0x8500] =	vst v12  }
0xb7: {  	[tilespmem:$0x8530] =	vst v14  }
0xb8: {  	_ =	swait.ge [sflag:s19], $0x4000  }
0xb9: {  	[sflag:s19] =	ssyncset.done $0x0  }
0xba: {  	s22 =	simm.s32 $0x8500;
	s25 =	sadd.s32 $0xFFFFF640, s9;
	[sflag:s19] =	ssyncadd.s32 $0xFFFFC000  }
0xbb: {  	[spmem:s28] =	stream.indirect.scatter.add.f32 [tilespmem:s13], [sflag:$0xB], $0x80, s22, s29, $0xb8;
	[tilespmem:$0x1CA00] =	vst v63  }
0xbc: {  	s26 =	sadd.s32 $0xA00, s25;
	_ =	swait.ge [sflag:s23], $0x4000  }
0xbd: {  	p0 =	slt.s32 s26, $0x9C3;
	[sflag:s23] =	ssyncset.done $0x0  }
0xbe: {  	s26 =	simm.s32 @!p0 $0x9C3;
	s10 =	smov.u32 s9;
	[sflag:s23] =	ssyncadd.s32 $0xFFFFC000  }
0xbf: {  	s9 =	smov.u32 s28;
	s28 =	sshll.u32 s26, $0x5;
	s20 =	rddreg [dreg:$0x0]  }
0xc0: {  	s30 =	sadd.s32 s20, s28  }
0xc1: {  	[tilespmem:s8], [sflag:$0x1] =	stream.linear.gather [hbm4b:s30+s8], $0x80, $0x38;
	[tilespmem:$0x1CA00] =	vst v63  }
0xc2: {  	s26 =	sshll.u32 s26, $0x4;
	s28 =	sadd.s32 s28, s12  }
0xc3: {  	[tilespmem:s31], [sflag:$0x3] =	stream.linear.gather [hbm4b:s28+s8], $0x80, $0x38;
	[tilespmem:$0x1CA00] =	vst v63  }
0xc4: {  	s22 =	simm.s32 $0x200;
	s28 =	sadd.s32 s3, s26  }
0xc5: {  	[tilespmem:s22], [sflag:$0x5] =	stream.linear.gather [hbm4b:s28+s8], $0x80, $0x38;
	[tilespmem:$0x1CA00] =	vst v63  }
0xc6: {  	s0 =	simm.s32 $0x300;
	s26 =	sadd.s32 s5, s26  }
0xc7: {  	[tilespmem:s0], [sflag:$0x7] =	stream.linear.gather [hbm4b:s26+s8], $0x80, $0x38;
	[tilespmem:$0x1CA00] =	vst v63  }
0xc8: {  	_ =	swait.ge [sflag:s4], $0x80  }
0xc9: {  	[sflag:s4] =	ssyncset.done $0x0  }
0xca: {  	[sflag:s4] =	ssyncadd.s32 $0xFFFFFF80  }
0xcb: {  	_ =	swait.ge [sflag:s24], $0x80  }
0xcc: {  	[sflag:s24] =	ssyncset.done $0x0  }
0xcd: {  	[sflag:s24] =	ssyncadd.s32 $0xFFFFFF80  }
0xce: {  	_ =	swait.ge [sflag:s7], $0x80  }
0xcf: {  	[sflag:s7] =	ssyncset.done $0x0  }
0xd0: {  	[sflag:s7] =	ssyncadd.s32 $0xFFFFFF80  }
0xd1: {  	_ =	swait.ge [sflag:s11], $0x80  }
0xd2: {  	[sflag:s11] =	ssyncset.done $0x0  }
0xd3: {  	s26 =	sadd.s32 $0xA20, s25;
	[sflag:s11] =	ssyncadd.s32 $0xFFFFFF80  }
0xd4: {  	[tilespmem:s13], [sflag:$0x9] =	stream.indirect.gather [hbm4b:s6+s29], $0x80, s8, s29, $0xb8;
	[tilespmem:$0x1CA00] =	vst v63  }
0xd5: {  	p0 =	slt.s32 s26, $0x9C3;
	v14 =	vld [tilespmem:$0x2D0]  }
0xd6: {  	s1 =	simm.s32 $0x8580;
	s26 =	simm.s32 @!p0 $0x9C3;
	v13 =	vld [tilespmem:$0x3D0]  }
0xd7: {  	s25 =	simm.s32 $0xFFFFF680;
	s30 =	sshll.u32 s26, $0x5;
	s28 =	sshll.u32 s26, $0x4;
	v12 =	vld [tilespmem:$0x1C0]  }
.LBB2_4:
0xd8: {  	v15 =	vld [tilespmem:$0x3C0]  }
0xd9: {  	v16 =	vld [tilespmem:$0x2A0]  }
0xda: {  	v17 =	vld [tilespmem:$0x2C0]  }
0xdb: {  	v18 =	vld [tilespmem:$0x2B0]  }
0xdc: {  	v19 =	vld [tilespmem:$0x290]  }
0xdd: {  	v20 =	vld [tilespmem:$0x380]  }
0xde: {  	v21 =	vld [tilespmem:$0x390]  }
0xdf: {  	v22 =	vld [tilespmem:$0x3A0]  }
0xe0: {  	v23 =	vld [tilespmem:$0x280];
	v14 =	vmul.f32 v14, v10  }
0xe1: {  	v24 =	vld [tilespmem:$0x3B0];
	v13 =	vmul.f32 v13, v11;
	v15 =	vmul.f32 v15, v11  }
0xe2: {  	v25 =	vld [tilespmem:$0x2F0];
	v16 =	vmul.f32 v16, v10;
	v17 =	vmul.f32 v17, v10  }
0xe3: {  	v30 =	vld [tilespmem:$0x3E0];
	v18 =	vmul.f32 v18, v10;
	v29 =	vmul.f32 v19, v10  }
0xe4: {  	v20 =	vmul.f32 v20, v11;
	v21 =	vmul.f32 v21, v11  }
0xe5: {  	v22 =	vmul.f32 v22, v11;
	v23 =	vmul.f32 v23, v10  }
0xe6: {  	v32 =	vmul.f32 v24, v11;
	v13 =	vadd.f32 v13, v14;
	v15 =	vadd.f32 v15, v17  }
0xe7: {  	v31 =	vld [tilespmem:$0x1A0];
	v35 =	vmul.f32 v25, v10;
	v17 =	vadd.f32 v21, v29;
	v16 =	vadd.f32 v22, v16  }
0xe8: {  	v19 =	vmul.f32 v30, v11;
	v14 =	vld [tilespmem:$0x3F0];
	v20 =	vadd.f32 v20, v23;
	v33 =	vadd.f32 v32, v18  }
0xe9: {  	v34 =	vld [tilespmem:$0x1D0];
	vm4 =	vlt.f32 v13, $0.0e+00;
	vm6 =	vgt.f32 v13, $0.0e+00;
	vm0 =	vlt.f32 v15, $0.0e+00  }
0xea: {  	vm1 =	vgt.f32 v15, $0.0e+00;
	v15 =	vld [tilespmem:$0x2E0];
	vm8 =	vlt.f32 v17, $0.0e+00;
	vm3 =	vgt.f32 v20, $0.0e+00  }
0xeb: {  	v38 =	vld [tilespmem:$0x1B0];
	vm9 =	vlt.f32 v20, $0.0e+00;
	vm5 =	vlt.f32 v16, $0.0e+00;
	vm10 =	vgt.f32 v16, $0.0e+00  }
0xec: {  	vm11 =	vlt.f32 v33, $0.0e+00;
	vm4 =	vmor vm6, vm4;
	vm12 =	vgt.f32 v33, $0.0e+00  }
0xed: {  	v26 =	vld [tilespmem:$0x180];
	vm0 =	vmor vm1, vm0;
	vm1 =	vmor vm3, vm9;
	v14 =	vmul.f32 v14, v11  }
0xee: {  	v13 =	vld [tilespmem:$0x1F0];
	vm3 =	vmor vm10, vm5;
	v40 =	vsel vm4, v34, v7;
	vm4 =	vmor vm12, vm11  }
0xef: {  	v36 =	vld [tilespmem:$0x190];
	v39 =	vsel vm3, v31, v4;
	[tilespmem:$0x85D0] =	vst v40;
	v14 =	vadd.f32 v14, v35;
	v15 =	vmul.f32 v15, v10  }
0xf0: {  	v37 =	vld [tilespmem:$0x1E0];
	vm2 =	vgt.f32 v17, $0.0e+00;
	v12 =	vsel vm0, v12, v6;
	v16 =	vsel vm4, v38, v5;
	[tilespmem:$0x85A0] =	vst v39  }
0xf1: {  	[tilespmem:$0x85C0] =	vst v12;
	vm5 =	vlt.f32 v14, $0.0e+00;
	vm6 =	vgt.f32 v14, $0.0e+00;
	v15 =	vadd.f32 v19, v15  }
0xf2: {  	vm2 =	vmor vm2, vm8;
	v41 =	vsel vm1, v26, v2;
	[tilespmem:$0x85B0] =	vst v16;
	vm0 =	vmor vm6, vm5  }
0xf3: {  	[tilespmem:$0x8580] =	vst v41;
	v12 =	vsel vm0, v13, v9;
	vm13 =	vlt.f32 v15, $0.0e+00;
	vm14 =	vgt.f32 v15, $0.0e+00  }
0xf4: {  	v15 =	vsel vm2, v36, v3;
	[tilespmem:$0x85F0] =	vst v12;
	vm15 =	vmor vm14, vm13  }
0xf5: {  	[tilespmem:$0x8590] =	vst v15;
	v15 =	vsel vm15, v37, v8  }
0xf6: {  	[tilespmem:$0x85E0] =	vst v15  }
0xf7: {  	_ =	swait.ge [sflag:s21], $0x4000  }
0xf8: {  	[sflag:s21] =	ssyncset.done $0x0  }
0xf9: {  	[sflag:s21] =	ssyncadd.s32 $0xFFFFC000  }
0xfa: {  	[spmem:s9] =	stream.indirect.scatter.add.f32 [tilespmem:s18], [sflag:$0xB], $0x80, s1, s29, $0xb8;
	[tilespmem:$0x1CA00] =	vst v63  }
0xfb: {  	_ =	swait.ge [sflag:s23], $0x4000  }
0xfc: {  	[sflag:s23] =	ssyncset.done $0x0  }
0xfd: {  	s31 =	sadd.s32 s20, s30;
	[sflag:s23] =	ssyncadd.s32 $0xFFFFC000  }
0xfe: {  	[tilespmem:s29], [sflag:$0x2] =	stream.linear.gather [hbm4b:s31+s8], $0x80, $0x38;
	[tilespmem:$0x1CA00] =	vst v63  }
0xff: {  	s30 =	sadd.s32 s30, s12;
	s2 =	simm.s32 $0x180  }
0x100: {  	[tilespmem:s2], [sflag:$0x4] =	stream.linear.gather [hbm4b:s30+s8], $0x80, $0x38;
	[tilespmem:$0x1CA00] =	vst v63  }
0x101: {  	s20 =	simm.s32 $0x280;
	s31 =	sadd.s32 s3, s28  }
0x102: {  	[tilespmem:s20], [sflag:$0x6] =	stream.linear.gather [hbm4b:s31+s8], $0x80, $0x38;
	[tilespmem:$0x1CA00] =	vst v63  }
0x103: {  	s28 =	sadd.s32 s5, s28;
	s20 =	simm.s32 $0x380  }
0x104: {  	[tilespmem:s20], [sflag:$0x8] =	stream.linear.gather [hbm4b:s28+s8], $0x80, $0x38;
	[tilespmem:$0x1CA00] =	vst v63  }
0x105: {  	_ =	swait.ge [sflag:s14], $0x80  }
0x106: {  	[sflag:s14] =	ssyncset.done $0x0  }
0x107: {  	[sflag:s14] =	ssyncadd.s32 $0xFFFFFF80  }
0x108: {  	_ =	swait.ge [sflag:s15], $0x80  }
0x109: {  	[sflag:s15] =	ssyncset.done $0x0  }
0x10a: {  	[sflag:s15] =	ssyncadd.s32 $0xFFFFFF80  }
0x10b: {  	_ =	swait.ge [sflag:s16], $0x80  }
0x10c: {  	[sflag:s16] =	ssyncset.done $0x0  }
0x10d: {  	[sflag:s16] =	ssyncadd.s32 $0xFFFFFF80  }
0x10e: {  	_ =	swait.ge [sflag:s17], $0x80  }
0x10f: {  	[sflag:s17] =	ssyncset.done $0x0  }
0x110: {  	[sflag:s17] =	ssyncadd.s32 $0xFFFFFF80  }
0x111: {  	[tilespmem:s18], [sflag:$0xA] =	stream.indirect.gather [hbm4b:s6+s29], $0x80, s29, s29, $0xb8;
	[tilespmem:$0x1CA00] =	vst v63  }
0x112: {  	v12 =	vld [tilespmem:$0x370]  }
0x113: {  	v13 =	vld [tilespmem:$0x340]  }
0x114: {  	v14 =	vld [tilespmem:$0x350]  }
0x115: {  	v15 =	vld [tilespmem:$0x240]  }
0x116: {  	v42 =	vld [tilespmem:$0x320]  }
0x117: {  	v44 =	vld [tilespmem:$0x220]  }
0x118: {  	v45 =	vld [tilespmem:$0x210]  }
0x119: {  	v46 =	vld [tilespmem:$0x270]  }
0x11a: {  	v47 =	vld [tilespmem:$0x310]  }
0x11b: {  	v48 =	vld [tilespmem:$0x300]  }
0x11c: {  	v43 =	vld [tilespmem:$0x250];
	v12 =	vmul.f32 v12, v11  }
0x11d: {  	v50 =	vld [tilespmem:$0x200];
	v16 =	vmul.f32 v42, v11;
	v18 =	vmul.f32 v44, v10  }
0x11e: {  	v49 =	vld [tilespmem:$0x360];
	v19 =	vmul.f32 v45, v10;
	v20 =	vmul.f32 v46, v10  }
0x11f: {  	v51 =	vld [tilespmem:$0x260];
	v21 =	vmul.f32 v47, v11;
	v14 =	vmul.f32 v14, v11  }
0x120: {  	v55 =	vld [tilespmem:$0x330];
	v22 =	vmul.f32 v48, v11;
	v15 =	vmul.f32 v15, v10  }
0x121: {  	v13 =	vmul.f32 v13, v11;
	v17 =	vmul.f32 v43, v10  }
0x122: {  	v54 =	vld [tilespmem:$0x230];
	v57 =	vmul.f32 v50, v10;
	v16 =	vadd.f32 v16, v18;
	v12 =	vadd.f32 v12, v20  }
0x123: {  	v56 =	vmul.f32 v49, v11;
	v19 =	vadd.f32 v21, v19;
	v13 =	vadd.f32 v13, v15  }
0x124: {  	v18 =	vmul.f32 v51, v10;
	v14 =	vadd.f32 v14, v17;
	v22 =	vadd.f32 v22, v57  }
0x125: {  	v52 =	vld [tilespmem:$0x150];
	v20 =	vmul.f32 v55, v11;
	vm7 =	vlt.f32 v16, $0.0e+00;
	vm8 =	vgt.f32 v16, $0.0e+00  }
0x126: {  	v53 =	vld [tilespmem:$0x120];
	vm9 =	vlt.f32 v19, $0.0e+00;
	vm10 =	vgt.f32 v19, $0.0e+00;
	vm11 =	vlt.f32 v13, $0.0e+00  }
0x127: {  	v15 =	vld [tilespmem:$0x140];
	vm12 =	vgt.f32 v13, $0.0e+00;
	v16 =	vmul.f32 v54, v10;
	vm13 =	vlt.f32 v14, $0.0e+00  }
0x128: {  	v61 =	vld [tilespmem:$0x170];
	vm14 =	vgt.f32 v14, $0.0e+00;
	v18 =	vadd.f32 v56, v18;
	vm0 =	vmor vm8, vm7  }
0x129: {  	v58 =	vld [tilespmem:$0x110];
	vm3 =	vmor vm12, vm11;
	vm15 =	vmor vm14, vm13;
	vm1 =	vmor vm10, vm9  }
0x12a: {  	v13 =	vld [tilespmem:$0x160];
	vm8 =	vgt.f32 v12, $0.0e+00;
	vm12 =	vlt.f32 v12, $0.0e+00;
	v60 =	vsel vm15, v52, v7  }
0x12b: {  	v14 =	vld [tilespmem:$0x130];
	v62 =	vsel vm0, v53, v4;
	vm9 =	vgt.f32 v18, $0.0e+00;
	vm11 =	vlt.f32 v18, $0.0e+00;
	[tilespmem:$0x8550] =	vst v60  }
0x12c: {  	v59 =	vld [tilespmem:$0x100];
	v12 =	vadd.f32 v20, v16;
	vm2 =	vmor vm8, vm12;
	v15 =	vsel vm3, v15, v6;
	[tilespmem:$0x8520] =	vst v62  }
0x12d: {  	vm10 =	vgt.f32 v22, $0.0e+00;
	vm0 =	vmor vm9, vm11;
	v63 =	vsel vm2, v61, v9;
	[tilespmem:$0x8540] =	vst v15  }
0x12e: {  	v15 =	vsel vm1, v58, v3;
	vm14 =	vlt.f32 v12, $0.0e+00;
	vm15 =	vgt.f32 v12, $0.0e+00;
	[tilespmem:$0x8570] =	vst v63  }
0x12f: {  	vm13 =	vlt.f32 v22, $0.0e+00;
	v13 =	vsel vm0, v13, v8;
	[tilespmem:$0x8510] =	vst v15;
	vm1 =	vmor vm15, vm14  }
0x130: {  	vm0 =	vmor vm10, vm13;
	v14 =	vsel vm1, v14, v5;
	[tilespmem:$0x8560] =	vst v13  }
0x131: {  	v12 =	vsel vm0, v59, v2;
	[tilespmem:$0x8530] =	vst v14  }
0x132: {  	[tilespmem:$0x8500] =	vst v12  }
0x133: {  	_ =	swait.ge [sflag:s19], $0x4000  }
0x134: {  	s26 =	smov.u32 s25;
	[sflag:s19] =	ssyncset.done $0x0  }
0x135: {  	s26 =	sadd.s32 s26, s10;
	s20 =	simm.s32 $0x8500;
	[sflag:s19] =	ssyncadd.s32 $0xFFFFC000  }
0x136: {  	[spmem:s9] =	stream.indirect.scatter.add.f32 [tilespmem:s13], [sflag:$0xB], $0x80, s20, s29, $0xb8;
	[tilespmem:$0x1CA00] =	vst v63  }
0x137: {  	s28 =	sadd.s32 $0xA00, s26;
	_ =	swait.ge [sflag:s23], $0x4000  }
0x138: {  	s26 =	sadd.s32 $0xA20, s26;
	p1 =	slt.s32 s28, $0x9C3;
	[sflag:s23] =	ssyncset.done $0x0  }
0x139: {  	p2 =	slt.s32 s26, $0x9C3;
	s28 =	simm.s32 @!p1 $0x9C3;
	[sflag:s23] =	ssyncadd.s32 $0xFFFFC000  }
0x13a: {  	s26 =	simm.s32 @!p2 $0x9C3;
	s31 =	sshll.u32 s28, $0x5;
	s20 =	rddreg [dreg:$0x0]  }
0x13b: {  	s2 =	sshll.u32 s28, $0x4;
	s30 =	sshll.u32 s26, $0x5;
	s20 =	sadd.s32 s20, s31  }
0x13c: {  	[tilespmem:s8], [sflag:$0x1] =	stream.linear.gather [hbm4b:s20+s8], $0x80, $0x38;
	[tilespmem:$0x1CA00] =	vst v63  }
0x13d: {  	s28 =	sshll.u32 s26, $0x4;
	s26 =	sadd.s32 s31, s12;
	s31 =	simm.s32 $0x100  }
0x13e: {  	[tilespmem:s31], [sflag:$0x3] =	stream.linear.gather [hbm4b:s26+s8], $0x80, $0x38;
	[tilespmem:$0x1CA00] =	vst v63  }
0x13f: {  	s26 =	sadd.s32 s3, s2  }
0x140: {  	[tilespmem:s22], [sflag:$0x5] =	stream.linear.gather [hbm4b:s26+s8], $0x80, $0x38;
	[tilespmem:$0x1CA00] =	vst v63  }
0x141: {  	s2 =	sadd.s32 s5, s2  }
0x142: {  	[tilespmem:s0], [sflag:$0x7] =	stream.linear.gather [hbm4b:s2+s8], $0x80, $0x38;
	[tilespmem:$0x1CA00] =	vst v63  }
0x143: {  	s20 =	rddreg [dreg:$0x0];
	_ =	swait.ge [sflag:s4], $0x80  }
0x144: {  	[sflag:s4] =	ssyncset.done $0x0  }
0x145: {  	[sflag:s4] =	ssyncadd.s32 $0xFFFFFF80  }
0x146: {  	_ =	swait.ge [sflag:s24], $0x80  }
0x147: {  	[sflag:s24] =	ssyncset.done $0x0  }
0x148: {  	[sflag:s24] =	ssyncadd.s32 $0xFFFFFF80  }
0x149: {  	_ =	swait.ge [sflag:s7], $0x80  }
0x14a: {  	[sflag:s7] =	ssyncset.done $0x0  }
0x14b: {  	[sflag:s7] =	ssyncadd.s32 $0xFFFFFF80  }
0x14c: {  	_ =	swait.ge [sflag:s11], $0x80  }
0x14d: {  	p0 =	sne.s32 s25, $0xFFFFFFC0;
	[sflag:s11] =	ssyncset.done $0x0  }
.Ltmp1:
0x14e: {  	[sflag:s11] =	ssyncadd.s32 $0xFFFFFF80;
	(pc) =	sbr.rel @p0 .LBB2_4-.Ltmp1, $4  }
0x14f: {  	[tilespmem:s13], [sflag:$0x9] =	stream.indirect.gather [hbm4b:s6+s29], $0x80, s8, s29, $0xb8;
	[tilespmem:$0x1CA00] =	vst v63  }
0x150: {  	v14 =	vld [tilespmem:$0x2D0]  }
0x151: {  	v13 =	vld [tilespmem:$0x3D0]  }
0x152: {  	s25 =	sadd.s32 $0x40, s25;
	v12 =	vld [tilespmem:$0x1C0]  }
0x153: {  	v15 =	vld [tilespmem:$0x3C0]  }
0x154: {  	v16 =	vld [tilespmem:$0x2A0]  }
0x155: {  	v17 =	vld [tilespmem:$0x2C0]  }
0x156: {  	v18 =	vld [tilespmem:$0x2B0]  }
0x157: {  	v19 =	vld [tilespmem:$0x290]  }
0x158: {  	v20 =	vld [tilespmem:$0x380]  }
0x159: {  	v21 =	vld [tilespmem:$0x390]  }
0x15a: {  	v22 =	vld [tilespmem:$0x3A0]  }
0x15b: {  	v23 =	vld [tilespmem:$0x280]  }
0x15c: {  	v24 =	vld [tilespmem:$0x3B0];
	v14 =	vmul.f32 v14, v10  }
0x15d: {  	v48 =	vld [tilespmem:$0x2F0];
	v13 =	vmul.f32 v13, v11;
	v15 =	vmul.f32 v15, v11  }
0x15e: {  	v50 =	vld [tilespmem:$0x2E0];
	v17 =	vmul.f32 v17, v10;
	v16 =	vmul.f32 v16, v10  }
0x15f: {  	v25 =	vld [tilespmem:$0x3E0];
	v18 =	vmul.f32 v18, v10;
	v46 =	vmul.f32 v19, v10  }
0x160: {  	v47 =	vmul.f32 v21, v11;
	v20 =	vmul.f32 v20, v11  }
0x161: {  	v22 =	vmul.f32 v22, v11;
	v49 =	vmul.f32 v23, v10  }
0x162: {  	v51 =	vmul.f32 v24, v11;
	v13 =	vadd.f32 v13, v14;
	v21 =	vmul.f32 v48, v10  }
0x163: {  	v52 =	vld [tilespmem:$0x3F0];
	v57 =	vmul.f32 v50, v10;
	v15 =	vadd.f32 v15, v17;
	v17 =	vadd.f32 v47, v46  }
0x164: {  	v59 =	vmul.f32 v25, v11;
	v16 =	vadd.f32 v22, v16;
	v53 =	vadd.f32 v51, v18  }
0x165: {  	v54 =	vld [tilespmem:$0x1D0];
	vm14 =	vlt.f32 v13, $0.0e+00;
	vm15 =	vgt.f32 v13, $0.0e+00;
	vm0 =	vlt.f32 v15, $0.0e+00  }
0x166: {  	v55 =	vld [tilespmem:$0x1A0];
	vm1 =	vgt.f32 v15, $0.0e+00;
	v15 =	vadd.f32 v20, v49;
	vm13 =	vlt.f32 v17, $0.0e+00  }
0x167: {  	v56 =	vld [tilespmem:$0x190];
	vm2 =	vgt.f32 v17, $0.0e+00;
	vm5 =	vlt.f32 v16, $0.0e+00;
	vm6 =	vgt.f32 v16, $0.0e+00  }
0x168: {  	v58 =	vld [tilespmem:$0x1B0];
	v20 =	vmul.f32 v52, v11;
	vm9 =	vlt.f32 v53, $0.0e+00;
	vm10 =	vgt.f32 v53, $0.0e+00  }
0x169: {  	vm0 =	vmor vm1, vm0;
	vm1 =	vmor vm2, vm13;
	vm2 =	vmor vm15, vm14  }
0x16a: {  	v60 =	vld [tilespmem:$0x180];
	vm8 =	vmor vm6, vm5;
	vm12 =	vmor vm10, vm9;
	v17 =	vsel vm2, v54, v7  }
0x16b: {  	v61 =	vld [tilespmem:$0x1F0];
	vm3 =	vgt.f32 v15, $0.0e+00;
	vm4 =	vlt.f32 v15, $0.0e+00;
	v62 =	vsel vm8, v55, v4;
	[tilespmem:$0x85D0] =	vst v17  }
0x16c: {  	v63 =	vld [tilespmem:$0x1E0];
	v15 =	vadd.f32 v59, v57;
	v21 =	vadd.f32 v20, v21;
	v24 =	vsel vm1, v56, v3;
	[tilespmem:$0x85A0] =	vst v62  }
0x16d: {  	v12 =	vsel vm0, v12, v6;
	v13 =	vsel vm12, v58, v5;
	vm3 =	vmor vm3, vm4;
	[tilespmem:$0x8590] =	vst v24  }
0x16e: {  	[tilespmem:$0x85C0] =	vst v12;
	vm11 =	vlt.f32 v15, $0.0e+00;
	vm13 =	vlt.f32 v21, $0.0e+00;
	vm14 =	vgt.f32 v21, $0.0e+00  }
0x16f: {  	[tilespmem:$0x85B0] =	vst v13;
	vm15 =	vgt.f32 v15, $0.0e+00;
	v25 =	vsel vm3, v60, v2;
	vm0 =	vmor vm14, vm13  }
0x170: {  	vm1 =	vmor vm15, vm11;
	[tilespmem:$0x8580] =	vst v25;
	v26 =	vsel vm0, v61, v9  }
0x171: {  	v27 =	vsel vm1, v63, v8;
	[tilespmem:$0x85F0] =	vst v26  }
0x172: {  	[tilespmem:$0x85E0] =	vst v27  }
0x173: {  	_ =	swait.ge [sflag:s21], $0x4000  }
0x174: {  	[sflag:s21] =	ssyncset.done $0x0  }
0x175: {  	s1 =	simm.s32 $0x8580;
	[sflag:s21] =	ssyncadd.s32 $0xFFFFC000  }
0x176: {  	[spmem:s9] =	stream.indirect.scatter.add.f32 [tilespmem:s18], [sflag:$0xB], $0x80, s1, s29, $0xb8;
	[tilespmem:$0x1CA00] =	vst v63  }
0x177: {  	_ =	swait.ge [sflag:s23], $0x4000  }
0x178: {  	[sflag:s23] =	ssyncset.done $0x0  }
0x179: {  	s2 =	sadd.s32 s20, s30;
	[sflag:s23] =	ssyncadd.s32 $0xFFFFC000  }
0x17a: {  	[tilespmem:s29], [sflag:$0x2] =	stream.linear.gather [hbm4b:s2+s8], $0x80, $0x38;
	[tilespmem:$0x1CA00] =	vst v63  }
0x17b: {  	s26 =	sadd.s32 s30, s12;
	s0 =	simm.s32 $0x180  }
0x17c: {  	[tilespmem:s0], [sflag:$0x4] =	stream.linear.gather [hbm4b:s26+s8], $0x80, $0x38;
	[tilespmem:$0x1CA00] =	vst v63  }
0x17d: {  	s20 =	sadd.s32 s3, s28;
	s22 =	simm.s32 $0x280  }
0x17e: {  	[tilespmem:s22], [sflag:$0x6] =	stream.linear.gather [hbm4b:s20+s8], $0x80, $0x38;
	[tilespmem:$0x1CA00] =	vst v63  }
0x17f: {  	s25 =	sadd.s32 s5, s28;
	s26 =	simm.s32 $0x380  }
0x180: {  	[tilespmem:s26], [sflag:$0x8] =	stream.linear.gather [hbm4b:s25+s8], $0x80, $0x38;
	[tilespmem:$0x1CA00] =	vst v63  }
0x181: {  	_ =	swait.ge [sflag:s14], $0x80  }
0x182: {  	[sflag:s14] =	ssyncset.done $0x0  }
0x183: {  	[sflag:s14] =	ssyncadd.s32 $0xFFFFFF80  }
0x184: {  	_ =	swait.ge [sflag:s15], $0x80  }
0x185: {  	[sflag:s15] =	ssyncset.done $0x0  }
0x186: {  	[sflag:s15] =	ssyncadd.s32 $0xFFFFFF80  }
0x187: {  	_ =	swait.ge [sflag:s16], $0x80  }
0x188: {  	[sflag:s16] =	ssyncset.done $0x0  }
0x189: {  	[sflag:s16] =	ssyncadd.s32 $0xFFFFFF80  }
0x18a: {  	_ =	swait.ge [sflag:s17], $0x80  }
0x18b: {  	[sflag:s17] =	ssyncset.done $0x0  }
0x18c: {  	[sflag:s17] =	ssyncadd.s32 $0xFFFFFF80  }
0x18d: {  	[tilespmem:s18], [sflag:$0xA] =	stream.indirect.gather [hbm4b:s6+s29], $0x80, s29, s29, $0xb8;
	[tilespmem:$0x1CA00] =	vst v63  }
0x18e: {  	v28 =	vld [tilespmem:$0x200]  }
0x18f: {  	v29 =	vld [tilespmem:$0x300]  }
0x190: {  	v30 =	vld [tilespmem:$0x210]  }
0x191: {  	v31 =	vld [tilespmem:$0x310]  }
0x192: {  	v32 =	vld [tilespmem:$0x220]  }
0x193: {  	v33 =	vld [tilespmem:$0x320]  }
0x194: {  	v34 =	vld [tilespmem:$0x230]  }
0x195: {  	v35 =	vld [tilespmem:$0x330]  }
0x196: {  	v41 =	vld [tilespmem:$0x240]  }
0x197: {  	v42 =	vld [tilespmem:$0x340]  }
0x198: {  	v47 =	vld [tilespmem:$0x260];
	v12 =	vmul.f32 v28, v10  }
0x199: {  	v50 =	vld [tilespmem:$0x360];
	v13 =	vmul.f32 v29, v11;
	v14 =	vmul.f32 v30, v10  }
0x19a: {  	v46 =	vld [tilespmem:$0x350];
	v15 =	vmul.f32 v31, v11;
	v39 =	vmul.f32 v32, v10  }
0x19b: {  	v52 =	vld [tilespmem:$0x370];
	v40 =	vmul.f32 v33, v11;
	v18 =	vmul.f32 v34, v10  }
0x19c: {  	v19 =	vmul.f32 v35, v11;
	v17 =	vmul.f32 v41, v10  }
0x19d: {  	v44 =	vld [tilespmem:$0x250];
	v22 =	vmul.f32 v42, v11;
	v55 =	vmul.f32 v47, v10  }
0x19e: {  	v51 =	vld [tilespmem:$0x270];
	v16 =	vmul.f32 v50, v11;
	v12 =	vadd.f32 v13, v12;
	v14 =	vadd.f32 v15, v14  }
0x19f: {  	v15 =	vadd.f32 v40, v39;
	v45 =	vadd.f32 v19, v18;
	v18 =	vmul.f32 v46, v11  }
0x1a0: {  	v11 =	vmul.f32 v52, v11;
	v12 =	vmul.f32 v12, v0  }
0x1a1: {  	v17 =	vadd.f32 v22, v17;
	v43 =	vmul.f32 v14, v0;
	v48 =	vmul.f32 v15, v0  }
0x1a2: {  	v58 =	vadd.f32 v16, v55;
	v49 =	vmul.f32 v45, v0;
	v14 =	vmul.f32 v44, v10  }
0x1a3: {  	v36 =	vld [tilespmem:$0x100];
	v17 =	vmul.f32 v17, v0;
	v10 =	vmul.f32 v51, v10;
	vm8 =	vlt.f32 v12, $0.0e+00  }
0x1a4: {  	v53 =	vld [tilespmem:$0x130];
	vm9 =	vgt.f32 v12, $0.0e+00;
	vm10 =	vlt.f32 v43, $0.0e+00;
	vm11 =	vgt.f32 v43, $0.0e+00  }
0x1a5: {  	v54 =	vld [tilespmem:$0x140];
	vm12 =	vlt.f32 v48, $0.0e+00;
	vm13 =	vgt.f32 v48, $0.0e+00;
	vm14 =	vlt.f32 v49, $0.0e+00  }
0x1a6: {  	v37 =	vld [tilespmem:$0x110];
	vm15 =	vgt.f32 v49, $0.0e+00;
	v14 =	vadd.f32 v18, v14;
	vm5 =	vlt.f32 v17, $0.0e+00  }
0x1a7: {  	v38 =	vld [tilespmem:$0x120];
	vm6 =	vgt.f32 v17, $0.0e+00;
	v10 =	vadd.f32 v11, v10;
	v11 =	vmul.f32 v58, v0  }
0x1a8: {  	vm0 =	vmor vm9, vm8;
	vm4 =	vmor vm15, vm14;
	vm7 =	vmor vm6, vm5  }
0x1a9: {  	v60 =	vld [tilespmem:$0x160];
	v13 =	vsel vm0, v36, v2;
	vm0 =	vmor vm11, vm10;
	v57 =	vmul.f32 v14, v0  }
0x1aa: {  	v56 =	vld [tilespmem:$0x150];
	v59 =	vsel vm4, v53, v5;
	v62 =	vsel vm7, v54, v6;
	v10 =	vmul.f32 v10, v0;
	[tilespmem:$0x8500] =	vst v13  }
0x1ab: {  	v61 =	vld [tilespmem:$0x170];
	vm11 =	vlt.f32 v11, $0.0e+00;
	v20 =	vsel vm0, v37, v3;
	vm0 =	vmor vm13, vm12;
	[tilespmem:$0x8530] =	vst v59  }
0x1ac: {  	vm12 =	vgt.f32 v11, $0.0e+00;
	[tilespmem:$0x8540] =	vst v62;
	v21 =	vsel vm0, v38, v4;
	vm8 =	vlt.f32 v57, $0.0e+00  }
0x1ad: {  	[tilespmem:$0x8510] =	vst v20;
	vm9 =	vgt.f32 v57, $0.0e+00;
	vm0 =	vmor vm12, vm11;
	vm13 =	vlt.f32 v10, $0.0e+00  }
0x1ae: {  	vm14 =	vgt.f32 v10, $0.0e+00;
	[tilespmem:$0x8520] =	vst v21;
	vm10 =	vmor vm9, vm8;
	v10 =	vsel vm0, v60, v8  }
0x1af: {  	vm15 =	vmor vm14, vm13;
	v63 =	vsel vm10, v56, v7;
	[tilespmem:$0x8560] =	vst v10  }
0x1b0: {  	v10 =	vsel vm15, v61, v9;
	[tilespmem:$0x8550] =	vst v63  }
0x1b1: {  	[tilespmem:$0x8570] =	vst v10  }
0x1b2: {  	_ =	swait.ge [sflag:s19], $0x4000  }
0x1b3: {  	[sflag:s19] =	ssyncset.done $0x0  }
0x1b4: {  	s2 =	simm.s32 $0x8500;
	[sflag:s19] =	ssyncadd.s32 $0xFFFFC000  }
0x1b5: {  	[spmem:s9] =	stream.indirect.scatter.add.f32 [tilespmem:s13], [sflag:$0xB], $0x80, s2, s29, $0xb8;
	[tilespmem:$0x1CA00] =	vst v63  }
0x1b6: {  	_ =	swait.ge [sflag:s23], $0x4000  }
0x1b7: {  	[sflag:s23] =	ssyncset.done $0x0  }
0x1b8: {  	[sflag:s23] =	ssyncadd.s32 $0xFFFFC000  }
0x1b9: {  	[tilespmem:$0x8580] =	vst v2  }
0x1ba: {  	[tilespmem:$0x8590] =	vst v3  }
0x1bb: {  	[tilespmem:$0x85A0] =	vst v4  }
0x1bc: {  	[tilespmem:$0x85B0] =	vst v5  }
0x1bd: {  	[tilespmem:$0x85C0] =	vst v6  }
0x1be: {  	[tilespmem:$0x85D0] =	vst v7  }
0x1bf: {  	[tilespmem:$0x85E0] =	vst v8  }
0x1c0: {  	[tilespmem:$0x85F0] =	vst v9  }
0x1c1: {  	_ =	swait.ge [sflag:s21], $0x4000  }
0x1c2: {  	[sflag:s21] =	ssyncset.done $0x0  }
0x1c3: {  	[sflag:s21] =	ssyncadd.s32 $0xFFFFC000  }
0x1c4: {  	[spmem:s9] =	stream.indirect.scatter.add.f32 [tilespmem:s18], [sflag:$0xB], $0x80, s1, s29, $0xb8;
	[tilespmem:$0x1CA00] =	vst v63  }
0x1c5: {  	_ =	swait.ge [sflag:s23], $0x4000  }
0x1c6: {  	[sflag:s23] =	ssyncset.done $0x0  }
0x1c7: {  	[sflag:s23] =	ssyncadd.s32 $0xFFFFC000  }
0x1c8: {  	s20 =	stileid.u32;
	[bflag:$0x0] =	sbarrier.arrive $0xFFFF  }
0x1c9: {  	s2 =	sshll.u32 s20, $0x6;
	s30 =	rddreg [dreg:$0x12]  }
0x1ca: {  	s2 =	sor.u32 $0x1C0B, s2;
	s25 =	rddreg [dreg:$0x10];
	s22 =	sshrl.u32 s30, $0x3  }
0x1cb: {  	[hbm:s25], [sflag:s2] =	dma.local [spmem:s22], $0x2800  }
0x1cc: {  	_ =	swait.ge [sflag:s23], $0x2800  }
0x1cd: {  	s25 =	rddreg [dreg:$0x13]  }
0x1ce: {  	s26 =	rddreg [dreg:$0x11];
	s20 =	sadd.s32 $0x1, s25  }
0x1cf: {  	p0 =	sne.s32 s20, s26  }
.Ltmp2:
0x1d0: {  	_ = 	snop;
	(pc) =	sbr.rel @p0 .LBB2_1-.Ltmp2, $4  }
0x1d1: {  	_ = 	snop  }
0x1d2: {  	s28 =	smov.u32 s9  }
0x1d3: {  	s0 =	simm.s32 $0x300;
	s9 =	smov.u32 s10;
	[sflag:s23] =	ssyncset.done $0x0  }
0x1d4: {  	s2 =	simm.s32 $0x8600;
	s22 =	simm.s32 $0x200;
	[sflag:s23] =	ssyncadd.s32 $0xFFFFD800  }
0x1d5: {  	_ =	sfence.sel $0x180000  }
0x1d6: {  	[bflag:$0x0] =	sbarrier.arrive $0xFFFF  }
0x1d7: {  	_ =	strace $0x90000047  }
0x1d8: {  	s0 =	stileid.u32;
	[bflag:$0x2] =	sbarrier.arrive $0xFFFF  }
0x1d9: {  	p0 =	sne.s32 s0, $0x0;
	s0 =	rddreg [dreg:$0x7]  }
0x1da: {  	s0 =	sadd.s32 @!p0 $0x100000, s0  }
0x1db: {  	[sflag:s0] =	ssyncadd.tile.s32 @!p0 $0x1;
	_ =	shalt  }
.Lfunc_end2:
_tile_overlayer_lowered:
.L_overlay_start_2:
0x1dc: {  	(tag) =	ssettag $0x2  }
0x1dd: {  	s0 =	rddreg [dreg:$0x0];
	s2 =	stileid.u32  }
0x1de: {  	s1 =	rddreg [dreg:$0x1];
	p0 =	sne.s32 s2, $0x0  }
0x1df: {  	s3 =	rddreg [dreg:$0x2];
	[bflag:$0x3] =	sbarrier.arrive $0xFFFF;
	s2 =	simm.s32 @!p0 $0x1C0B  }
0x1e0: {  	[timem:s3], [sflag:s2] =	dma.local @!p0 [hbm:s0], s1  }
0x1e1: {  	s0 =	simm.s32 @!p0 $0xB  }
0x1e2: {  	_ =	swait.ge @!p0 [sflag:s0], s1  }
0x1e3: {  	s1 =	ssub.s32 @!p0 $0x0, s1;
	[sflag:s0] =	ssyncset.done @!p0 $0x0  }
0x1e4: {  	[sflag:s0] =	ssyncadd.s32 @!p0 s1  }
0x1e5: {  	[bflag:$0x3] =	sbarrier.arrive $0xFFFF  }
0x1e6: {  	_ =	shalt  }

</sc_bundles>
